<compile_context>
chip_gen: v7x
topology: tpu7x:2x2x1
jax: 0.10.2.dev20260603
libtpu: 0.0.44.dev20260713+nightly
codegen_flags: <defaults>
</compile_context>

<pallas_src>
import functools

import jax
import jax.numpy as jnp
import numpy as np
from jax import lax
from jax.experimental import pallas as pl
from jax.experimental.pallas import tpu as pltpu
from jax.experimental.pallas import tpu_sc as plsc

F = 128
S = 10
NUM_RADIAL = 8
R_MAX = 5.0
INV_SQRT_AVG_NEIGH = float(1.0 / np.sqrt(32.0))

NC = 2
NS = 16
CHUNK = 80

EDGE_BLK = 1280


def _edge_body(vt, wr1t0, wr2t0, wangt0, wr1t1, wr2t1, wangt1, o0, o1):
    v = vt[...]
    x = v[0:1, :]
    y = v[1:2, :]
    z = v[2:3, :]
    l2 = x * x + y * y + z * z + 1e-18
    lengths = jnp.sqrt(l2)
    inv_len = 1.0 / lengths
    ux = x * inv_len
    uy = y * inv_len
    uz = z * inv_len
    xs = lengths * (1.0 / R_MAX)
    n = (lax.broadcasted_iota(jnp.int32, (NUM_RADIAL, 1), 0) + 1
         ).astype(jnp.float32)
    bessel = (np.sqrt(2.0 / R_MAX) * jnp.sin(n * (np.pi * xs))) / (lengths + 1e-9)
    xs5 = (xs * xs) * (xs * xs) * xs
    env = 1.0 + xs5 * (-21.0 + xs * (35.0 - 15.0 * xs))
    env = jnp.where(xs < 1.0, env, 0.0)
    radT = bessel * env
    angT = jnp.concatenate(
        [jnp.ones_like(x), ux, uy, uz,
         ux * ux, ux * uy, ux * uz, uy * uy, uy * uz, uz * uz,
         ux * ux * ux, ux * ux * uy, ux * ux * uz, ux * uy * uy,
         ux * uy * uz, ux * uz * uz, uy * uy * uy, uy * uy * uz,
         uy * uz * uz, uz * uz * uz],
        axis=0)
    for wr1t, wr2t, wangt, o in ((wr1t0, wr2t0, wangt0, o0),
                                 (wr1t1, wr2t1, wangt1, o1)):
        t = jnp.dot(wr1t[...], radT, preferred_element_type=jnp.float32)
        t = t * jax.nn.sigmoid(t)
        rwT = jnp.dot(wr2t[...], t, preferred_element_type=jnp.float32)
        awT = jnp.dot(wangt[...], angT, preferred_element_type=jnp.float32)
        rwawT = rwT * awT
        lo = rwawT[0:F // 2, :].astype(jnp.bfloat16).astype(jnp.float32)
        hi = rwawT[F // 2:F, :].astype(jnp.bfloat16).astype(jnp.float32)
        lo_i = lax.bitcast_convert_type(lo, jnp.int32)
        hi_i = lax.bitcast_convert_type(hi, jnp.int32)
        packed = lax.shift_right_logical(lo_i, 16) | (hi_i & jnp.int32(-65536))
        o[...] = packed.T


def _edge_weights(vt, p):
    E = vt.shape[1]
    wspec = lambda shp: pl.BlockSpec(shp, lambda i: (0, 0))
    return pl.pallas_call(
        _edge_body,
        grid=(E // EDGE_BLK,),
        in_specs=[
            pl.BlockSpec((8, EDGE_BLK), lambda i: (0, i)),
            wspec((64, NUM_RADIAL)), wspec((F, 64)), wspec((F, 20)),
            wspec((64, NUM_RADIAL)), wspec((F, 64)), wspec((F, 20)),
        ],
        out_specs=[pl.BlockSpec((EDGE_BLK, F // 2), lambda i: (i, 0))] * 2,
        out_shape=[jax.ShapeDtypeStruct((E, F // 2), jnp.int32)] * 2,
    )(vt,
      p["Wr1_0"].T, p["Wr2_0"].T, p["W_ang0"].T,
      p["Wr1_1"].T, p["Wr2_1"].T, p["W_ang1"].T)


def _onehot(spec_ref):
    return (spec_ref[...] == lax.broadcasted_iota(jnp.int32, (1, S), 1)
            ).astype(jnp.float32)


def _node0_body(spec, emb, wlin, hl_out):
    oh = _onehot(spec)
    h = jnp.dot(oh, emb[...], preferred_element_type=jnp.float32)
    hl_out[...] = jnp.dot(h, wlin[...], preferred_element_type=jnp.float32)


def _node0(spec2d, p):
    N = spec2d.shape[0]
    return pl.pallas_call(
        _node0_body,
        out_shape=jax.ShapeDtypeStruct((N, F), jnp.float32),
    )(spec2d, p["emb"], p["W_lin0"])


def _node1_body(aggp, spec, skip, c2t, c3t, wprod, wro, wlin_next,
                h1_out, hl1_out, out0_out):
    agg = (aggp[0] + aggp[1]) * INV_SQRT_AVG_NEIGH
    oh = _onehot(spec)
    agg = agg * jnp.dot(oh, skip[...], preferred_element_type=jnp.float32)
    c2 = jnp.dot(oh, c2t[...], preferred_element_type=jnp.float32)
    c3 = jnp.dot(oh, c3t[...], preferred_element_type=jnp.float32)
    poly = agg * (1.0 + agg * (c2 + c3 * agg))
    h1 = jnp.dot(poly, wprod[...], preferred_element_type=jnp.float32)
    h1_out[...] = h1
    hl1_out[...] = jnp.dot(h1, wlin_next[...], preferred_element_type=jnp.float32)
    out0_out[...] = jnp.dot(h1, wro[...], preferred_element_type=jnp.float32)


def _node1(aggp, spec2d, p):
    N = spec2d.shape[0]
    return pl.pallas_call(
        _node1_body,
        out_shape=[
            jax.ShapeDtypeStruct((N, F), jnp.float32),
            jax.ShapeDtypeStruct((N, F), jnp.float32),
            jax.ShapeDtypeStruct((N, 1), jnp.float32),
        ],
    )(aggp, spec2d, p["skip0"], p["c2_0"], p["c3_0"],
      p["W_prod0"], p["W_ro0"], p["W_lin1"])


def _node2_body(aggp, h1, spec, skip, c2t, c3t, wprod, wmlp, wro, out1_out):
    agg = (aggp[0] + aggp[1]) * INV_SQRT_AVG_NEIGH
    oh = _onehot(spec)
    sc = h1[...] * jnp.dot(oh, skip[...], preferred_element_type=jnp.float32)
    c2 = jnp.dot(oh, c2t[...], preferred_element_type=jnp.float32)
    c3 = jnp.dot(oh, c3t[...], preferred_element_type=jnp.float32)
    poly = agg * (1.0 + agg * (c2 + c3 * agg))
    h2 = jnp.dot(poly, wprod[...], preferred_element_type=jnp.float32) + sc
    zz = jnp.dot(h2, wmlp[...], preferred_element_type=jnp.float32)
    zz = zz * jax.nn.sigmoid(zz)
    out1_out[...] = jnp.dot(zz, wro[...], preferred_element_type=jnp.float32)


def _node2(aggp, h1, spec2d, p):
    N = spec2d.shape[0]
    return pl.pallas_call(
        _node2_body,
        out_shape=jax.ShapeDtypeStruct((N, 1), jnp.float32),
    )(aggp, h1, spec2d, p["skip1"], p["c2_1"], p["c3_1"],
      p["W_prod1"], p["W_mlp1"], p["W_ro1"])


def _sc_gather_scatter(hl, send1d, recv1d, rwaw):
    N = hl.shape[0]
    E = rwaw.shape[0]
    NW = NC * NS
    per_w = E // NW
    assert per_w * NW == E and per_w % CHUNK == 0
    n_chunks = per_w // CHUNK
    ra = (N // NS) & ~7
    tail = N - ra * NS
    assert tail % 8 == 0 and 0 <= tail

    mesh = plsc.VectorSubcoreMesh(core_axis_name="c", subcore_axis_name="s",
                                  num_cores=NC, num_subcores=NS)

    @functools.partial(
        pl.kernel,
        out_type=jax.ShapeDtypeStruct((NC, N, F), jnp.float32),
        mesh=mesh,
        compiler_params=pltpu.CompilerParams(needs_layout_passes=False),
        scratch_types=[
            pltpu.VMEM((CHUNK,), jnp.int32),
            pltpu.VMEM((CHUNK,), jnp.int32),
            pltpu.VMEM((CHUNK,), jnp.int32),
            pltpu.VMEM((CHUNK,), jnp.int32),
            pltpu.VMEM((CHUNK, F), jnp.float32),
            pltpu.VMEM((CHUNK, F), jnp.float32),
            pltpu.VMEM((CHUNK, F // 2), jnp.int32),
            pltpu.VMEM((CHUNK, F // 2), jnp.int32),
            pltpu.VMEM_SHARED((N, F), jnp.float32),
            pltpu.SemaphoreType.DMA,
            pltpu.SemaphoreType.DMA,
            pltpu.SemaphoreType.DMA,
            pltpu.SemaphoreType.DMA,
            pltpu.SemaphoreType.DMA,
            pltpu.SemaphoreType.DMA,
            pltpu.SemaphoreType.DMA,
            pltpu.SemaphoreType.DMA,
            pltpu.SemaphoreType.DMA,
            pltpu.SemaphoreType.DMA,
        ],
    )
    def k(hl_hbm, send_hbm, recv_hbm, rwaw_hbm, out_hbm,
          sidx0, sidx1, ridx0, ridx1, rows0, rows1, wbuf0, wbuf1, acc,
          si0, si1, sr0, sr1, sg0, sg1, sw0, sw1, ss0, ss1):
        c = lax.axis_index("c")
        s = lax.axis_index("s")
        gid = c * NS + s

        sidx = (sidx0, sidx1)
        ridx = (ridx0, ridx1)
        rows = (rows0, rows1)
        wbuf = (wbuf0, wbuf1)
        sem_i = (si0, si1)
        sem_r = (sr0, sr1)
        sem_g = (sg0, sg1)
        sem_w = (sw0, sw1)
        sem_s = (ss0, ss1)

        zero = jnp.zeros((16,), jnp.float32)

        def zbody(i, carry):
            for j in range(F // 16):
                rows0[i, pl.ds(j * 16, 16)] = zero
            return carry

        lax.fori_loop(0, CHUNK, zbody, 0)
        r0 = s * ra
        full, rem = divmod(ra, CHUNK)
        for t in range(full):
            pltpu.sync_copy(rows0, acc.at[pl.ds(r0 + t * CHUNK, CHUNK)])
        if rem:
            pltpu.sync_copy(rows0.at[pl.ds(0, rem)],
                            acc.at[pl.ds(r0 + full * CHUNK, rem)])
        if tail:
            @pl.when(s == NS - 1)
            def _zero_tail():
                pltpu.sync_copy(rows0.at[pl.ds(0, tail)],
                                acc.at[pl.ds(N - tail, tail)])

        plsc.subcore_barrier()

        n = n_chunks

        def cbase(j):
            return (j * NW + gid) * CHUNK

        def issue_sidx(j, b):
            pltpu.async_copy(send_hbm.at[pl.ds(cbase(j), CHUNK)], sidx[b],
                             sem_i[b])

        def wait_sidx(b):
            pltpu.make_async_copy(send_hbm.at[pl.ds(0, CHUNK)], sidx[b],
                                  sem_i[b]).wait()

        def issue_ridx(j, b):
            pltpu.async_copy(recv_hbm.at[pl.ds(cbase(j), CHUNK)], ridx[b],
                             sem_r[b])

        def wait_ridx(b):
            pltpu.make_async_copy(recv_hbm.at[pl.ds(0, CHUNK)], ridx[b],
                                  sem_r[b]).wait()

        def issue_gw(j, b):
            pltpu.async_copy(hl_hbm.at[sidx[b]], rows[b], sem_g[b])
            pltpu.async_copy(rwaw_hbm.at[pl.ds(cbase(j), CHUNK)], wbuf[b],
                             sem_w[b])

        def wait_gw(b):
            pltpu.make_async_copy(hl_hbm.at[sidx[b]], rows[b], sem_g[b]).wait()
            pltpu.make_async_copy(rwaw_hbm.at[pl.ds(0, CHUNK)], wbuf[b],
                                  sem_w[b]).wait()

        def issue_scat(b):
            pltpu.async_copy(rows[b], acc.at[ridx[b]], sem_s[b], add=True)

        def wait_scat(b):
            pltpu.make_async_copy(rows[b], acc.at[ridx[b]], sem_s[b]).wait()

        def mult(b):
            def mbody(r, cc):
                for j in range(F // 32):
                    wi = wbuf[b][r, pl.ds(j * 16, 16)]
                    wa_ = plsc.bitcast(wi << 16, jnp.float32)
                    wb_ = plsc.bitcast(wi & jnp.int32(-65536), jnp.float32)
                    sa = pl.ds(j * 16, 16)
                    sb = pl.ds(64 + j * 16, 16)
                    rows[b][r, sa] = rows[b][r, sa] * wa_
                    rows[b][r, sb] = rows[b][r, sb] * wb_
                return cc
            lax.fori_loop(0, CHUNK, mbody, 0)

        issue_sidx(0, 0)
        issue_ridx(0, 0)
        wait_sidx(0)
        issue_gw(0, 0)
        issue_sidx(1, 1)

        def stage(j, b, nb):
            @pl.when(j + 1 < n)
            def _issue_next():
                wait_sidx(nb)

                @pl.when(j >= 1)
                def _():
                    wait_scat(nb)

                issue_ridx(j + 1, nb)
                issue_gw(j + 1, nb)

            wait_gw(b)

            @pl.when(j + 2 < n)
            def _prefetch_sidx():
                issue_sidx(j + 2, b)

            mult(b)
            wait_ridx(b)
            issue_scat(b)

        def pair(ph, carry):
            j0 = 2 * ph
            stage(j0, 0, 1)

            @pl.when(j0 + 1 < n)
            def _odd():
                stage(j0 + 1, 1, 0)

            return carry

        lax.fori_loop(0, (n + 1) // 2, pair, 0)
        wait_scat((n - 1) % 2)
        wait_scat((n - 2) % 2)
        plsc.subcore_barrier()

        pltpu.sync_copy(acc.at[pl.ds(r0, ra)],
                        out_hbm.at[c].at[pl.ds(r0, ra)])
        if tail:
            @pl.when(s == NS - 1)
            def _out_tail():
                pltpu.sync_copy(acc.at[pl.ds(N - tail, tail)],
                                out_hbm.at[c].at[pl.ds(N - tail, tail)])

    return k(hl, send1d, recv1d, rwaw)


def kernel(vectors, node_specie, senders, receivers, params):
    N = node_specie.shape[0]
    E = senders.shape[0]
    p = params

    vt = jnp.zeros((8, E), jnp.float32).at[0:3, :].set(vectors.T)
    spec2d = node_specie.reshape(N, 1).astype(jnp.int32)
    send1d = senders.astype(jnp.int32)
    recv1d = receivers.astype(jnp.int32)

    rwaw0, rwaw1 = _edge_weights(vt, p)
    hl0 = _node0(spec2d, p)
    aggp0 = _sc_gather_scatter(hl0, send1d, recv1d, rwaw0)
    h1, hl1, out0 = _node1(aggp0, spec2d, p)
    aggp1 = _sc_gather_scatter(hl1, send1d, recv1d, rwaw1)
    out1 = _node2(aggp1, h1, spec2d, p)
    return jnp.stack([out0, out1], axis=1)

# --- scband reference (transcript-rebuilt; emitter-appended) ---
"""Pipeline reference for scband-general-mace-40922448396307 (READ-ONLY COPY).

The authoritative reference and input builder live on the scoring server;
editing this copy changes nothing except your own understanding.
"""

import jax, jax.numpy as jnp
import numpy as np

N = 10000
E = 320000
F = 128
S = 10
NUM_RADIAL = 8
R_MAX = 5.0
AVG_NEIGH = 32.0
MLP_DIM = 16
NUM_LAYERS = 2


def _init_params(key):
    ks = jax.random.split(key, 32)
    def w(k, shape, fan_in):
        return jax.random.normal(k, shape, dtype=jnp.float32) / np.sqrt(fan_in)
    p = {}
    p["emb"] = w(ks[0], (S, F), 1.0)
    for i in range(NUM_LAYERS):
        o = 10 * i
        p[f"W_lin{i}"] = w(ks[o + 1], (F, F), F)
        p[f"Wr1_{i}"] = w(ks[o + 2], (NUM_RADIAL, 64), NUM_RADIAL)
        p[f"Wr2_{i}"] = w(ks[o + 3], (64, F), 64)
        p[f"W_ang{i}"] = w(ks[o + 4], (20, F), 20)
        p[f"skip{i}"] = w(ks[o + 5], (S, F), 1.0)
        p[f"c2_{i}"] = 0.1 * w(ks[o + 6], (S, F), 1.0)
        p[f"c3_{i}"] = 0.01 * w(ks[o + 7], (S, F), 1.0)
        p[f"W_prod{i}"] = w(ks[o + 8], (F, F), F)
    p["W_ro0"] = w(ks[21], (F, 1), F)
    p["W_mlp1"] = w(ks[22], (F, MLP_DIM), F)
    p["W_ro1"] = w(ks[23], (MLP_DIM, 1), MLP_DIM)
    return p


def setup_inputs(seed: int = 0) -> dict:
    key = jax.random.key(seed)
    k1, k2, k3, k4, k5 = jax.random.split(key, 5)
    vectors = jax.random.normal(k1, (E, 3), dtype=jnp.float32)
    node_specie = jax.random.randint(k2, (N,), 0, S)
    senders = jax.random.randint(k3, (E,), 0, N)
    receivers = jax.random.randint(k4, (E,), 0, N)
    params = _init_params(k5)
    return {"vectors": vectors, "node_specie": node_specie, "senders": senders, "receivers": receivers, "params": params}


def _radial_embedding(lengths):
    # Bessel radial basis with polynomial envelope (RadialEmbeddingBlock)
    x = lengths / R_MAX
    n = jnp.arange(1, NUM_RADIAL + 1, dtype=jnp.float32)
    bessel = jnp.sqrt(2.0 / R_MAX) * jnp.sin(n[None, :] * jnp.pi * x[:, None]) / (lengths[:, None] + 1e-9)
    p = 5.0
    env = 1.0 - (p + 1.0) * (p + 2.0) / 2.0 * x ** p + p * (p + 2.0) * x ** (p + 1.0) - p * (p + 1.0) / 2.0 * x ** (p + 2.0)
    env = jnp.where(x < 1.0, env, 0.0)
    return bessel * env[:, None]


def _angular_features(u):
    # Polynomial angular basis spanning spherical harmonics up to max_ell=3 (20 components)
    x, y, z = u[:, 0], u[:, 1], u[:, 2]
    one = jnp.ones_like(x)
    feats = [one, x, y, z,
             x * x, x * y, x * z, y * y, y * z, z * z,
             x * x * x, x * x * y, x * x * z, x * y * y, x * y * z, x * z * z,
             y * y * y, y * y * z, y * z * z, z * z * z]
    return jnp.stack(feats, axis=-1)


def _forward(vectors, params, node_specie, senders, receivers):
    lengths = jnp.sqrt(jnp.sum(vectors * vectors, axis=-1) + 1e-18)
    u = vectors / lengths[:, None]
    rad = _radial_embedding(lengths)
    ang = _angular_features(u)
    # LinearNodeEmbeddingBlock: per-species embedding lookup
    h = params["emb"][node_specie]
    outputs = []
    for i in range(NUM_LAYERS):
        first = (i == 0)
        last = (i == NUM_LAYERS - 1)
        # InteractionBlock: linear -> gather senders -> modulate by radial MLP and angular attrs -> scatter-add
        hl = h @ params[f"W_lin{i}"]
        rw = jax.nn.silu(rad @ params[f"Wr1_{i}"]) @ params[f"Wr2_{i}"]
        aw = ang @ params[f"W_ang{i}"]
        msg = hl[senders] * rw * aw
        agg = jax.ops.segment_sum(msg, receivers, num_segments=N)
        agg = agg / jnp.sqrt(AVG_NEIGH)
        if first:
            # skip_tp_first: species-indexed linear after interaction; no self-connexion
            agg = agg * params[f"skip{i}"][node_specie]
            sc = None
        else:
            # skip_tp self-connexion (species-indexed)
            sc = h * params[f"skip{i}"][node_specie]
        # EquivariantProductBasisBlock: correlation-3 symmetric power with per-species weights
        c2 = params[f"c2_{i}"][node_specie]
        c3 = params[f"c3_{i}"][node_specie]
        poly = agg + c2 * agg * agg + c3 * agg * agg * agg
        h_new = poly @ params[f"W_prod{i}"]
        if sc is not None:
            h_new = h_new + sc
        if not last:
            out = h_new @ params["W_ro0"]  # LinearReadoutBlock
        else:
            out = jax.nn.silu(h_new @ params["W_mlp1"]) @ params["W_ro1"]  # NonLinearReadoutBlock
        outputs.append(out)
        h = h_new
    return jnp.stack(outputs, axis=1)


def reference(vectors, node_specie, senders, receivers, params):
    return _forward(vectors, params, node_specie, senders, receivers)

if __name__ == "__main__":
    import jax
    _d = setup_inputs()
    print(jax.jit(kernel)(*tuple(_d.values())))

</pallas_src>

<mosaic_0001>
#map = affine_map<(d0, d1) -> (0, 0)>
#map1 = affine_map<(d0, d1) -> (0)>
#map2 = affine_map<(d0, d1) -> (0, 0, 0)>
module attributes {stable_mosaic.version = 14 : i64} {
  func.func @k(%arg0: i32, %arg1: i32, %arg2: memref<10000x128xf32, #tpu.memory_space<hbm>>, %arg3: memref<320000xi32, #tpu.memory_space<hbm>>, %arg4: memref<320000xi32, #tpu.memory_space<hbm>>, %arg5: memref<320000x64xi32, #tpu.memory_space<hbm>>, %arg6: memref<2x10000x128xf32, #tpu.memory_space<hbm>>, %arg7: memref<80xi32, #tpu.memory_space<vmem>>, %arg8: memref<80xi32, #tpu.memory_space<vmem>>, %arg9: memref<80xi32, #tpu.memory_space<vmem>>, %arg10: memref<80xi32, #tpu.memory_space<vmem>>, %arg11: memref<80x128xf32, #tpu.memory_space<vmem>>, %arg12: memref<80x128xf32, #tpu.memory_space<vmem>>, %arg13: memref<80x64xi32, #tpu.memory_space<vmem>>, %arg14: memref<80x64xi32, #tpu.memory_space<vmem>>, %arg15: memref<10000x128xf32, #tpu.memory_space<vmem_shared>>, %arg16: memref<!tpu.dma_semaphore, #tpu.memory_space<semaphore_mem>>, %arg17: memref<!tpu.dma_semaphore, #tpu.memory_space<semaphore_mem>>, %arg18: memref<!tpu.dma_semaphore, #tpu.memory_space<semaphore_mem>>, %arg19: memref<!tpu.dma_semaphore, #tpu.memory_space<semaphore_mem>>, %arg20: memref<!tpu.dma_semaphore, #tpu.memory_space<semaphore_mem>>, %arg21: memref<!tpu.dma_semaphore, #tpu.memory_space<semaphore_mem>>, %arg22: memref<!tpu.dma_semaphore, #tpu.memory_space<semaphore_mem>>, %arg23: memref<!tpu.dma_semaphore, #tpu.memory_space<semaphore_mem>>, %arg24: memref<!tpu.dma_semaphore, #tpu.memory_space<semaphore_mem>>, %arg25: memref<!tpu.dma_semaphore, #tpu.memory_space<semaphore_mem>>) attributes {dimension_semantics = [#tpu.dimension_semantics<core_parallel>, #tpu.dimension_semantics<subcore_parallel>], iteration_bounds = array<i64: 2, 16>, scalar_prefetch = 0 : i64, scratch_operands = 19 : i64, tpu.core_type = #tpu.core_type<sc_vector_subcore>, window_params = [{transform_indices = #map}, {transform_indices = #map1}, {transform_indices = #map1}, {transform_indices = #map}, {transform_indices = #map2}]} {
    %mul3A = arith.constant 16 : i32
    %mul3A_0 = arith.muli %arg0, %mul3A : i32
    %add3A = arith.addi %mul3A_0, %arg1 : i32
    %broadcast_in_dim3A = arith.constant 0.000000e+00 : f32
    %broadcast_in_dim3A_1 = vector.broadcast %broadcast_in_dim3A : f32 to vector<16xf32>
    %scan3A = arith.constant 0 : i32
    %scan3A_2 = arith.constant 0 : i32
    %scan3A_3 = arith.constant 80 : i32
    %scan3A_4 = arith.addi %scan3A_2, %scan3A_3 : i32
    %scan3A_5 = arith.constant 1 : i32
    scf.for %scan3A_76 = %scan3A_2 to %scan3A_4 step %scan3A_5  : i32 {
      %swap3A = arith.index_cast %scan3A_76 : i32 to index
      %swap3A_77 = arith.constant 0 : index
      %swap3A_78 = tpu.vector_load %arg11[%swap3A, %swap3A_77] {strides = array<i32>} : memref<80x128xf32, #tpu.memory_space<vmem>>, vector<16xf32>,
      tpu.vector_store %arg11[%swap3A, %swap3A_77], %broadcast_in_dim3A_1 {strides = array<i32>} : memref<80x128xf32, #tpu.memory_space<vmem>>, vector<16xf32>,
      %swap3A_79 = arith.index_cast %scan3A_76 : i32 to index
      %swap3A_80 = arith.constant 16 : index
      %swap3A_81 = tpu.vector_load %arg11[%swap3A_79, %swap3A_80] {strides = array<i32>} : memref<80x128xf32, #tpu.memory_space<vmem>>, vector<16xf32>,
      tpu.vector_store %arg11[%swap3A_79, %swap3A_80], %broadcast_in_dim3A_1 {strides = array<i32>} : memref<80x128xf32, #tpu.memory_space<vmem>>, vector<16xf32>,
      %swap3A_82 = arith.index_cast %scan3A_76 : i32 to index
      %swap3A_83 = arith.constant 32 : index
      %swap3A_84 = tpu.vector_load %arg11[%swap3A_82, %swap3A_83] {strides = array<i32>} : memref<80x128xf32, #tpu.memory_space<vmem>>, vector<16xf32>,
      tpu.vector_store %arg11[%swap3A_82, %swap3A_83], %broadcast_in_dim3A_1 {strides = array<i32>} : memref<80x128xf32, #tpu.memory_space<vmem>>, vector<16xf32>,
      %swap3A_85 = arith.index_cast %scan3A_76 : i32 to index
      %swap3A_86 = arith.constant 48 : index
      %swap3A_87 = tpu.vector_load %arg11[%swap3A_85, %swap3A_86] {strides = array<i32>} : memref<80x128xf32, #tpu.memory_space<vmem>>, vector<16xf32>,
      tpu.vector_store %arg11[%swap3A_85, %swap3A_86], %broadcast_in_dim3A_1 {strides = array<i32>} : memref<80x128xf32, #tpu.memory_space<vmem>>, vector<16xf32>,
      %swap3A_88 = arith.index_cast %scan3A_76 : i32 to index
      %swap3A_89 = arith.constant 64 : index
      %swap3A_90 = tpu.vector_load %arg11[%swap3A_88, %swap3A_89] {strides = array<i32>} : memref<80x128xf32, #tpu.memory_space<vmem>>, vector<16xf32>,
      tpu.vector_store %arg11[%swap3A_88, %swap3A_89], %broadcast_in_dim3A_1 {strides = array<i32>} : memref<80x128xf32, #tpu.memory_space<vmem>>, vector<16xf32>,
      %swap3A_91 = arith.index_cast %scan3A_76 : i32 to index
      %swap3A_92 = arith.constant 80 : index
      %swap3A_93 = tpu.vector_load %arg11[%swap3A_91, %swap3A_92] {strides = array<i32>} : memref<80x128xf32, #tpu.memory_space<vmem>>, vector<16xf32>,
      tpu.vector_store %arg11[%swap3A_91, %swap3A_92], %broadcast_in_dim3A_1 {strides = array<i32>} : memref<80x128xf32, #tpu.memory_space<vmem>>, vector<16xf32>,
      %swap3A_94 = arith.index_cast %scan3A_76 : i32 to index
      %swap3A_95 = arith.constant 96 : index
      %swap3A_96 = tpu.vector_load %arg11[%swap3A_94, %swap3A_95] {strides = array<i32>} : memref<80x128xf32, #tpu.memory_space<vmem>>, vector<16xf32>,
      tpu.vector_store %arg11[%swap3A_94, %swap3A_95], %broadcast_in_dim3A_1 {strides = array<i32>} : memref<80x128xf32, #tpu.memory_space<vmem>>, vector<16xf32>,
      %swap3A_97 = arith.index_cast %scan3A_76 : i32 to index
      %swap3A_98 = arith.constant 112 : index
      %swap3A_99 = tpu.vector_load %arg11[%swap3A_97, %swap3A_98] {strides = array<i32>} : memref<80x128xf32, #tpu.memory_space<vmem>>, vector<16xf32>,
      tpu.vector_store %arg11[%swap3A_97, %swap3A_98], %broadcast_in_dim3A_1 {strides = array<i32>} : memref<80x128xf32, #tpu.memory_space<vmem>>, vector<16xf32>,
    }
    %scan3A_6 = arith.constant 80 : i32
    %mul3A_7 = arith.constant 624 : i32
    %mul3A_8 = arith.muli %arg1, %mul3A_7 : i32
    %add3A_9 = arith.constant 0 : i32
    %add3A_10 = arith.addi %mul3A_8, %add3A_9 : i32
    "tpu.region"() ({
      %run_scoped3A = tpu.sem_alloc : memref<!tpu.dma_semaphore, #tpu.memory_space<semaphore_mem>>
      %dma_start3A_76 = arith.constant 0 : i32
      %dma_start3A_77 = tpu.memref_slice %arg15[%add3A_10, %dma_start3A_76] : memref<10000x128xf32, #tpu.memory_space<vmem_shared>> -> memref<80x128xf32, #tpu.memory_space<vmem_shared>>
      %dma_start3A_78 = arith.constant 0 : i32
      %dma_start3A_79 = tpu.memref_slice %arg15[%add3A_10, %dma_start3A_78] : memref<10000x128xf32, #tpu.memory_space<vmem_shared>> -> memref<80x128xf32, #tpu.memory_space<vmem_shared>>
      tpu.enqueue_dma source(%arg11 : memref<80x128xf32, #tpu.memory_space<vmem>>) target(%dma_start3A_79 : memref<80x128xf32, #tpu.memory_space<vmem_shared>>) target_semaphore(%run_scoped3A : memref<!tpu.dma_semaphore, #tpu.memory_space<semaphore_mem>>)
      %dma_wait3A_80 = arith.constant 0 : i32
      %dma_wait3A_81 = tpu.memref_slice %arg15[%add3A_10, %dma_wait3A_80] : memref<10000x128xf32, #tpu.memory_space<vmem_shared>> -> memref<80x128xf32, #tpu.memory_space<vmem_shared>>
      %dma_wait3A_82 = arith.constant 0 : i32
      %dma_wait3A_83 = tpu.memref_slice %arg15[%add3A_10, %dma_wait3A_82] : memref<10000x128xf32, #tpu.memory_space<vmem_shared>> -> memref<80x128xf32, #tpu.memory_space<vmem_shared>>
      tpu.wait_dma2 semaphore(%run_scoped3A : memref<!tpu.dma_semaphore, #tpu.memory_space<semaphore_mem>>) src(%arg11 : memref<80x128xf32, #tpu.memory_space<vmem>>) dst(%dma_wait3A_83 : memref<80x128xf32, #tpu.memory_space<vmem_shared>>)
      tpu.yield
    }) : () -> ()
    %add3A_11 = arith.constant 80 : i32
    %add3A_12 = arith.addi %mul3A_8, %add3A_11 : i32
    "tpu.region"() ({
      %run_scoped3A = tpu.sem_alloc : memref<!tpu.dma_semaphore, #tpu.memory_space<semaphore_mem>>
      %dma_start3A_76 = arith.constant 0 : i32
      %dma_start3A_77 = tpu.memref_slice %arg15[%add3A_12, %dma_start3A_76] : memref<10000x128xf32, #tpu.memory_space<vmem_shared>> -> memref<80x128xf32, #tpu.memory_space<vmem_shared>>
      %dma_start3A_78 = arith.constant 0 : i32
      %dma_start3A_79 = tpu.memref_slice %arg15[%add3A_12, %dma_start3A_78] : memref<10000x128xf32, #tpu.memory_space<vmem_shared>> -> memref<80x128xf32, #tpu.memory_space<vmem_shared>>
      tpu.enqueue_dma source(%arg11 : memref<80x128xf32, #tpu.memory_space<vmem>>) target(%dma_start3A_79 : memref<80x128xf32, #tpu.memory_space<vmem_shared>>) target_semaphore(%run_scoped3A : memref<!tpu.dma_semaphore, #tpu.memory_space<semaphore_mem>>)
      %dma_wait3A_80 = arith.constant 0 : i32
      %dma_wait3A_81 = tpu.memref_slice %arg15[%add3A_12, %dma_wait3A_80] : memref<10000x128xf32, #tpu.memory_space<vmem_shared>> -> memref<80x128xf32, #tpu.memory_space<vmem_shared>>
      %dma_wait3A_82 = arith.constant 0 : i32
      %dma_wait3A_83 = tpu.memref_slice %arg15[%add3A_12, %dma_wait3A_82] : memref<10000x128xf32, #tpu.memory_space<vmem_shared>> -> memref<80x128xf32, #tpu.memory_space<vmem_shared>>
      tpu.wait_dma2 semaphore(%run_scoped3A : memref<!tpu.dma_semaphore, #tpu.memory_space<semaphore_mem>>) src(%arg11 : memref<80x128xf32, #tpu.memory_space<vmem>>) dst(%dma_wait3A_83 : memref<80x128xf32, #tpu.memory_space<vmem_shared>>)
      tpu.yield
    }) : () -> ()
    %add3A_13 = arith.constant 160 : i32
    %add3A_14 = arith.addi %mul3A_8, %add3A_13 : i32
    "tpu.region"() ({
      %run_scoped3A = tpu.sem_alloc : memref<!tpu.dma_semaphore, #tpu.memory_space<semaphore_mem>>
      %dma_start3A_76 = arith.constant 0 : i32
      %dma_start3A_77 = tpu.memref_slice %arg15[%add3A_14, %dma_start3A_76] : memref<10000x128xf32, #tpu.memory_space<vmem_shared>> -> memref<80x128xf32, #tpu.memory_space<vmem_shared>>
      %dma_start3A_78 = arith.constant 0 : i32
      %dma_start3A_79 = tpu.memref_slice %arg15[%add3A_14, %dma_start3A_78] : memref<10000x128xf32, #tpu.memory_space<vmem_shared>> -> memref<80x128xf32, #tpu.memory_space<vmem_shared>>
      tpu.enqueue_dma source(%arg11 : memref<80x128xf32, #tpu.memory_space<vmem>>) target(%dma_start3A_79 : memref<80x128xf32, #tpu.memory_space<vmem_shared>>) target_semaphore(%run_scoped3A : memref<!tpu.dma_semaphore, #tpu.memory_space<semaphore_mem>>)
      %dma_wait3A_80 = arith.constant 0 : i32
      %dma_wait3A_81 = tpu.memref_slice %arg15[%add3A_14, %dma_wait3A_80] : memref<10000x128xf32, #tpu.memory_space<vmem_shared>> -> memref<80x128xf32, #tpu.memory_space<vmem_shared>>
      %dma_wait3A_82 = arith.constant 0 : i32
      %dma_wait3A_83 = tpu.memref_slice %arg15[%add3A_14, %dma_wait3A_82] : memref<10000x128xf32, #tpu.memory_space<vmem_shared>> -> memref<80x128xf32, #tpu.memory_space<vmem_shared>>
      tpu.wait_dma2 semaphore(%run_scoped3A : memref<!tpu.dma_semaphore, #tpu.memory_space<semaphore_mem>>) src(%arg11 : memref<80x128xf32, #tpu.memory_space<vmem>>) dst(%dma_wait3A_83 : memref<80x128xf32, #tpu.memory_space<vmem_shared>>)
      tpu.yield
    }) : () -> ()
    %add3A_15 = arith.constant 240 : i32
    %add3A_16 = arith.addi %mul3A_8, %add3A_15 : i32
    "tpu.region"() ({
      %run_scoped3A = tpu.sem_alloc : memref<!tpu.dma_semaphore, #tpu.memory_space<semaphore_mem>>
      %dma_start3A_76 = arith.constant 0 : i32
      %dma_start3A_77 = tpu.memref_slice %arg15[%add3A_16, %dma_start3A_76] : memref<10000x128xf32, #tpu.memory_space<vmem_shared>> -> memref<80x128xf32, #tpu.memory_space<vmem_shared>>
      %dma_start3A_78 = arith.constant 0 : i32
      %dma_start3A_79 = tpu.memref_slice %arg15[%add3A_16, %dma_start3A_78] : memref<10000x128xf32, #tpu.memory_space<vmem_shared>> -> memref<80x128xf32, #tpu.memory_space<vmem_shared>>
      tpu.enqueue_dma source(%arg11 : memref<80x128xf32, #tpu.memory_space<vmem>>) target(%dma_start3A_79 : memref<80x128xf32, #tpu.memory_space<vmem_shared>>) target_semaphore(%run_scoped3A : memref<!tpu.dma_semaphore, #tpu.memory_space<semaphore_mem>>)
      %dma_wait3A_80 = arith.constant 0 : i32
      %dma_wait3A_81 = tpu.memref_slice %arg15[%add3A_16, %dma_wait3A_80] : memref<10000x128xf32, #tpu.memory_space<vmem_shared>> -> memref<80x128xf32, #tpu.memory_space<vmem_shared>>
      %dma_wait3A_82 = arith.constant 0 : i32
      %dma_wait3A_83 = tpu.memref_slice %arg15[%add3A_16, %dma_wait3A_82] : memref<10000x128xf32, #tpu.memory_space<vmem_shared>> -> memref<80x128xf32, #tpu.memory_space<vmem_shared>>
      tpu.wait_dma2 semaphore(%run_scoped3A : memref<!tpu.dma_semaphore, #tpu.memory_space<semaphore_mem>>) src(%arg11 : memref<80x128xf32, #tpu.memory_space<vmem>>) dst(%dma_wait3A_83 : memref<80x128xf32, #tpu.memory_space<vmem_shared>>)
      tpu.yield
    }) : () -> ()
    %add3A_17 = arith.constant 320 : i32
    %add3A_18 = arith.addi %mul3A_8, %add3A_17 : i32
    "tpu.region"() ({
      %run_scoped3A = tpu.sem_alloc : memref<!tpu.dma_semaphore, #tpu.memory_space<semaphore_mem>>
      %dma_start3A_76 = arith.constant 0 : i32
      %dma_start3A_77 = tpu.memref_slice %arg15[%add3A_18, %dma_start3A_76] : memref<10000x128xf32, #tpu.memory_space<vmem_shared>> -> memref<80x128xf32, #tpu.memory_space<vmem_shared>>
      %dma_start3A_78 = arith.constant 0 : i32
      %dma_start3A_79 = tpu.memref_slice %arg15[%add3A_18, %dma_start3A_78] : memref<10000x128xf32, #tpu.memory_space<vmem_shared>> -> memref<80x128xf32, #tpu.memory_space<vmem_shared>>
      tpu.enqueue_dma source(%arg11 : memref<80x128xf32, #tpu.memory_space<vmem>>) target(%dma_start3A_79 : memref<80x128xf32, #tpu.memory_space<vmem_shared>>) target_semaphore(%run_scoped3A : memref<!tpu.dma_semaphore, #tpu.memory_space<semaphore_mem>>)
      %dma_wait3A_80 = arith.constant 0 : i32
      %dma_wait3A_81 = tpu.memref_slice %arg15[%add3A_18, %dma_wait3A_80] : memref<10000x128xf32, #tpu.memory_space<vmem_shared>> -> memref<80x128xf32, #tpu.memory_space<vmem_shared>>
      %dma_wait3A_82 = arith.constant 0 : i32
      %dma_wait3A_83 = tpu.memref_slice %arg15[%add3A_18, %dma_wait3A_82] : memref<10000x128xf32, #tpu.memory_space<vmem_shared>> -> memref<80x128xf32, #tpu.memory_space<vmem_shared>>
      tpu.wait_dma2 semaphore(%run_scoped3A : memref<!tpu.dma_semaphore, #tpu.memory_space<semaphore_mem>>) src(%arg11 : memref<80x128xf32, #tpu.memory_space<vmem>>) dst(%dma_wait3A_83 : memref<80x128xf32, #tpu.memory_space<vmem_shared>>)
      tpu.yield
    }) : () -> ()
    %add3A_19 = arith.constant 400 : i32
    %add3A_20 = arith.addi %mul3A_8, %add3A_19 : i32
    "tpu.region"() ({
      %run_scoped3A = tpu.sem_alloc : memref<!tpu.dma_semaphore, #tpu.memory_space<semaphore_mem>>
      %dma_start3A_76 = arith.constant 0 : i32
      %dma_start3A_77 = tpu.memref_slice %arg15[%add3A_20, %dma_start3A_76] : memref<10000x128xf32, #tpu.memory_space<vmem_shared>> -> memref<80x128xf32, #tpu.memory_space<vmem_shared>>
      %dma_start3A_78 = arith.constant 0 : i32
      %dma_start3A_79 = tpu.memref_slice %arg15[%add3A_20, %dma_start3A_78] : memref<10000x128xf32, #tpu.memory_space<vmem_shared>> -> memref<80x128xf32, #tpu.memory_space<vmem_shared>>
      tpu.enqueue_dma source(%arg11 : memref<80x128xf32, #tpu.memory_space<vmem>>) target(%dma_start3A_79 : memref<80x128xf32, #tpu.memory_space<vmem_shared>>) target_semaphore(%run_scoped3A : memref<!tpu.dma_semaphore, #tpu.memory_space<semaphore_mem>>)
      %dma_wait3A_80 = arith.constant 0 : i32
      %dma_wait3A_81 = tpu.memref_slice %arg15[%add3A_20, %dma_wait3A_80] : memref<10000x128xf32, #tpu.memory_space<vmem_shared>> -> memref<80x128xf32, #tpu.memory_space<vmem_shared>>
      %dma_wait3A_82 = arith.constant 0 : i32
      %dma_wait3A_83 = tpu.memref_slice %arg15[%add3A_20, %dma_wait3A_82] : memref<10000x128xf32, #tpu.memory_space<vmem_shared>> -> memref<80x128xf32, #tpu.memory_space<vmem_shared>>
      tpu.wait_dma2 semaphore(%run_scoped3A : memref<!tpu.dma_semaphore, #tpu.memory_space<semaphore_mem>>) src(%arg11 : memref<80x128xf32, #tpu.memory_space<vmem>>) dst(%dma_wait3A_83 : memref<80x128xf32, #tpu.memory_space<vmem_shared>>)
      tpu.yield
    }) : () -> ()
    %add3A_21 = arith.constant 480 : i32
    %add3A_22 = arith.addi %mul3A_8, %add3A_21 : i32
    "tpu.region"() ({
      %run_scoped3A = tpu.sem_alloc : memref<!tpu.dma_semaphore, #tpu.memory_space<semaphore_mem>>
      %dma_start3A_76 = arith.constant 0 : i32
      %dma_start3A_77 = tpu.memref_slice %arg15[%add3A_22, %dma_start3A_76] : memref<10000x128xf32, #tpu.memory_space<vmem_shared>> -> memref<80x128xf32, #tpu.memory_space<vmem_shared>>
      %dma_start3A_78 = arith.constant 0 : i32
      %dma_start3A_79 = tpu.memref_slice %arg15[%add3A_22, %dma_start3A_78] : memref<10000x128xf32, #tpu.memory_space<vmem_shared>> -> memref<80x128xf32, #tpu.memory_space<vmem_shared>>
      tpu.enqueue_dma source(%arg11 : memref<80x128xf32, #tpu.memory_space<vmem>>) target(%dma_start3A_79 : memref<80x128xf32, #tpu.memory_space<vmem_shared>>) target_semaphore(%run_scoped3A : memref<!tpu.dma_semaphore, #tpu.memory_space<semaphore_mem>>)
      %dma_wait3A_80 = arith.constant 0 : i32
      %dma_wait3A_81 = tpu.memref_slice %arg15[%add3A_22, %dma_wait3A_80] : memref<10000x128xf32, #tpu.memory_space<vmem_shared>> -> memref<80x128xf32, #tpu.memory_space<vmem_shared>>
      %dma_wait3A_82 = arith.constant 0 : i32
      %dma_wait3A_83 = tpu.memref_slice %arg15[%add3A_22, %dma_wait3A_82] : memref<10000x128xf32, #tpu.memory_space<vmem_shared>> -> memref<80x128xf32, #tpu.memory_space<vmem_shared>>
      tpu.wait_dma2 semaphore(%run_scoped3A : memref<!tpu.dma_semaphore, #tpu.memory_space<semaphore_mem>>) src(%arg11 : memref<80x128xf32, #tpu.memory_space<vmem>>) dst(%dma_wait3A_83 : memref<80x128xf32, #tpu.memory_space<vmem_shared>>)
      tpu.yield
    }) : () -> ()
    %add3A_23 = arith.constant 560 : i32
    %add3A_24 = arith.addi %mul3A_8, %add3A_23 : i32
    "tpu.region"() ({
      %run_scoped3A = tpu.sem_alloc : memref<!tpu.dma_semaphore, #tpu.memory_space<semaphore_mem>>
      %dma_start3A_76 = arith.constant 0 : i32
      %dma_start3A_77 = arith.constant 0 : i32
      %dma_start3A_78 = tpu.memref_slice %arg11[%dma_start3A_76, %dma_start3A_77] : memref<80x128xf32, #tpu.memory_space<vmem>> -> memref<64x128xf32, #tpu.memory_space<vmem>>
      %dma_start3A_79 = arith.constant 0 : i32
      %dma_start3A_80 = tpu.memref_slice %arg15[%add3A_24, %dma_start3A_79] : memref<10000x128xf32, #tpu.memory_space<vmem_shared>> -> memref<64x128xf32, #tpu.memory_space<vmem_shared>>
      %dma_start3A_81 = arith.constant 0 : i32
      %dma_start3A_82 = tpu.memref_slice %arg15[%add3A_24, %dma_start3A_81] : memref<10000x128xf32, #tpu.memory_space<vmem_shared>> -> memref<64x128xf32, #tpu.memory_space<vmem_shared>>
      %dma_start3A_83 = arith.constant 0 : i32
      %dma_start3A_84 = arith.constant 0 : i32
      %dma_start3A_85 = tpu.memref_slice %arg11[%dma_start3A_83, %dma_start3A_84] : memref<80x128xf32, #tpu.memory_space<vmem>> -> memref<64x128xf32, #tpu.memory_space<vmem>>
      tpu.enqueue_dma source(%dma_start3A_85 : memref<64x128xf32, #tpu.memory_space<vmem>>) target(%dma_start3A_82 : memref<64x128xf32, #tpu.memory_space<vmem_shared>>) target_semaphore(%run_scoped3A : memref<!tpu.dma_semaphore, #tpu.memory_space<semaphore_mem>>)
      %dma_wait3A_86 = arith.constant 0 : i32
      %dma_wait3A_87 = arith.constant 0 : i32
      %dma_wait3A_88 = tpu.memref_slice %arg11[%dma_wait3A_86, %dma_wait3A_87] : memref<80x128xf32, #tpu.memory_space<vmem>> -> memref<64x128xf32, #tpu.memory_space<vmem>>
      %dma_wait3A_89 = arith.constant 0 : i32
      %dma_wait3A_90 = tpu.memref_slice %arg15[%add3A_24, %dma_wait3A_89] : memref<10000x128xf32, #tpu.memory_space<vmem_shared>> -> memref<64x128xf32, #tpu.memory_space<vmem_shared>>
      %dma_wait3A_91 = arith.constant 0 : i32
      %dma_wait3A_92 = tpu.memref_slice %arg15[%add3A_24, %dma_wait3A_91] : memref<10000x128xf32, #tpu.memory_space<vmem_shared>> -> memref<64x128xf32, #tpu.memory_space<vmem_shared>>
      %dma_wait3A_93 = arith.constant 0 : i32
      %dma_wait3A_94 = arith.constant 0 : i32
      %dma_wait3A_95 = tpu.memref_slice %arg11[%dma_wait3A_93, %dma_wait3A_94] : memref<80x128xf32, #tpu.memory_space<vmem>> -> memref<64x128xf32, #tpu.memory_space<vmem>>
      tpu.wait_dma2 semaphore(%run_scoped3A : memref<!tpu.dma_semaphore, #tpu.memory_space<semaphore_mem>>) src(%dma_wait3A_95 : memref<64x128xf32, #tpu.memory_space<vmem>>) dst(%dma_wait3A_92 : memref<64x128xf32, #tpu.memory_space<vmem_shared>>)
      tpu.yield
    }) : () -> ()
    %eq3A = arith.constant 15 : i32
    %eq3A_25 = arith.cmpi eq, %arg1, %eq3A : i32
    %convert_element_type3A = arith.extui %eq3A_25 : i1 to i32
    %cond3A = arith.constant 0 : i32
    %cond3A_26 = arith.cmpi ne, %convert_element_type3A, %cond3A : i32
    scf.if %cond3A_26 {
      "tpu.region"() ({
        %run_scoped3A = tpu.sem_alloc : memref<!tpu.dma_semaphore, #tpu.memory_space<semaphore_mem>>
        %dma_start3A_76 = arith.constant 0 : i32
        %dma_start3A_77 = arith.constant 0 : i32
        %dma_start3A_78 = tpu.memref_slice %arg11[%dma_start3A_76, %dma_start3A_77] : memref<80x128xf32, #tpu.memory_space<vmem>> -> memref<16x128xf32, #tpu.memory_space<vmem>>
        %dma_start3A_79 = arith.constant 9984 : i32
        %dma_start3A_80 = arith.constant 0 : i32
        %dma_start3A_81 = tpu.memref_slice %arg15[%dma_start3A_79, %dma_start3A_80] : memref<10000x128xf32, #tpu.memory_space<vmem_shared>> -> memref<16x128xf32, #tpu.memory_space<vmem_shared>>
        %dma_start3A_82 = arith.constant 9984 : i32
        %dma_start3A_83 = arith.constant 0 : i32
        %dma_start3A_84 = tpu.memref_slice %arg15[%dma_start3A_82, %dma_start3A_83] : memref<10000x128xf32, #tpu.memory_space<vmem_shared>> -> memref<16x128xf32, #tpu.memory_space<vmem_shared>>
        %dma_start3A_85 = arith.constant 0 : i32
        %dma_start3A_86 = arith.constant 0 : i32
        %dma_start3A_87 = tpu.memref_slice %arg11[%dma_start3A_85, %dma_start3A_86] : memref<80x128xf32, #tpu.memory_space<vmem>> -> memref<16x128xf32, #tpu.memory_space<vmem>>
        tpu.enqueue_dma source(%dma_start3A_87 : memref<16x128xf32, #tpu.memory_space<vmem>>) target(%dma_start3A_84 : memref<16x128xf32, #tpu.memory_space<vmem_shared>>) target_semaphore(%run_scoped3A : memref<!tpu.dma_semaphore, #tpu.memory_space<semaphore_mem>>)
        %dma_wait3A_88 = arith.constant 0 : i32
        %dma_wait3A_89 = arith.constant 0 : i32
        %dma_wait3A_90 = tpu.memref_slice %arg11[%dma_wait3A_88, %dma_wait3A_89] : memref<80x128xf32, #tpu.memory_space<vmem>> -> memref<16x128xf32, #tpu.memory_space<vmem>>
        %dma_wait3A_91 = arith.constant 9984 : i32
        %dma_wait3A_92 = arith.constant 0 : i32
        %dma_wait3A_93 = tpu.memref_slice %arg15[%dma_wait3A_91, %dma_wait3A_92] : memref<10000x128xf32, #tpu.memory_space<vmem_shared>> -> memref<16x128xf32, #tpu.memory_space<vmem_shared>>
        %dma_wait3A_94 = arith.constant 9984 : i32
        %dma_wait3A_95 = arith.constant 0 : i32
        %dma_wait3A_96 = tpu.memref_slice %arg15[%dma_wait3A_94, %dma_wait3A_95] : memref<10000x128xf32, #tpu.memory_space<vmem_shared>> -> memref<16x128xf32, #tpu.memory_space<vmem_shared>>
        %dma_wait3A_97 = arith.constant 0 : i32
        %dma_wait3A_98 = arith.constant 0 : i32
        %dma_wait3A_99 = tpu.memref_slice %arg11[%dma_wait3A_97, %dma_wait3A_98] : memref<80x128xf32, #tpu.memory_space<vmem>> -> memref<16x128xf32, #tpu.memory_space<vmem>>
        tpu.wait_dma2 semaphore(%run_scoped3A : memref<!tpu.dma_semaphore, #tpu.memory_space<semaphore_mem>>) src(%dma_wait3A_99 : memref<16x128xf32, #tpu.memory_space<vmem>>) dst(%dma_wait3A_96 : memref<16x128xf32, #tpu.memory_space<vmem_shared>>)
        tpu.yield
      }) : () -> ()
    } else {
    }
    %barrier3A = arith.constant 0 : index
    tpu.barrier barrier_id(%barrier3A)
    %add3A_27 = arith.constant 0 : i32
    %add3A_28 = arith.addi %add3A_27, %add3A : i32
    %mul3A_29 = arith.constant 80 : i32
    %mul3A_30 = arith.muli %add3A_28, %mul3A_29 : i32
    %dma_start3A = tpu.memref_slice %arg3[%mul3A_30] : memref<320000xi32, #tpu.memory_space<hbm>> -> memref<80xi32, #tpu.memory_space<hbm>>
    %dma_start3A_31 = tpu.memref_slice %arg3[%mul3A_30] : memref<320000xi32, #tpu.memory_space<hbm>> -> memref<80xi32, #tpu.memory_space<hbm>>
    tpu.enqueue_dma source(%dma_start3A_31 : memref<80xi32, #tpu.memory_space<hbm>>) target(%arg7 : memref<80xi32, #tpu.memory_space<vmem>>) target_semaphore(%arg16 : memref<!tpu.dma_semaphore, #tpu.memory_space<semaphore_mem>>)
    %add3A_32 = arith.constant 0 : i32
    %add3A_33 = arith.addi %add3A_32, %add3A : i32
    %mul3A_34 = arith.constant 80 : i32
    %mul3A_35 = arith.muli %add3A_33, %mul3A_34 : i32
    %dma_start3A_36 = tpu.memref_slice %arg4[%mul3A_35] : memref<320000xi32, #tpu.memory_space<hbm>> -> memref<80xi32, #tpu.memory_space<hbm>>
    %dma_start3A_37 = tpu.memref_slice %arg4[%mul3A_35] : memref<320000xi32, #tpu.memory_space<hbm>> -> memref<80xi32, #tpu.memory_space<hbm>>
    tpu.enqueue_dma source(%dma_start3A_37 : memref<80xi32, #tpu.memory_space<hbm>>) target(%arg9 : memref<80xi32, #tpu.memory_space<vmem>>) target_semaphore(%arg18 : memref<!tpu.dma_semaphore, #tpu.memory_space<semaphore_mem>>)
    %dma_wait3A = arith.constant 0 : i32
    %dma_wait3A_38 = tpu.memref_slice %arg3[%dma_wait3A] : memref<320000xi32, #tpu.memory_space<hbm>> -> memref<80xi32, #tpu.memory_space<hbm>>
    %dma_wait3A_39 = arith.constant 0 : i32
    %dma_wait3A_40 = tpu.memref_slice %arg3[%dma_wait3A_39] : memref<320000xi32, #tpu.memory_space<hbm>> -> memref<80xi32, #tpu.memory_space<hbm>>
    tpu.wait_dma2 semaphore(%arg16 : memref<!tpu.dma_semaphore, #tpu.memory_space<semaphore_mem>>) src(%dma_wait3A_40 : memref<80xi32, #tpu.memory_space<hbm>>) dst(%arg7 : memref<80xi32, #tpu.memory_space<vmem>>)
    %dma_start3A_41 = arith.constant 0 : i32
    %dma_start3A_42 = arith.constant 0 : i32
    %dma_start3A_43 = tpu.memref_slice %arg2[%dma_start3A_41, %dma_start3A_42] : memref<10000x128xf32, #tpu.memory_space<hbm>> -> memref<10000x128xf32, #tpu.memory_space<hbm>>
    tpu.enqueue_indirect_dma source(%dma_start3A_43 : memref<10000x128xf32, #tpu.memory_space<hbm>>) target(%arg11 : memref<80x128xf32, #tpu.memory_space<vmem>>) offsets(%arg7 : memref<80xi32, #tpu.memory_space<vmem>>) semaphore(%arg20 : memref<!tpu.dma_semaphore, #tpu.memory_space<semaphore_mem>>)
    %add3A_44 = arith.constant 0 : i32
    %add3A_45 = arith.addi %add3A_44, %add3A : i32
    %mul3A_46 = arith.constant 80 : i32
    %mul3A_47 = arith.muli %add3A_45, %mul3A_46 : i32
    %dma_start3A_48 = arith.constant 0 : i32
    %dma_start3A_49 = tpu.memref_slice %arg5[%mul3A_47, %dma_start3A_48] : memref<320000x64xi32, #tpu.memory_space<hbm>> -> memref<80x64xi32, #tpu.memory_space<hbm>>
    %dma_start3A_50 = arith.constant 0 : i32
    %dma_start3A_51 = tpu.memref_slice %arg5[%mul3A_47, %dma_start3A_50] : memref<320000x64xi32, #tpu.memory_space<hbm>> -> memref<80x64xi32, #tpu.memory_space<hbm>>
    tpu.enqueue_dma source(%dma_start3A_51 : memref<80x64xi32, #tpu.memory_space<hbm>>) target(%arg13 : memref<80x64xi32, #tpu.memory_space<vmem>>) target_semaphore(%arg22 : memref<!tpu.dma_semaphore, #tpu.memory_space<semaphore_mem>>)
    %add3A_52 = arith.constant 32 : i32
    %add3A_53 = arith.addi %add3A_52, %add3A : i32
    %mul3A_54 = arith.constant 80 : i32
    %mul3A_55 = arith.muli %add3A_53, %mul3A_54 : i32
    %dma_start3A_56 = tpu.memref_slice %arg3[%mul3A_55] : memref<320000xi32, #tpu.memory_space<hbm>> -> memref<80xi32, #tpu.memory_space<hbm>>
    %dma_start3A_57 = tpu.memref_slice %arg3[%mul3A_55] : memref<320000xi32, #tpu.memory_space<hbm>> -> memref<80xi32, #tpu.memory_space<hbm>>
    tpu.enqueue_dma source(%dma_start3A_57 : memref<80xi32, #tpu.memory_space<hbm>>) target(%arg8 : memref<80xi32, #tpu.memory_space<vmem>>) target_semaphore(%arg17 : memref<!tpu.dma_semaphore, #tpu.memory_space<semaphore_mem>>)
    %scan3A_58 = arith.constant 0 : i32
    %scan3A_59 = arith.constant 0 : i32
    %scan3A_60 = arith.constant 63 : i32
    %scan3A_61 = arith.addi %scan3A_59, %scan3A_60 : i32
    %scan3A_62 = arith.constant 1 : i32
    scf.for %scan3A_76 = %scan3A_59 to %scan3A_61 step %scan3A_62  : i32 {
      %mul3A_77 = arith.constant 2 : i32
      %mul3A_78 = arith.muli %mul3A_77, %scan3A_76 : i32
      %add3A_79 = arith.constant 1 : i32
      %add3A_80 = arith.addi %mul3A_78, %add3A_79 : i32
      %lt3A = arith.constant 125 : i32
      %lt3A_81 = arith.cmpi slt, %add3A_80, %lt3A : i32
      %convert_element_type3A_82 = arith.extui %lt3A_81 : i1 to i32
      %cond3A_83 = arith.constant 0 : i32
      %cond3A_84 = arith.cmpi ne, %convert_element_type3A_82, %cond3A_83 : i32
      scf.if %cond3A_84 {
        %dma_wait3A_121 = arith.constant 0 : i32
        %dma_wait3A_122 = tpu.memref_slice %arg3[%dma_wait3A_121] : memref<320000xi32, #tpu.memory_space<hbm>> -> memref<80xi32, #tpu.memory_space<hbm>>
        %dma_wait3A_123 = arith.constant 0 : i32
        %dma_wait3A_124 = tpu.memref_slice %arg3[%dma_wait3A_123] : memref<320000xi32, #tpu.memory_space<hbm>> -> memref<80xi32, #tpu.memory_space<hbm>>
        tpu.wait_dma2 semaphore(%arg17 : memref<!tpu.dma_semaphore, #tpu.memory_space<semaphore_mem>>) src(%dma_wait3A_124 : memref<80xi32, #tpu.memory_space<hbm>>) dst(%arg8 : memref<80xi32, #tpu.memory_space<vmem>>)
        %ge3A = arith.constant 1 : i32
        %ge3A_125 = arith.cmpi sge, %mul3A_78, %ge3A : i32
        %convert_element_type3A_126 = arith.extui %ge3A_125 : i1 to i32
        %cond3A_127 = arith.constant 0 : i32
        %cond3A_128 = arith.cmpi ne, %convert_element_type3A_126, %cond3A_127 : i32
        scf.if %cond3A_128 {
          %dma_wait3A_152 = arith.constant 0 : i32
          %dma_wait3A_153 = arith.constant 0 : i32
          %dma_wait3A_154 = tpu.memref_slice %arg15[%dma_wait3A_152, %dma_wait3A_153] : memref<10000x128xf32, #tpu.memory_space<vmem_shared>> -> memref<10000x128xf32, #tpu.memory_space<vmem_shared>>
          tpu.wait_indirect_dma semaphore(%arg25 : memref<!tpu.dma_semaphore, #tpu.memory_space<semaphore_mem>>) src(%arg12 : memref<80x128xf32, #tpu.memory_space<vmem>>) dst(%dma_wait3A_154 : memref<10000x128xf32, #tpu.memory_space<vmem_shared>>)
        } else {
        }
        %add3A_129 = arith.constant 1 : i32
        %add3A_130 = arith.addi %mul3A_78, %add3A_129 : i32
        %mul3A_131 = arith.constant 32 : i32
        %mul3A_132 = arith.muli %add3A_130, %mul3A_131 : i32
        %add3A_133 = arith.addi %mul3A_132, %add3A : i32
        %mul3A_134 = arith.constant 80 : i32
        %mul3A_135 = arith.muli %add3A_133, %mul3A_134 : i32
        %dma_start3A_136 = tpu.memref_slice %arg4[%mul3A_135] : memref<320000xi32, #tpu.memory_space<hbm>> -> memref<80xi32, #tpu.memory_space<hbm>>
        %dma_start3A_137 = tpu.memref_slice %arg4[%mul3A_135] : memref<320000xi32, #tpu.memory_space<hbm>> -> memref<80xi32, #tpu.memory_space<hbm>>
        tpu.enqueue_dma source(%dma_start3A_137 : memref<80xi32, #tpu.memory_space<hbm>>) target(%arg10 : memref<80xi32, #tpu.memory_space<vmem>>) target_semaphore(%arg19 : memref<!tpu.dma_semaphore, #tpu.memory_space<semaphore_mem>>)
        %add3A_138 = arith.constant 1 : i32
        %add3A_139 = arith.addi %mul3A_78, %add3A_138 : i32
        %dma_start3A_140 = arith.constant 0 : i32
        %dma_start3A_141 = arith.constant 0 : i32
        %dma_start3A_142 = tpu.memref_slice %arg2[%dma_start3A_140, %dma_start3A_141] : memref<10000x128xf32, #tpu.memory_space<hbm>> -> memref<10000x128xf32, #tpu.memory_space<hbm>>
        tpu.enqueue_indirect_dma source(%dma_start3A_142 : memref<10000x128xf32, #tpu.memory_space<hbm>>) target(%arg12 : memref<80x128xf32, #tpu.memory_space<vmem>>) offsets(%arg8 : memref<80xi32, #tpu.memory_space<vmem>>) semaphore(%arg21 : memref<!tpu.dma_semaphore, #tpu.memory_space<semaphore_mem>>)
        %mul3A_143 = arith.constant 32 : i32
        %mul3A_144 = arith.muli %add3A_139, %mul3A_143 : i32
        %add3A_145 = arith.addi %mul3A_144, %add3A : i32
        %mul3A_146 = arith.constant 80 : i32
        %mul3A_147 = arith.muli %add3A_145, %mul3A_146 : i32
        %dma_start3A_148 = arith.constant 0 : i32
        %dma_start3A_149 = tpu.memref_slice %arg5[%mul3A_147, %dma_start3A_148] : memref<320000x64xi32, #tpu.memory_space<hbm>> -> memref<80x64xi32, #tpu.memory_space<hbm>>
        %dma_start3A_150 = arith.constant 0 : i32
        %dma_start3A_151 = tpu.memref_slice %arg5[%mul3A_147, %dma_start3A_150] : memref<320000x64xi32, #tpu.memory_space<hbm>> -> memref<80x64xi32, #tpu.memory_space<hbm>>
        tpu.enqueue_dma source(%dma_start3A_151 : memref<80x64xi32, #tpu.memory_space<hbm>>) target(%arg14 : memref<80x64xi32, #tpu.memory_space<vmem>>) target_semaphore(%arg23 : memref<!tpu.dma_semaphore, #tpu.memory_space<semaphore_mem>>)
      } else {
      }
      %dma_wait3A_85 = arith.constant 0 : i32
      %dma_wait3A_86 = arith.constant 0 : i32
      %dma_wait3A_87 = tpu.memref_slice %arg2[%dma_wait3A_85, %dma_wait3A_86] : memref<10000x128xf32, #tpu.memory_space<hbm>> -> memref<10000x128xf32, #tpu.memory_space<hbm>>
      tpu.wait_indirect_dma semaphore(%arg20 : memref<!tpu.dma_semaphore, #tpu.memory_space<semaphore_mem>>) src(%dma_wait3A_87 : memref<10000x128xf32, #tpu.memory_space<hbm>>) dst(%arg11 : memref<80x128xf32, #tpu.memory_space<vmem>>)
      %dma_wait3A_88 = arith.constant 0 : i32
      %dma_wait3A_89 = arith.constant 0 : i32
      %dma_wait3A_90 = tpu.memref_slice %arg5[%dma_wait3A_88, %dma_wait3A_89] : memref<320000x64xi32, #tpu.memory_space<hbm>> -> memref<80x64xi32, #tpu.memory_space<hbm>>
      %dma_wait3A_91 = arith.constant 0 : i32
      %dma_wait3A_92 = arith.constant 0 : i32
      %dma_wait3A_93 = tpu.memref_slice %arg5[%dma_wait3A_91, %dma_wait3A_92] : memref<320000x64xi32, #tpu.memory_space<hbm>> -> memref<80x64xi32, #tpu.memory_space<hbm>>
      tpu.wait_dma2 semaphore(%arg22 : memref<!tpu.dma_semaphore, #tpu.memory_space<semaphore_mem>>) src(%dma_wait3A_93 : memref<80x64xi32, #tpu.memory_space<hbm>>) dst(%arg13 : memref<80x64xi32, #tpu.memory_space<vmem>>)
      %add3A_94 = arith.constant 2 : i32
      %add3A_95 = arith.addi %mul3A_78, %add3A_94 : i32
      %lt3A_96 = arith.constant 125 : i32
      %lt3A_97 = arith.cmpi slt, %add3A_95, %lt3A_96 : i32
      %convert_element_type3A_98 = arith.extui %lt3A_97 : i1 to i32
      %cond3A_99 = arith.constant 0 : i32
      %cond3A_100 = arith.cmpi ne, %convert_element_type3A_98, %cond3A_99 : i32
      scf.if %cond3A_100 {
        %add3A_121 = arith.constant 2 : i32
        %add3A_122 = arith.addi %mul3A_78, %add3A_121 : i32
        %mul3A_123 = arith.constant 32 : i32
        %mul3A_124 = arith.muli %add3A_122, %mul3A_123 : i32
        %add3A_125 = arith.addi %mul3A_124, %add3A : i32
        %mul3A_126 = arith.constant 80 : i32
        %mul3A_127 = arith.muli %add3A_125, %mul3A_126 : i32
        %dma_start3A_128 = tpu.memref_slice %arg3[%mul3A_127] : memref<320000xi32, #tpu.memory_space<hbm>> -> memref<80xi32, #tpu.memory_space<hbm>>
        %dma_start3A_129 = tpu.memref_slice %arg3[%mul3A_127] : memref<320000xi32, #tpu.memory_space<hbm>> -> memref<80xi32, #tpu.memory_space<hbm>>
        tpu.enqueue_dma source(%dma_start3A_129 : memref<80xi32, #tpu.memory_space<hbm>>) target(%arg7 : memref<80xi32, #tpu.memory_space<vmem>>) target_semaphore(%arg16 : memref<!tpu.dma_semaphore, #tpu.memory_space<semaphore_mem>>)
      } else {
      }
      %scan3A_101 = arith.constant 0 : i32
      %scan3A_102 = arith.constant 0 : i32
      %scan3A_103 = arith.constant 80 : i32
      %scan3A_104 = arith.addi %scan3A_102, %scan3A_103 : i32
      %scan3A_105 = arith.constant 1 : i32
      scf.for %scan3A_121 = %scan3A_102 to %scan3A_104 step %scan3A_105  : i32 {
        %get3A = arith.index_cast %scan3A_121 : i32 to index
        %get3A_122 = arith.constant 0 : index
        %get3A_123 = tpu.vector_load %arg13[%get3A, %get3A_122] {strides = array<i32>} : memref<80x64xi32, #tpu.memory_space<vmem>>, vector<16xi32>,
        %shift_left3A = arith.constant 16 : i32
        %shift_left3A_124 = vector.broadcast %shift_left3A : i32 to vector<16xi32>
        %shift_left3A_125 = arith.shli %get3A_123, %shift_left3A_124 : vector<16xi32>
        %bitcast3A = vector.bitcast %shift_left3A_125 : vector<16xi32> to vector<16xf32>
        %and3A = arith.constant -65536 : i32
        %and3A_126 = vector.broadcast %and3A : i32 to vector<16xi32>
        %and3A_127 = arith.andi %get3A_123, %and3A_126 : vector<16xi32>
        %bitcast3A_128 = vector.bitcast %and3A_127 : vector<16xi32> to vector<16xf32>
        %get3A_129 = arith.index_cast %scan3A_121 : i32 to index
        %get3A_130 = arith.constant 0 : index
        %get3A_131 = tpu.vector_load %arg11[%get3A_129, %get3A_130] {strides = array<i32>} : memref<80x128xf32, #tpu.memory_space<vmem>>, vector<16xf32>,
        %mul3A_132 = arith.mulf %get3A_131, %bitcast3A : vector<16xf32>
        %swap3A = arith.index_cast %scan3A_121 : i32 to index
        %swap3A_133 = arith.constant 0 : index
        %swap3A_134 = tpu.vector_load %arg11[%swap3A, %swap3A_133] {strides = array<i32>} : memref<80x128xf32, #tpu.memory_space<vmem>>, vector<16xf32>,
        tpu.vector_store %arg11[%swap3A, %swap3A_133], %mul3A_132 {strides = array<i32>} : memref<80x128xf32, #tpu.memory_space<vmem>>, vector<16xf32>,
        %get3A_135 = arith.index_cast %scan3A_121 : i32 to index
        %get3A_136 = arith.constant 64 : index
        %get3A_137 = tpu.vector_load %arg11[%get3A_135, %get3A_136] {strides = array<i32>} : memref<80x128xf32, #tpu.memory_space<vmem>>, vector<16xf32>,
        %mul3A_138 = arith.mulf %get3A_137, %bitcast3A_128 : vector<16xf32>
        %swap3A_139 = arith.index_cast %scan3A_121 : i32 to index
        %swap3A_140 = arith.constant 64 : index
        %swap3A_141 = tpu.vector_load %arg11[%swap3A_139, %swap3A_140] {strides = array<i32>} : memref<80x128xf32, #tpu.memory_space<vmem>>, vector<16xf32>,
        tpu.vector_store %arg11[%swap3A_139, %swap3A_140], %mul3A_138 {strides = array<i32>} : memref<80x128xf32, #tpu.memory_space<vmem>>, vector<16xf32>,
        %get3A_142 = arith.index_cast %scan3A_121 : i32 to index
        %get3A_143 = arith.constant 16 : index
        %get3A_144 = tpu.vector_load %arg13[%get3A_142, %get3A_143] {strides = array<i32>} : memref<80x64xi32, #tpu.memory_space<vmem>>, vector<16xi32>,
        %shift_left3A_145 = arith.constant 16 : i32
        %shift_left3A_146 = vector.broadcast %shift_left3A_145 : i32 to vector<16xi32>
        %shift_left3A_147 = arith.shli %get3A_144, %shift_left3A_146 : vector<16xi32>
        %bitcast3A_148 = vector.bitcast %shift_left3A_147 : vector<16xi32> to vector<16xf32>
        %and3A_149 = arith.constant -65536 : i32
        %and3A_150 = vector.broadcast %and3A_149 : i32 to vector<16xi32>
        %and3A_151 = arith.andi %get3A_144, %and3A_150 : vector<16xi32>
        %bitcast3A_152 = vector.bitcast %and3A_151 : vector<16xi32> to vector<16xf32>
        %get3A_153 = arith.index_cast %scan3A_121 : i32 to index
        %get3A_154 = arith.constant 16 : index
        %get3A_155 = tpu.vector_load %arg11[%get3A_153, %get3A_154] {strides = array<i32>} : memref<80x128xf32, #tpu.memory_space<vmem>>, vector<16xf32>,
        %mul3A_156 = arith.mulf %get3A_155, %bitcast3A_148 : vector<16xf32>
        %swap3A_157 = arith.index_cast %scan3A_121 : i32 to index
        %swap3A_158 = arith.constant 16 : index
        %swap3A_159 = tpu.vector_load %arg11[%swap3A_157, %swap3A_158] {strides = array<i32>} : memref<80x128xf32, #tpu.memory_space<vmem>>, vector<16xf32>,
        tpu.vector_store %arg11[%swap3A_157, %swap3A_158], %mul3A_156 {strides = array<i32>} : memref<80x128xf32, #tpu.memory_space<vmem>>, vector<16xf32>,
        %get3A_160 = arith.index_cast %scan3A_121 : i32 to index
        %get3A_161 = arith.constant 80 : index
        %get3A_162 = tpu.vector_load %arg11[%get3A_160, %get3A_161] {strides = array<i32>} : memref<80x128xf32, #tpu.memory_space<vmem>>, vector<16xf32>,
        %mul3A_163 = arith.mulf %get3A_162, %bitcast3A_152 : vector<16xf32>
        %swap3A_164 = arith.index_cast %scan3A_121 : i32 to index
        %swap3A_165 = arith.constant 80 : index
        %swap3A_166 = tpu.vector_load %arg11[%swap3A_164, %swap3A_165] {strides = array<i32>} : memref<80x128xf32, #tpu.memory_space<vmem>>, vector<16xf32>,
        tpu.vector_store %arg11[%swap3A_164, %swap3A_165], %mul3A_163 {strides = array<i32>} : memref<80x128xf32, #tpu.memory_space<vmem>>, vector<16xf32>,
        %get3A_167 = arith.index_cast %scan3A_121 : i32 to index
        %get3A_168 = arith.constant 32 : index
        %get3A_169 = tpu.vector_load %arg13[%get3A_167, %get3A_168] {strides = array<i32>} : memref<80x64xi32, #tpu.memory_space<vmem>>, vector<16xi32>,
        %shift_left3A_170 = arith.constant 16 : i32
        %shift_left3A_171 = vector.broadcast %shift_left3A_170 : i32 to vector<16xi32>
        %shift_left3A_172 = arith.shli %get3A_169, %shift_left3A_171 : vector<16xi32>
        %bitcast3A_173 = vector.bitcast %shift_left3A_172 : vector<16xi32> to vector<16xf32>
        %and3A_174 = arith.constant -65536 : i32
        %and3A_175 = vector.broadcast %and3A_174 : i32 to vector<16xi32>
        %and3A_176 = arith.andi %get3A_169, %and3A_175 : vector<16xi32>
        %bitcast3A_177 = vector.bitcast %and3A_176 : vector<16xi32> to vector<16xf32>
        %get3A_178 = arith.index_cast %scan3A_121 : i32 to index
        %get3A_179 = arith.constant 32 : index
        %get3A_180 = tpu.vector_load %arg11[%get3A_178, %get3A_179] {strides = array<i32>} : memref<80x128xf32, #tpu.memory_space<vmem>>, vector<16xf32>,
        %mul3A_181 = arith.mulf %get3A_180, %bitcast3A_173 : vector<16xf32>
        %swap3A_182 = arith.index_cast %scan3A_121 : i32 to index
        %swap3A_183 = arith.constant 32 : index
        %swap3A_184 = tpu.vector_load %arg11[%swap3A_182, %swap3A_183] {strides = array<i32>} : memref<80x128xf32, #tpu.memory_space<vmem>>, vector<16xf32>,
        tpu.vector_store %arg11[%swap3A_182, %swap3A_183], %mul3A_181 {strides = array<i32>} : memref<80x128xf32, #tpu.memory_space<vmem>>, vector<16xf32>,
        %get3A_185 = arith.index_cast %scan3A_121 : i32 to index
        %get3A_186 = arith.constant 96 : index
        %get3A_187 = tpu.vector_load %arg11[%get3A_185, %get3A_186] {strides = array<i32>} : memref<80x128xf32, #tpu.memory_space<vmem>>, vector<16xf32>,
        %mul3A_188 = arith.mulf %get3A_187, %bitcast3A_177 : vector<16xf32>
        %swap3A_189 = arith.index_cast %scan3A_121 : i32 to index
        %swap3A_190 = arith.constant 96 : index
        %swap3A_191 = tpu.vector_load %arg11[%swap3A_189, %swap3A_190] {strides = array<i32>} : memref<80x128xf32, #tpu.memory_space<vmem>>, vector<16xf32>,
        tpu.vector_store %arg11[%swap3A_189, %swap3A_190], %mul3A_188 {strides = array<i32>} : memref<80x128xf32, #tpu.memory_space<vmem>>, vector<16xf32>,
        %get3A_192 = arith.index_cast %scan3A_121 : i32 to index
        %get3A_193 = arith.constant 48 : index
        %get3A_194 = tpu.vector_load %arg13[%get3A_192, %get3A_193] {strides = array<i32>} : memref<80x64xi32, #tpu.memory_space<vmem>>, vector<16xi32>,
        %shift_left3A_195 = arith.constant 16 : i32
        %shift_left3A_196 = vector.broadcast %shift_left3A_195 : i32 to vector<16xi32>
        %shift_left3A_197 = arith.shli %get3A_194, %shift_left3A_196 : vector<16xi32>
        %bitcast3A_198 = vector.bitcast %shift_left3A_197 : vector<16xi32> to vector<16xf32>
        %and3A_199 = arith.constant -65536 : i32
        %and3A_200 = vector.broadcast %and3A_199 : i32 to vector<16xi32>
        %and3A_201 = arith.andi %get3A_194, %and3A_200 : vector<16xi32>
        %bitcast3A_202 = vector.bitcast %and3A_201 : vector<16xi32> to vector<16xf32>
        %get3A_203 = arith.index_cast %scan3A_121 : i32 to index
        %get3A_204 = arith.constant 48 : index
        %get3A_205 = tpu.vector_load %arg11[%get3A_203, %get3A_204] {strides = array<i32>} : memref<80x128xf32, #tpu.memory_space<vmem>>, vector<16xf32>,
        %mul3A_206 = arith.mulf %get3A_205, %bitcast3A_198 : vector<16xf32>
        %swap3A_207 = arith.index_cast %scan3A_121 : i32 to index
        %swap3A_208 = arith.constant 48 : index
        %swap3A_209 = tpu.vector_load %arg11[%swap3A_207, %swap3A_208] {strides = array<i32>} : memref<80x128xf32, #tpu.memory_space<vmem>>, vector<16xf32>,
        tpu.vector_store %arg11[%swap3A_207, %swap3A_208], %mul3A_206 {strides = array<i32>} : memref<80x128xf32, #tpu.memory_space<vmem>>, vector<16xf32>,
        %get3A_210 = arith.index_cast %scan3A_121 : i32 to index
        %get3A_211 = arith.constant 112 : index
        %get3A_212 = tpu.vector_load %arg11[%get3A_210, %get3A_211] {strides = array<i32>} : memref<80x128xf32, #tpu.memory_space<vmem>>, vector<16xf32>,
        %mul3A_213 = arith.mulf %get3A_212, %bitcast3A_202 : vector<16xf32>
        %swap3A_214 = arith.index_cast %scan3A_121 : i32 to index
        %swap3A_215 = arith.constant 112 : index
        %swap3A_216 = tpu.vector_load %arg11[%swap3A_214, %swap3A_215] {strides = array<i32>} : memref<80x128xf32, #tpu.memory_space<vmem>>, vector<16xf32>,
        tpu.vector_store %arg11[%swap3A_214, %swap3A_215], %mul3A_213 {strides = array<i32>} : memref<80x128xf32, #tpu.memory_space<vmem>>, vector<16xf32>,
      }
      %scan3A_106 = arith.constant 80 : i32
      %dma_wait3A_107 = arith.constant 0 : i32
      %dma_wait3A_108 = tpu.memref_slice %arg4[%dma_wait3A_107] : memref<320000xi32, #tpu.memory_space<hbm>> -> memref<80xi32, #tpu.memory_space<hbm>>
      %dma_wait3A_109 = arith.constant 0 : i32
      %dma_wait3A_110 = tpu.memref_slice %arg4[%dma_wait3A_109] : memref<320000xi32, #tpu.memory_space<hbm>> -> memref<80xi32, #tpu.memory_space<hbm>>
      tpu.wait_dma2 semaphore(%arg18 : memref<!tpu.dma_semaphore, #tpu.memory_space<semaphore_mem>>) src(%dma_wait3A_110 : memref<80xi32, #tpu.memory_space<hbm>>) dst(%arg9 : memref<80xi32, #tpu.memory_space<vmem>>)
      %dma_start3A_111 = arith.constant 0 : i32
      %dma_start3A_112 = arith.constant 0 : i32
      %dma_start3A_113 = tpu.memref_slice %arg15[%dma_start3A_111, %dma_start3A_112] : memref<10000x128xf32, #tpu.memory_space<vmem_shared>> -> memref<10000x128xf32, #tpu.memory_space<vmem_shared>>
      tpu.enqueue_indirect_dma source(%arg11 : memref<80x128xf32, #tpu.memory_space<vmem>>) target(%dma_start3A_113 : memref<10000x128xf32, #tpu.memory_space<vmem_shared>>) offsets(%arg9 : memref<80xi32, #tpu.memory_space<vmem>>) semaphore(%arg24 : memref<!tpu.dma_semaphore, #tpu.memory_space<semaphore_mem>>) {add = true}
      %add3A_114 = arith.constant 1 : i32
      %add3A_115 = arith.addi %mul3A_78, %add3A_114 : i32
      %lt3A_116 = arith.constant 125 : i32
      %lt3A_117 = arith.cmpi slt, %add3A_115, %lt3A_116 : i32
      %convert_element_type3A_118 = arith.extui %lt3A_117 : i1 to i32
      %cond3A_119 = arith.constant 0 : i32
      %cond3A_120 = arith.cmpi ne, %convert_element_type3A_118, %cond3A_119 : i32
      scf.if %cond3A_120 {
        %add3A_121 = arith.constant 1 : i32
        %add3A_122 = arith.addi %mul3A_78, %add3A_121 : i32
        %add3A_123 = arith.constant 1 : i32
        %add3A_124 = arith.addi %add3A_122, %add3A_123 : i32
        %lt3A_125 = arith.constant 125 : i32
        %lt3A_126 = arith.cmpi slt, %add3A_124, %lt3A_125 : i32
        %convert_element_type3A_127 = arith.extui %lt3A_126 : i1 to i32
        %cond3A_128 = arith.constant 0 : i32
        %cond3A_129 = arith.cmpi ne, %convert_element_type3A_127, %cond3A_128 : i32
        scf.if %cond3A_129 {
          %dma_wait3A_159 = arith.constant 0 : i32
          %dma_wait3A_160 = tpu.memref_slice %arg3[%dma_wait3A_159] : memref<320000xi32, #tpu.memory_space<hbm>> -> memref<80xi32, #tpu.memory_space<hbm>>
          %dma_wait3A_161 = arith.constant 0 : i32
          %dma_wait3A_162 = tpu.memref_slice %arg3[%dma_wait3A_161] : memref<320000xi32, #tpu.memory_space<hbm>> -> memref<80xi32, #tpu.memory_space<hbm>>
          tpu.wait_dma2 semaphore(%arg16 : memref<!tpu.dma_semaphore, #tpu.memory_space<semaphore_mem>>) src(%dma_wait3A_162 : memref<80xi32, #tpu.memory_space<hbm>>) dst(%arg7 : memref<80xi32, #tpu.memory_space<vmem>>)
          %ge3A = arith.constant 1 : i32
          %ge3A_163 = arith.cmpi sge, %add3A_122, %ge3A : i32
          %convert_element_type3A_164 = arith.extui %ge3A_163 : i1 to i32
          %cond3A_165 = arith.constant 0 : i32
          %cond3A_166 = arith.cmpi ne, %convert_element_type3A_164, %cond3A_165 : i32
          scf.if %cond3A_166 {
            %dma_wait3A_190 = arith.constant 0 : i32
            %dma_wait3A_191 = arith.constant 0 : i32
            %dma_wait3A_192 = tpu.memref_slice %arg15[%dma_wait3A_190, %dma_wait3A_191] : memref<10000x128xf32, #tpu.memory_space<vmem_shared>> -> memref<10000x128xf32, #tpu.memory_space<vmem_shared>>
            tpu.wait_indirect_dma semaphore(%arg24 : memref<!tpu.dma_semaphore, #tpu.memory_space<semaphore_mem>>) src(%arg11 : memref<80x128xf32, #tpu.memory_space<vmem>>) dst(%dma_wait3A_192 : memref<10000x128xf32, #tpu.memory_space<vmem_shared>>)
          } else {
          }
          %add3A_167 = arith.constant 1 : i32
          %add3A_168 = arith.addi %add3A_122, %add3A_167 : i32
          %mul3A_169 = arith.constant 32 : i32
          %mul3A_170 = arith.muli %add3A_168, %mul3A_169 : i32
          %add3A_171 = arith.addi %mul3A_170, %add3A : i32
          %mul3A_172 = arith.constant 80 : i32
          %mul3A_173 = arith.muli %add3A_171, %mul3A_172 : i32
          %dma_start3A_174 = tpu.memref_slice %arg4[%mul3A_173] : memref<320000xi32, #tpu.memory_space<hbm>> -> memref<80xi32, #tpu.memory_space<hbm>>
          %dma_start3A_175 = tpu.memref_slice %arg4[%mul3A_173] : memref<320000xi32, #tpu.memory_space<hbm>> -> memref<80xi32, #tpu.memory_space<hbm>>
          tpu.enqueue_dma source(%dma_start3A_175 : memref<80xi32, #tpu.memory_space<hbm>>) target(%arg9 : memref<80xi32, #tpu.memory_space<vmem>>) target_semaphore(%arg18 : memref<!tpu.dma_semaphore, #tpu.memory_space<semaphore_mem>>)
          %add3A_176 = arith.constant 1 : i32
          %add3A_177 = arith.addi %add3A_122, %add3A_176 : i32
          %dma_start3A_178 = arith.constant 0 : i32
          %dma_start3A_179 = arith.constant 0 : i32
          %dma_start3A_180 = tpu.memref_slice %arg2[%dma_start3A_178, %dma_start3A_179] : memref<10000x128xf32, #tpu.memory_space<hbm>> -> memref<10000x128xf32, #tpu.memory_space<hbm>>
          tpu.enqueue_indirect_dma source(%dma_start3A_180 : memref<10000x128xf32, #tpu.memory_space<hbm>>) target(%arg11 : memref<80x128xf32, #tpu.memory_space<vmem>>) offsets(%arg7 : memref<80xi32, #tpu.memory_space<vmem>>) semaphore(%arg20 : memref<!tpu.dma_semaphore, #tpu.memory_space<semaphore_mem>>)
          %mul3A_181 = arith.constant 32 : i32
          %mul3A_182 = arith.muli %add3A_177, %mul3A_181 : i32
          %add3A_183 = arith.addi %mul3A_182, %add3A : i32
          %mul3A_184 = arith.constant 80 : i32
          %mul3A_185 = arith.muli %add3A_183, %mul3A_184 : i32
          %dma_start3A_186 = arith.constant 0 : i32
          %dma_start3A_187 = tpu.memref_slice %arg5[%mul3A_185, %dma_start3A_186] : memref<320000x64xi32, #tpu.memory_space<hbm>> -> memref<80x64xi32, #tpu.memory_space<hbm>>
          %dma_start3A_188 = arith.constant 0 : i32
          %dma_start3A_189 = tpu.memref_slice %arg5[%mul3A_185, %dma_start3A_188] : memref<320000x64xi32, #tpu.memory_space<hbm>> -> memref<80x64xi32, #tpu.memory_space<hbm>>
          tpu.enqueue_dma source(%dma_start3A_189 : memref<80x64xi32, #tpu.memory_space<hbm>>) target(%arg13 : memref<80x64xi32, #tpu.memory_space<vmem>>) target_semaphore(%arg22 : memref<!tpu.dma_semaphore, #tpu.memory_space<semaphore_mem>>)
        } else {
        }
        %dma_wait3A_130 = arith.constant 0 : i32
        %dma_wait3A_131 = arith.constant 0 : i32
        %dma_wait3A_132 = tpu.memref_slice %arg2[%dma_wait3A_130, %dma_wait3A_131] : memref<10000x128xf32, #tpu.memory_space<hbm>> -> memref<10000x128xf32, #tpu.memory_space<hbm>>
        tpu.wait_indirect_dma semaphore(%arg21 : memref<!tpu.dma_semaphore, #tpu.memory_space<semaphore_mem>>) src(%dma_wait3A_132 : memref<10000x128xf32, #tpu.memory_space<hbm>>) dst(%arg12 : memref<80x128xf32, #tpu.memory_space<vmem>>)
        %dma_wait3A_133 = arith.constant 0 : i32
        %dma_wait3A_134 = arith.constant 0 : i32
        %dma_wait3A_135 = tpu.memref_slice %arg5[%dma_wait3A_133, %dma_wait3A_134] : memref<320000x64xi32, #tpu.memory_space<hbm>> -> memref<80x64xi32, #tpu.memory_space<hbm>>
        %dma_wait3A_136 = arith.constant 0 : i32
        %dma_wait3A_137 = arith.constant 0 : i32
        %dma_wait3A_138 = tpu.memref_slice %arg5[%dma_wait3A_136, %dma_wait3A_137] : memref<320000x64xi32, #tpu.memory_space<hbm>> -> memref<80x64xi32, #tpu.memory_space<hbm>>
        tpu.wait_dma2 semaphore(%arg23 : memref<!tpu.dma_semaphore, #tpu.memory_space<semaphore_mem>>) src(%dma_wait3A_138 : memref<80x64xi32, #tpu.memory_space<hbm>>) dst(%arg14 : memref<80x64xi32, #tpu.memory_space<vmem>>)
        %add3A_139 = arith.constant 2 : i32
        %add3A_140 = arith.addi %add3A_122, %add3A_139 : i32
        %lt3A_141 = arith.constant 125 : i32
        %lt3A_142 = arith.cmpi slt, %add3A_140, %lt3A_141 : i32
        %convert_element_type3A_143 = arith.extui %lt3A_142 : i1 to i32
        %cond3A_144 = arith.constant 0 : i32
        %cond3A_145 = arith.cmpi ne, %convert_element_type3A_143, %cond3A_144 : i32
        scf.if %cond3A_145 {
          %add3A_159 = arith.constant 2 : i32
          %add3A_160 = arith.addi %add3A_122, %add3A_159 : i32
          %mul3A_161 = arith.constant 32 : i32
          %mul3A_162 = arith.muli %add3A_160, %mul3A_161 : i32
          %add3A_163 = arith.addi %mul3A_162, %add3A : i32
          %mul3A_164 = arith.constant 80 : i32
          %mul3A_165 = arith.muli %add3A_163, %mul3A_164 : i32
          %dma_start3A_166 = tpu.memref_slice %arg3[%mul3A_165] : memref<320000xi32, #tpu.memory_space<hbm>> -> memref<80xi32, #tpu.memory_space<hbm>>
          %dma_start3A_167 = tpu.memref_slice %arg3[%mul3A_165] : memref<320000xi32, #tpu.memory_space<hbm>> -> memref<80xi32, #tpu.memory_space<hbm>>
          tpu.enqueue_dma source(%dma_start3A_167 : memref<80xi32, #tpu.memory_space<hbm>>) target(%arg8 : memref<80xi32, #tpu.memory_space<vmem>>) target_semaphore(%arg17 : memref<!tpu.dma_semaphore, #tpu.memory_space<semaphore_mem>>)
        } else {
        }
        %scan3A_146 = arith.constant 0 : i32
        %scan3A_147 = arith.constant 0 : i32
        %scan3A_148 = arith.constant 80 : i32
        %scan3A_149 = arith.addi %scan3A_147, %scan3A_148 : i32
        %scan3A_150 = arith.constant 1 : i32
        scf.for %scan3A_159 = %scan3A_147 to %scan3A_149 step %scan3A_150  : i32 {
          %get3A = arith.index_cast %scan3A_159 : i32 to index
          %get3A_160 = arith.constant 0 : index
          %get3A_161 = tpu.vector_load %arg14[%get3A, %get3A_160] {strides = array<i32>} : memref<80x64xi32, #tpu.memory_space<vmem>>, vector<16xi32>,
          %shift_left3A = arith.constant 16 : i32
          %shift_left3A_162 = vector.broadcast %shift_left3A : i32 to vector<16xi32>
          %shift_left3A_163 = arith.shli %get3A_161, %shift_left3A_162 : vector<16xi32>
          %bitcast3A = vector.bitcast %shift_left3A_163 : vector<16xi32> to vector<16xf32>
          %and3A = arith.constant -65536 : i32
          %and3A_164 = vector.broadcast %and3A : i32 to vector<16xi32>
          %and3A_165 = arith.andi %get3A_161, %and3A_164 : vector<16xi32>
          %bitcast3A_166 = vector.bitcast %and3A_165 : vector<16xi32> to vector<16xf32>
          %get3A_167 = arith.index_cast %scan3A_159 : i32 to index
          %get3A_168 = arith.constant 0 : index
          %get3A_169 = tpu.vector_load %arg12[%get3A_167, %get3A_168] {strides = array<i32>} : memref<80x128xf32, #tpu.memory_space<vmem>>, vector<16xf32>,
          %mul3A_170 = arith.mulf %get3A_169, %bitcast3A : vector<16xf32>
          %swap3A = arith.index_cast %scan3A_159 : i32 to index
          %swap3A_171 = arith.constant 0 : index
          %swap3A_172 = tpu.vector_load %arg12[%swap3A, %swap3A_171] {strides = array<i32>} : memref<80x128xf32, #tpu.memory_space<vmem>>, vector<16xf32>,
          tpu.vector_store %arg12[%swap3A, %swap3A_171], %mul3A_170 {strides = array<i32>} : memref<80x128xf32, #tpu.memory_space<vmem>>, vector<16xf32>,
          %get3A_173 = arith.index_cast %scan3A_159 : i32 to index
          %get3A_174 = arith.constant 64 : index
          %get3A_175 = tpu.vector_load %arg12[%get3A_173, %get3A_174] {strides = array<i32>} : memref<80x128xf32, #tpu.memory_space<vmem>>, vector<16xf32>,
          %mul3A_176 = arith.mulf %get3A_175, %bitcast3A_166 : vector<16xf32>
          %swap3A_177 = arith.index_cast %scan3A_159 : i32 to index
          %swap3A_178 = arith.constant 64 : index
          %swap3A_179 = tpu.vector_load %arg12[%swap3A_177, %swap3A_178] {strides = array<i32>} : memref<80x128xf32, #tpu.memory_space<vmem>>, vector<16xf32>,
          tpu.vector_store %arg12[%swap3A_177, %swap3A_178], %mul3A_176 {strides = array<i32>} : memref<80x128xf32, #tpu.memory_space<vmem>>, vector<16xf32>,
          %get3A_180 = arith.index_cast %scan3A_159 : i32 to index
          %get3A_181 = arith.constant 16 : index
          %get3A_182 = tpu.vector_load %arg14[%get3A_180, %get3A_181] {strides = array<i32>} : memref<80x64xi32, #tpu.memory_space<vmem>>, vector<16xi32>,
          %shift_left3A_183 = arith.constant 16 : i32
          %shift_left3A_184 = vector.broadcast %shift_left3A_183 : i32 to vector<16xi32>
          %shift_left3A_185 = arith.shli %get3A_182, %shift_left3A_184 : vector<16xi32>
          %bitcast3A_186 = vector.bitcast %shift_left3A_185 : vector<16xi32> to vector<16xf32>
          %and3A_187 = arith.constant -65536 : i32
          %and3A_188 = vector.broadcast %and3A_187 : i32 to vector<16xi32>
          %and3A_189 = arith.andi %get3A_182, %and3A_188 : vector<16xi32>
          %bitcast3A_190 = vector.bitcast %and3A_189 : vector<16xi32> to vector<16xf32>
          %get3A_191 = arith.index_cast %scan3A_159 : i32 to index
          %get3A_192 = arith.constant 16 : index
          %get3A_193 = tpu.vector_load %arg12[%get3A_191, %get3A_192] {strides = array<i32>} : memref<80x128xf32, #tpu.memory_space<vmem>>, vector<16xf32>,
          %mul3A_194 = arith.mulf %get3A_193, %bitcast3A_186 : vector<16xf32>
          %swap3A_195 = arith.index_cast %scan3A_159 : i32 to index
          %swap3A_196 = arith.constant 16 : index
          %swap3A_197 = tpu.vector_load %arg12[%swap3A_195, %swap3A_196] {strides = array<i32>} : memref<80x128xf32, #tpu.memory_space<vmem>>, vector<16xf32>,
          tpu.vector_store %arg12[%swap3A_195, %swap3A_196], %mul3A_194 {strides = array<i32>} : memref<80x128xf32, #tpu.memory_space<vmem>>, vector<16xf32>,
          %get3A_198 = arith.index_cast %scan3A_159 : i32 to index
          %get3A_199 = arith.constant 80 : index
          %get3A_200 = tpu.vector_load %arg12[%get3A_198, %get3A_199] {strides = array<i32>} : memref<80x128xf32, #tpu.memory_space<vmem>>, vector<16xf32>,
          %mul3A_201 = arith.mulf %get3A_200, %bitcast3A_190 : vector<16xf32>
          %swap3A_202 = arith.index_cast %scan3A_159 : i32 to index
          %swap3A_203 = arith.constant 80 : index
          %swap3A_204 = tpu.vector_load %arg12[%swap3A_202, %swap3A_203] {strides = array<i32>} : memref<80x128xf32, #tpu.memory_space<vmem>>, vector<16xf32>,
          tpu.vector_store %arg12[%swap3A_202, %swap3A_203], %mul3A_201 {strides = array<i32>} : memref<80x128xf32, #tpu.memory_space<vmem>>, vector<16xf32>,
          %get3A_205 = arith.index_cast %scan3A_159 : i32 to index
          %get3A_206 = arith.constant 32 : index
          %get3A_207 = tpu.vector_load %arg14[%get3A_205, %get3A_206] {strides = array<i32>} : memref<80x64xi32, #tpu.memory_space<vmem>>, vector<16xi32>,
          %shift_left3A_208 = arith.constant 16 : i32
          %shift_left3A_209 = vector.broadcast %shift_left3A_208 : i32 to vector<16xi32>
          %shift_left3A_210 = arith.shli %get3A_207, %shift_left3A_209 : vector<16xi32>
          %bitcast3A_211 = vector.bitcast %shift_left3A_210 : vector<16xi32> to vector<16xf32>
          %and3A_212 = arith.constant -65536 : i32
          %and3A_213 = vector.broadcast %and3A_212 : i32 to vector<16xi32>
          %and3A_214 = arith.andi %get3A_207, %and3A_213 : vector<16xi32>
          %bitcast3A_215 = vector.bitcast %and3A_214 : vector<16xi32> to vector<16xf32>
          %get3A_216 = arith.index_cast %scan3A_159 : i32 to index
          %get3A_217 = arith.constant 32 : index
          %get3A_218 = tpu.vector_load %arg12[%get3A_216, %get3A_217] {strides = array<i32>} : memref<80x128xf32, #tpu.memory_space<vmem>>, vector<16xf32>,
          %mul3A_219 = arith.mulf %get3A_218, %bitcast3A_211 : vector<16xf32>
          %swap3A_220 = arith.index_cast %scan3A_159 : i32 to index
          %swap3A_221 = arith.constant 32 : index
          %swap3A_222 = tpu.vector_load %arg12[%swap3A_220, %swap3A_221] {strides = array<i32>} : memref<80x128xf32, #tpu.memory_space<vmem>>, vector<16xf32>,
          tpu.vector_store %arg12[%swap3A_220, %swap3A_221], %mul3A_219 {strides = array<i32>} : memref<80x128xf32, #tpu.memory_space<vmem>>, vector<16xf32>,
          %get3A_223 = arith.index_cast %scan3A_159 : i32 to index
          %get3A_224 = arith.constant 96 : index
          %get3A_225 = tpu.vector_load %arg12[%get3A_223, %get3A_224] {strides = array<i32>} : memref<80x128xf32, #tpu.memory_space<vmem>>, vector<16xf32>,
          %mul3A_226 = arith.mulf %get3A_225, %bitcast3A_215 : vector<16xf32>
          %swap3A_227 = arith.index_cast %scan3A_159 : i32 to index
          %swap3A_228 = arith.constant 96 : index
          %swap3A_229 = tpu.vector_load %arg12[%swap3A_227, %swap3A_228] {strides = array<i32>} : memref<80x128xf32, #tpu.memory_space<vmem>>, vector<16xf32>,
          tpu.vector_store %arg12[%swap3A_227, %swap3A_228], %mul3A_226 {strides = array<i32>} : memref<80x128xf32, #tpu.memory_space<vmem>>, vector<16xf32>,
          %get3A_230 = arith.index_cast %scan3A_159 : i32 to index
          %get3A_231 = arith.constant 48 : index
          %get3A_232 = tpu.vector_load %arg14[%get3A_230, %get3A_231] {strides = array<i32>} : memref<80x64xi32, #tpu.memory_space<vmem>>, vector<16xi32>,
          %shift_left3A_233 = arith.constant 16 : i32
          %shift_left3A_234 = vector.broadcast %shift_left3A_233 : i32 to vector<16xi32>
          %shift_left3A_235 = arith.shli %get3A_232, %shift_left3A_234 : vector<16xi32>
          %bitcast3A_236 = vector.bitcast %shift_left3A_235 : vector<16xi32> to vector<16xf32>
          %and3A_237 = arith.constant -65536 : i32
          %and3A_238 = vector.broadcast %and3A_237 : i32 to vector<16xi32>
          %and3A_239 = arith.andi %get3A_232, %and3A_238 : vector<16xi32>
          %bitcast3A_240 = vector.bitcast %and3A_239 : vector<16xi32> to vector<16xf32>
          %get3A_241 = arith.index_cast %scan3A_159 : i32 to index
          %get3A_242 = arith.constant 48 : index
          %get3A_243 = tpu.vector_load %arg12[%get3A_241, %get3A_242] {strides = array<i32>} : memref<80x128xf32, #tpu.memory_space<vmem>>, vector<16xf32>,
          %mul3A_244 = arith.mulf %get3A_243, %bitcast3A_236 : vector<16xf32>
          %swap3A_245 = arith.index_cast %scan3A_159 : i32 to index
          %swap3A_246 = arith.constant 48 : index
          %swap3A_247 = tpu.vector_load %arg12[%swap3A_245, %swap3A_246] {strides = array<i32>} : memref<80x128xf32, #tpu.memory_space<vmem>>, vector<16xf32>,
          tpu.vector_store %arg12[%swap3A_245, %swap3A_246], %mul3A_244 {strides = array<i32>} : memref<80x128xf32, #tpu.memory_space<vmem>>, vector<16xf32>,
          %get3A_248 = arith.index_cast %scan3A_159 : i32 to index
          %get3A_249 = arith.constant 112 : index
          %get3A_250 = tpu.vector_load %arg12[%get3A_248, %get3A_249] {strides = array<i32>} : memref<80x128xf32, #tpu.memory_space<vmem>>, vector<16xf32>,
          %mul3A_251 = arith.mulf %get3A_250, %bitcast3A_240 : vector<16xf32>
          %swap3A_252 = arith.index_cast %scan3A_159 : i32 to index
          %swap3A_253 = arith.constant 112 : index
          %swap3A_254 = tpu.vector_load %arg12[%swap3A_252, %swap3A_253] {strides = array<i32>} : memref<80x128xf32, #tpu.memory_space<vmem>>, vector<16xf32>,
          tpu.vector_store %arg12[%swap3A_252, %swap3A_253], %mul3A_251 {strides = array<i32>} : memref<80x128xf32, #tpu.memory_space<vmem>>, vector<16xf32>,
        }
        %scan3A_151 = arith.constant 80 : i32
        %dma_wait3A_152 = arith.constant 0 : i32
        %dma_wait3A_153 = tpu.memref_slice %arg4[%dma_wait3A_152] : memref<320000xi32, #tpu.memory_space<hbm>> -> memref<80xi32, #tpu.memory_space<hbm>>
        %dma_wait3A_154 = arith.constant 0 : i32
        %dma_wait3A_155 = tpu.memref_slice %arg4[%dma_wait3A_154] : memref<320000xi32, #tpu.memory_space<hbm>> -> memref<80xi32, #tpu.memory_space<hbm>>
        tpu.wait_dma2 semaphore(%arg19 : memref<!tpu.dma_semaphore, #tpu.memory_space<semaphore_mem>>) src(%dma_wait3A_155 : memref<80xi32, #tpu.memory_space<hbm>>) dst(%arg10 : memref<80xi32, #tpu.memory_space<vmem>>)
        %dma_start3A_156 = arith.constant 0 : i32
        %dma_start3A_157 = arith.constant 0 : i32
        %dma_start3A_158 = tpu.memref_slice %arg15[%dma_start3A_156, %dma_start3A_157] : memref<10000x128xf32, #tpu.memory_space<vmem_shared>> -> memref<10000x128xf32, #tpu.memory_space<vmem_shared>>
        tpu.enqueue_indirect_dma source(%arg12 : memref<80x128xf32, #tpu.memory_space<vmem>>) target(%dma_start3A_158 : memref<10000x128xf32, #tpu.memory_space<vmem_shared>>) offsets(%arg10 : memref<80xi32, #tpu.memory_space<vmem>>) semaphore(%arg25 : memref<!tpu.dma_semaphore, #tpu.memory_space<semaphore_mem>>) {add = true}
      } else {
      }
    }
    %scan3A_63 = arith.constant 63 : i32
    %dma_wait3A_64 = arith.constant 0 : i32
    %dma_wait3A_65 = arith.constant 0 : i32
    %dma_wait3A_66 = tpu.memref_slice %arg15[%dma_wait3A_64, %dma_wait3A_65] : memref<10000x128xf32, #tpu.memory_space<vmem_shared>> -> memref<10000x128xf32, #tpu.memory_space<vmem_shared>>
    tpu.wait_indirect_dma semaphore(%arg24 : memref<!tpu.dma_semaphore, #tpu.memory_space<semaphore_mem>>) src(%arg11 : memref<80x128xf32, #tpu.memory_space<vmem>>) dst(%dma_wait3A_66 : memref<10000x128xf32, #tpu.memory_space<vmem_shared>>)
    %dma_wait3A_67 = arith.constant 0 : i32
    %dma_wait3A_68 = arith.constant 0 : i32
    %dma_wait3A_69 = tpu.memref_slice %arg15[%dma_wait3A_67, %dma_wait3A_68] : memref<10000x128xf32, #tpu.memory_space<vmem_shared>> -> memref<10000x128xf32, #tpu.memory_space<vmem_shared>>
    tpu.wait_indirect_dma semaphore(%arg25 : memref<!tpu.dma_semaphore, #tpu.memory_space<semaphore_mem>>) src(%arg12 : memref<80x128xf32, #tpu.memory_space<vmem>>) dst(%dma_wait3A_69 : memref<10000x128xf32, #tpu.memory_space<vmem_shared>>)
    %barrier3A_70 = arith.constant 0 : index
    tpu.barrier barrier_id(%barrier3A_70)
    "tpu.region"() ({
      %run_scoped3A = tpu.sem_alloc : memref<!tpu.dma_semaphore, #tpu.memory_space<semaphore_mem>>
      %dma_start3A_76 = arith.constant 0 : i32
      %dma_start3A_77 = arith.constant 0 : i32
      %dma_start3A_78 = tpu.memref_slice %arg6[%arg0, %dma_start3A_76, %dma_start3A_77] : memref<2x10000x128xf32, #tpu.memory_space<hbm>> -> memref<1x10000x128xf32, #tpu.memory_space<hbm>>
      %dma_start3A_79 = tpu.memref_squeeze %dma_start3A_78 : memref<1x10000x128xf32, #tpu.memory_space<hbm>> -> memref<10000x128xf32, #tpu.memory_space<hbm>>
      %dma_start3A_80 = arith.constant 0 : i32
      %dma_start3A_81 = tpu.memref_slice %dma_start3A_79[%mul3A_8, %dma_start3A_80] : memref<10000x128xf32, #tpu.memory_space<hbm>> -> memref<624x128xf32, #tpu.memory_space<hbm>>
      %dma_start3A_82 = arith.constant 0 : i32
      %dma_start3A_83 = tpu.memref_slice %arg15[%mul3A_8, %dma_start3A_82] : memref<10000x128xf32, #tpu.memory_space<vmem_shared>> -> memref<624x128xf32, #tpu.memory_space<vmem_shared>>
      tpu.enqueue_dma source(%dma_start3A_83 : memref<624x128xf32, #tpu.memory_space<vmem_shared>>) target(%dma_start3A_81 : memref<624x128xf32, #tpu.memory_space<hbm>>) target_semaphore(%run_scoped3A : memref<!tpu.dma_semaphore, #tpu.memory_space<semaphore_mem>>)
      %dma_wait3A_84 = arith.constant 0 : i32
      %dma_wait3A_85 = arith.constant 0 : i32
      %dma_wait3A_86 = tpu.memref_slice %arg6[%arg0, %dma_wait3A_84, %dma_wait3A_85] : memref<2x10000x128xf32, #tpu.memory_space<hbm>> -> memref<1x10000x128xf32, #tpu.memory_space<hbm>>
      %dma_wait3A_87 = tpu.memref_squeeze %dma_wait3A_86 : memref<1x10000x128xf32, #tpu.memory_space<hbm>> -> memref<10000x128xf32, #tpu.memory_space<hbm>>
      %dma_wait3A_88 = arith.constant 0 : i32
      %dma_wait3A_89 = tpu.memref_slice %dma_wait3A_87[%mul3A_8, %dma_wait3A_88] : memref<10000x128xf32, #tpu.memory_space<hbm>> -> memref<624x128xf32, #tpu.memory_space<hbm>>
      %dma_wait3A_90 = arith.constant 0 : i32
      %dma_wait3A_91 = tpu.memref_slice %arg15[%mul3A_8, %dma_wait3A_90] : memref<10000x128xf32, #tpu.memory_space<vmem_shared>> -> memref<624x128xf32, #tpu.memory_space<vmem_shared>>
      tpu.wait_dma2 semaphore(%run_scoped3A : memref<!tpu.dma_semaphore, #tpu.memory_space<semaphore_mem>>) src(%dma_wait3A_91 : memref<624x128xf32, #tpu.memory_space<vmem_shared>>) dst(%dma_wait3A_89 : memref<624x128xf32, #tpu.memory_space<hbm>>)
      tpu.yield
    }) : () -> ()
    %eq3A_71 = arith.constant 15 : i32
    %eq3A_72 = arith.cmpi eq, %arg1, %eq3A_71 : i32
    %convert_element_type3A_73 = arith.extui %eq3A_72 : i1 to i32
    %cond3A_74 = arith.constant 0 : i32
    %cond3A_75 = arith.cmpi ne, %convert_element_type3A_73, %cond3A_74 : i32
    scf.if %cond3A_75 {
      "tpu.region"() ({
        %run_scoped3A = tpu.sem_alloc : memref<!tpu.dma_semaphore, #tpu.memory_space<semaphore_mem>>
        %dma_start3A_76 = arith.constant 0 : i32
        %dma_start3A_77 = arith.constant 0 : i32
        %dma_start3A_78 = tpu.memref_slice %arg6[%arg0, %dma_start3A_76, %dma_start3A_77] : memref<2x10000x128xf32, #tpu.memory_space<hbm>> -> memref<1x10000x128xf32, #tpu.memory_space<hbm>>
        %dma_start3A_79 = tpu.memref_squeeze %dma_start3A_78 : memref<1x10000x128xf32, #tpu.memory_space<hbm>> -> memref<10000x128xf32, #tpu.memory_space<hbm>>
        %dma_start3A_80 = arith.constant 9984 : i32
        %dma_start3A_81 = arith.constant 0 : i32
        %dma_start3A_82 = tpu.memref_slice %dma_start3A_79[%dma_start3A_80, %dma_start3A_81] : memref<10000x128xf32, #tpu.memory_space<hbm>> -> memref<16x128xf32, #tpu.memory_space<hbm>>
        %dma_start3A_83 = arith.constant 9984 : i32
        %dma_start3A_84 = arith.constant 0 : i32
        %dma_start3A_85 = tpu.memref_slice %arg15[%dma_start3A_83, %dma_start3A_84] : memref<10000x128xf32, #tpu.memory_space<vmem_shared>> -> memref<16x128xf32, #tpu.memory_space<vmem_shared>>
        tpu.enqueue_dma source(%dma_start3A_85 : memref<16x128xf32, #tpu.memory_space<vmem_shared>>) target(%dma_start3A_82 : memref<16x128xf32, #tpu.memory_space<hbm>>) target_semaphore(%run_scoped3A : memref<!tpu.dma_semaphore, #tpu.memory_space<semaphore_mem>>)
        %dma_wait3A_86 = arith.constant 0 : i32
        %dma_wait3A_87 = arith.constant 0 : i32
        %dma_wait3A_88 = tpu.memref_slice %arg6[%arg0, %dma_wait3A_86, %dma_wait3A_87] : memref<2x10000x128xf32, #tpu.memory_space<hbm>> -> memref<1x10000x128xf32, #tpu.memory_space<hbm>>
        %dma_wait3A_89 = tpu.memref_squeeze %dma_wait3A_88 : memref<1x10000x128xf32, #tpu.memory_space<hbm>> -> memref<10000x128xf32, #tpu.memory_space<hbm>>
        %dma_wait3A_90 = arith.constant 9984 : i32
        %dma_wait3A_91 = arith.constant 0 : i32
        %dma_wait3A_92 = tpu.memref_slice %dma_wait3A_89[%dma_wait3A_90, %dma_wait3A_91] : memref<10000x128xf32, #tpu.memory_space<hbm>> -> memref<16x128xf32, #tpu.memory_space<hbm>>
        %dma_wait3A_93 = arith.constant 9984 : i32
        %dma_wait3A_94 = arith.constant 0 : i32
        %dma_wait3A_95 = tpu.memref_slice %arg15[%dma_wait3A_93, %dma_wait3A_94] : memref<10000x128xf32, #tpu.memory_space<vmem_shared>> -> memref<16x128xf32, #tpu.memory_space<vmem_shared>>
        tpu.wait_dma2 semaphore(%run_scoped3A : memref<!tpu.dma_semaphore, #tpu.memory_space<semaphore_mem>>) src(%dma_wait3A_95 : memref<16x128xf32, #tpu.memory_space<vmem_shared>>) dst(%dma_wait3A_92 : memref<16x128xf32, #tpu.memory_space<hbm>>)
        tpu.yield
      }) : () -> ()
    } else {
    }
    return
  }
}

#map = affine_map<(d0, d1) -> (0, 0)>
#map1 = affine_map<(d0, d1) -> (0)>
#map2 = affine_map<(d0, d1) -> (0, 0, 0)>
module attributes {stable_mosaic.version = 14 : i64} {
  func.func @k(%arg0: i32, %arg1: i32, %arg2: memref<10000x128xf32, #tpu.memory_space<hbm>>, %arg3: memref<320000xi32, #tpu.memory_space<hbm>>, %arg4: memref<320000xi32, #tpu.memory_space<hbm>>, %arg5: memref<320000x64xi32, #tpu.memory_space<hbm>>, %arg6: memref<2x10000x128xf32, #tpu.memory_space<hbm>>, %arg7: memref<80xi32, #tpu.memory_space<vmem>>, %arg8: memref<80xi32, #tpu.memory_space<vmem>>, %arg9: memref<80xi32, #tpu.memory_space<vmem>>, %arg10: memref<80xi32, #tpu.memory_space<vmem>>, %arg11: memref<80x128xf32, #tpu.memory_space<vmem>>, %arg12: memref<80x128xf32, #tpu.memory_space<vmem>>, %arg13: memref<80x64xi32, #tpu.memory_space<vmem>>, %arg14: memref<80x64xi32, #tpu.memory_space<vmem>>, %arg15: memref<10000x128xf32, #tpu.memory_space<vmem_shared>>, %arg16: memref<!tpu.dma_semaphore, #tpu.memory_space<semaphore_mem>>, %arg17: memref<!tpu.dma_semaphore, #tpu.memory_space<semaphore_mem>>, %arg18: memref<!tpu.dma_semaphore, #tpu.memory_space<semaphore_mem>>, %arg19: memref<!tpu.dma_semaphore, #tpu.memory_space<semaphore_mem>>, %arg20: memref<!tpu.dma_semaphore, #tpu.memory_space<semaphore_mem>>, %arg21: memref<!tpu.dma_semaphore, #tpu.memory_space<semaphore_mem>>, %arg22: memref<!tpu.dma_semaphore, #tpu.memory_space<semaphore_mem>>, %arg23: memref<!tpu.dma_semaphore, #tpu.memory_space<semaphore_mem>>, %arg24: memref<!tpu.dma_semaphore, #tpu.memory_space<semaphore_mem>>, %arg25: memref<!tpu.dma_semaphore, #tpu.memory_space<semaphore_mem>>) attributes {dimension_semantics = [#tpu.dimension_semantics<core_parallel>, #tpu.dimension_semantics<subcore_parallel>], iteration_bounds = array<i64: 2, 16>, scalar_prefetch = 0 : i64, scratch_operands = 19 : i64, tpu.core_type = #tpu.core_type<sc_vector_subcore>, window_params = [{transform_indices = #map}, {transform_indices = #map1}, {transform_indices = #map1}, {transform_indices = #map}, {transform_indices = #map2}]} {
    %mul3A = arith.constant 16 : i32
    %mul3A_0 = arith.muli %arg0, %mul3A : i32
    %add3A = arith.addi %mul3A_0, %arg1 : i32
    %broadcast_in_dim3A = arith.constant 0.000000e+00 : f32
    %broadcast_in_dim3A_1 = vector.broadcast %broadcast_in_dim3A : f32 to vector<16xf32>
    %scan3A = arith.constant 0 : i32
    %scan3A_2 = arith.constant 0 : i32
    %scan3A_3 = arith.constant 80 : i32
    %scan3A_4 = arith.addi %scan3A_2, %scan3A_3 : i32
    %scan3A_5 = arith.constant 1 : i32
    scf.for %scan3A_76 = %scan3A_2 to %scan3A_4 step %scan3A_5  : i32 {
      %swap3A = arith.index_cast %scan3A_76 : i32 to index
      %swap3A_77 = arith.constant 0 : index
      %swap3A_78 = tpu.vector_load %arg11[%swap3A, %swap3A_77] {strides = array<i32>} : memref<80x128xf32, #tpu.memory_space<vmem>>, vector<16xf32>,
      tpu.vector_store %arg11[%swap3A, %swap3A_77], %broadcast_in_dim3A_1 {strides = array<i32>} : memref<80x128xf32, #tpu.memory_space<vmem>>, vector<16xf32>,
      %swap3A_79 = arith.index_cast %scan3A_76 : i32 to index
      %swap3A_80 = arith.constant 16 : index
      %swap3A_81 = tpu.vector_load %arg11[%swap3A_79, %swap3A_80] {strides = array<i32>} : memref<80x128xf32, #tpu.memory_space<vmem>>, vector<16xf32>,
      tpu.vector_store %arg11[%swap3A_79, %swap3A_80], %broadcast_in_dim3A_1 {strides = array<i32>} : memref<80x128xf32, #tpu.memory_space<vmem>>, vector<16xf32>,
      %swap3A_82 = arith.index_cast %scan3A_76 : i32 to index
      %swap3A_83 = arith.constant 32 : index
      %swap3A_84 = tpu.vector_load %arg11[%swap3A_82, %swap3A_83] {strides = array<i32>} : memref<80x128xf32, #tpu.memory_space<vmem>>, vector<16xf32>,
      tpu.vector_store %arg11[%swap3A_82, %swap3A_83], %broadcast_in_dim3A_1 {strides = array<i32>} : memref<80x128xf32, #tpu.memory_space<vmem>>, vector<16xf32>,
      %swap3A_85 = arith.index_cast %scan3A_76 : i32 to index
      %swap3A_86 = arith.constant 48 : index
      %swap3A_87 = tpu.vector_load %arg11[%swap3A_85, %swap3A_86] {strides = array<i32>} : memref<80x128xf32, #tpu.memory_space<vmem>>, vector<16xf32>,
      tpu.vector_store %arg11[%swap3A_85, %swap3A_86], %broadcast_in_dim3A_1 {strides = array<i32>} : memref<80x128xf32, #tpu.memory_space<vmem>>, vector<16xf32>,
      %swap3A_88 = arith.index_cast %scan3A_76 : i32 to index
      %swap3A_89 = arith.constant 64 : index
      %swap3A_90 = tpu.vector_load %arg11[%swap3A_88, %swap3A_89] {strides = array<i32>} : memref<80x128xf32, #tpu.memory_space<vmem>>, vector<16xf32>,
      tpu.vector_store %arg11[%swap3A_88, %swap3A_89], %broadcast_in_dim3A_1 {strides = array<i32>} : memref<80x128xf32, #tpu.memory_space<vmem>>, vector<16xf32>,
      %swap3A_91 = arith.index_cast %scan3A_76 : i32 to index
      %swap3A_92 = arith.constant 80 : index
      %swap3A_93 = tpu.vector_load %arg11[%swap3A_91, %swap3A_92] {strides = array<i32>} : memref<80x128xf32, #tpu.memory_space<vmem>>, vector<16xf32>,
      tpu.vector_store %arg11[%swap3A_91, %swap3A_92], %broadcast_in_dim3A_1 {strides = array<i32>} : memref<80x128xf32, #tpu.memory_space<vmem>>, vector<16xf32>,
      %swap3A_94 = arith.index_cast %scan3A_76 : i32 to index
      %swap3A_95 = arith.constant 96 : index
      %swap3A_96 = tpu.vector_load %arg11[%swap3A_94, %swap3A_95] {strides = array<i32>} : memref<80x128xf32, #tpu.memory_space<vmem>>, vector<16xf32>,
      tpu.vector_store %arg11[%swap3A_94, %swap3A_95], %broadcast_in_dim3A_1 {strides = array<i32>} : memref<80x128xf32, #tpu.memory_space<vmem>>, vector<16xf32>,
      %swap3A_97 = arith.index_cast %scan3A_76 : i32 to index
      %swap3A_98 = arith.constant 112 : index
      %swap3A_99 = tpu.vector_load %arg11[%swap3A_97, %swap3A_98] {strides = array<i32>} : memref<80x128xf32, #tpu.memory_space<vmem>>, vector<16xf32>,
      tpu.vector_store %arg11[%swap3A_97, %swap3A_98], %broadcast_in_dim3A_1 {strides = array<i32>} : memref<80x128xf32, #tpu.memory_space<vmem>>, vector<16xf32>,
    }
    %scan3A_6 = arith.constant 80 : i32
    %mul3A_7 = arith.constant 624 : i32
    %mul3A_8 = arith.muli %arg1, %mul3A_7 : i32
    %add3A_9 = arith.constant 0 : i32
    %add3A_10 = arith.addi %mul3A_8, %add3A_9 : i32
    "tpu.region"() ({
      %run_scoped3A = tpu.sem_alloc : memref<!tpu.dma_semaphore, #tpu.memory_space<semaphore_mem>>
      %dma_start3A_76 = arith.constant 0 : i32
      %dma_start3A_77 = tpu.memref_slice %arg15[%add3A_10, %dma_start3A_76] : memref<10000x128xf32, #tpu.memory_space<vmem_shared>> -> memref<80x128xf32, #tpu.memory_space<vmem_shared>>
      %dma_start3A_78 = arith.constant 0 : i32
      %dma_start3A_79 = tpu.memref_slice %arg15[%add3A_10, %dma_start3A_78] : memref<10000x128xf32, #tpu.memory_space<vmem_shared>> -> memref<80x128xf32, #tpu.memory_space<vmem_shared>>
      tpu.enqueue_dma source(%arg11 : memref<80x128xf32, #tpu.memory_space<vmem>>) target(%dma_start3A_79 : memref<80x128xf32, #tpu.memory_space<vmem_shared>>) target_semaphore(%run_scoped3A : memref<!tpu.dma_semaphore, #tpu.memory_space<semaphore_mem>>)
      %dma_wait3A_80 = arith.constant 0 : i32
      %dma_wait3A_81 = tpu.memref_slice %arg15[%add3A_10, %dma_wait3A_80] : memref<10000x128xf32, #tpu.memory_space<vmem_shared>> -> memref<80x128xf32, #tpu.memory_space<vmem_shared>>
      %dma_wait3A_82 = arith.constant 0 : i32
      %dma_wait3A_83 = tpu.memref_slice %arg15[%add3A_10, %dma_wait3A_82] : memref<10000x128xf32, #tpu.memory_space<vmem_shared>> -> memref<80x128xf32, #tpu.memory_space<vmem_shared>>
      tpu.wait_dma2 semaphore(%run_scoped3A : memref<!tpu.dma_semaphore, #tpu.memory_space<semaphore_mem>>) src(%arg11 : memref<80x128xf32, #tpu.memory_space<vmem>>) dst(%dma_wait3A_83 : memref<80x128xf32, #tpu.memory_space<vmem_shared>>)
      tpu.yield
    }) : () -> ()
    %add3A_11 = arith.constant 80 : i32
    %add3A_12 = arith.addi %mul3A_8, %add3A_11 : i32
    "tpu.region"() ({
      %run_scoped3A = tpu.sem_alloc : memref<!tpu.dma_semaphore, #tpu.memory_space<semaphore_mem>>
      %dma_start3A_76 = arith.constant 0 : i32
      %dma_start3A_77 = tpu.memref_slice %arg15[%add3A_12, %dma_start3A_76] : memref<10000x128xf32, #tpu.memory_space<vmem_shared>> -> memref<80x128xf32, #tpu.memory_space<vmem_shared>>
      %dma_start3A_78 = arith.constant 0 : i32
      %dma_start3A_79 = tpu.memref_slice %arg15[%add3A_12, %dma_start3A_78] : memref<10000x128xf32, #tpu.memory_space<vmem_shared>> -> memref<80x128xf32, #tpu.memory_space<vmem_shared>>
      tpu.enqueue_dma source(%arg11 : memref<80x128xf32, #tpu.memory_space<vmem>>) target(%dma_start3A_79 : memref<80x128xf32, #tpu.memory_space<vmem_shared>>) target_semaphore(%run_scoped3A : memref<!tpu.dma_semaphore, #tpu.memory_space<semaphore_mem>>)
      %dma_wait3A_80 = arith.constant 0 : i32
      %dma_wait3A_81 = tpu.memref_slice %arg15[%add3A_12, %dma_wait3A_80] : memref<10000x128xf32, #tpu.memory_space<vmem_shared>> -> memref<80x128xf32, #tpu.memory_space<vmem_shared>>
      %dma_wait3A_82 = arith.constant 0 : i32
      %dma_wait3A_83 = tpu.memref_slice %arg15[%add3A_12, %dma_wait3A_82] : memref<10000x128xf32, #tpu.memory_space<vmem_shared>> -> memref<80x128xf32, #tpu.memory_space<vmem_shared>>
      tpu.wait_dma2 semaphore(%run_scoped3A : memref<!tpu.dma_semaphore, #tpu.memory_space<semaphore_mem>>) src(%arg11 : memref<80x128xf32, #tpu.memory_space<vmem>>) dst(%dma_wait3A_83 : memref<80x128xf32, #tpu.memory_space<vmem_shared>>)
      tpu.yield
    }) : () -> ()
    %add3A_13 = arith.constant 160 : i32
    %add3A_14 = arith.addi %mul3A_8, %add3A_13 : i32
    "tpu.region"() ({
      %run_scoped3A = tpu.sem_alloc : memref<!tpu.dma_semaphore, #tpu.memory_space<semaphore_mem>>
      %dma_start3A_76 = arith.constant 0 : i32
      %dma_start3A_77 = tpu.memref_slice %arg15[%add3A_14, %dma_start3A_76] : memref<10000x128xf32, #tpu.memory_space<vmem_shared>> -> memref<80x128xf32, #tpu.memory_space<vmem_shared>>
      %dma_start3A_78 = arith.constant 0 : i32
      %dma_start3A_79 = tpu.memref_slice %arg15[%add3A_14, %dma_start3A_78] : memref<10000x128xf32, #tpu.memory_space<vmem_shared>> -> memref<80x128xf32, #tpu.memory_space<vmem_shared>>
      tpu.enqueue_dma source(%arg11 : memref<80x128xf32, #tpu.memory_space<vmem>>) target(%dma_start3A_79 : memref<80x128xf32, #tpu.memory_space<vmem_shared>>) target_semaphore(%run_scoped3A : memref<!tpu.dma_semaphore, #tpu.memory_space<semaphore_mem>>)
      %dma_wait3A_80 = arith.constant 0 : i32
      %dma_wait3A_81 = tpu.memref_slice %arg15[%add3A_14, %dma_wait3A_80] : memref<10000x128xf32, #tpu.memory_space<vmem_shared>> -> memref<80x128xf32, #tpu.memory_space<vmem_shared>>
      %dma_wait3A_82 = arith.constant 0 : i32
      %dma_wait3A_83 = tpu.memref_slice %arg15[%add3A_14, %dma_wait3A_82] : memref<10000x128xf32, #tpu.memory_space<vmem_shared>> -> memref<80x128xf32, #tpu.memory_space<vmem_shared>>
      tpu.wait_dma2 semaphore(%run_scoped3A : memref<!tpu.dma_semaphore, #tpu.memory_space<semaphore_mem>>) src(%arg11 : memref<80x128xf32, #tpu.memory_space<vmem>>) dst(%dma_wait3A_83 : memref<80x128xf32, #tpu.memory_space<vmem_shared>>)
      tpu.yield
    }) : () -> ()
    %add3A_15 = arith.constant 240 : i32
    %add3A_16 = arith.addi %mul3A_8, %add3A_15 : i32
    "tpu.region"() ({
      %run_scoped3A = tpu.sem_alloc : memref<!tpu.dma_semaphore, #tpu.memory_space<semaphore_mem>>
      %dma_start3A_76 = arith.constant 0 : i32
      %dma_start3A_77 = tpu.memref_slice %arg15[%add3A_16, %dma_start3A_76] : memref<10000x128xf32, #tpu.memory_space<vmem_shared>> -> memref<80x128xf32, #tpu.memory_space<vmem_shared>>
      %dma_start3A_78 = arith.constant 0 : i32
      %dma_start3A_79 = tpu.memref_slice %arg15[%add3A_16, %dma_start3A_78] : memref<10000x128xf32, #tpu.memory_space<vmem_shared>> -> memref<80x128xf32, #tpu.memory_space<vmem_shared>>
      tpu.enqueue_dma source(%arg11 : memref<80x128xf32, #tpu.memory_space<vmem>>) target(%dma_start3A_79 : memref<80x128xf32, #tpu.memory_space<vmem_shared>>) target_semaphore(%run_scoped3A : memref<!tpu.dma_semaphore, #tpu.memory_space<semaphore_mem>>)
      %dma_wait3A_80 = arith.constant 0 : i32
      %dma_wait3A_81 = tpu.memref_slice %arg15[%add3A_16, %dma_wait3A_80] : memref<10000x128xf32, #tpu.memory_space<vmem_shared>> -> memref<80x128xf32, #tpu.memory_space<vmem_shared>>
      %dma_wait3A_82 = arith.constant 0 : i32
      %dma_wait3A_83 = tpu.memref_slice %arg15[%add3A_16, %dma_wait3A_82] : memref<10000x128xf32, #tpu.memory_space<vmem_shared>> -> memref<80x128xf32, #tpu.memory_space<vmem_shared>>
      tpu.wait_dma2 semaphore(%run_scoped3A : memref<!tpu.dma_semaphore, #tpu.memory_space<semaphore_mem>>) src(%arg11 : memref<80x128xf32, #tpu.memory_space<vmem>>) dst(%dma_wait3A_83 : memref<80x128xf32, #tpu.memory_space<vmem_shared>>)
      tpu.yield
    }) : () -> ()
    %add3A_17 = arith.constant 320 : i32
    %add3A_18 = arith.addi %mul3A_8, %add3A_17 : i32
    "tpu.region"() ({
      %run_scoped3A = tpu.sem_alloc : memref<!tpu.dma_semaphore, #tpu.memory_space<semaphore_mem>>
      %dma_start3A_76 = arith.constant 0 : i32
      %dma_start3A_77 = tpu.memref_slice %arg15[%add3A_18, %dma_start3A_76] : memref<10000x128xf32, #tpu.memory_space<vmem_shared>> -> memref<80x128xf32, #tpu.memory_space<vmem_shared>>
      %dma_start3A_78 = arith.constant 0 : i32
      %dma_start3A_79 = tpu.memref_slice %arg15[%add3A_18, %dma_start3A_78] : memref<10000x128xf32, #tpu.memory_space<vmem_shared>> -> memref<80x128xf32, #tpu.memory_space<vmem_shared>>
      tpu.enqueue_dma source(%arg11 : memref<80x128xf32, #tpu.memory_space<vmem>>) target(%dma_start3A_79 : memref<80x128xf32, #tpu.memory_space<vmem_shared>>) target_semaphore(%run_scoped3A : memref<!tpu.dma_semaphore, #tpu.memory_space<semaphore_mem>>)
      %dma_wait3A_80 = arith.constant 0 : i32
      %dma_wait3A_81 = tpu.memref_slice %arg15[%add3A_18, %dma_wait3A_80] : memref<10000x128xf32, #tpu.memory_space<vmem_shared>> -> memref<80x128xf32, #tpu.memory_space<vmem_shared>>
      %dma_wait3A_82 = arith.constant 0 : i32
      %dma_wait3A_83 = tpu.memref_slice %arg15[%add3A_18, %dma_wait3A_82] : memref<10000x128xf32, #tpu.memory_space<vmem_shared>> -> memref<80x128xf32, #tpu.memory_space<vmem_shared>>
      tpu.wait_dma2 semaphore(%run_scoped3A : memref<!tpu.dma_semaphore, #tpu.memory_space<semaphore_mem>>) src(%arg11 : memref<80x128xf32, #tpu.memory_space<vmem>>) dst(%dma_wait3A_83 : memref<80x128xf32, #tpu.memory_space<vmem_shared>>)
      tpu.yield
    }) : () -> ()
    %add3A_19 = arith.constant 400 : i32
    %add3A_20 = arith.addi %mul3A_8, %add3A_19 : i32
    "tpu.region"() ({
      %run_scoped3A = tpu.sem_alloc : memref<!tpu.dma_semaphore, #tpu.memory_space<semaphore_mem>>
      %dma_start3A_76 = arith.constant 0 : i32
      %dma_start3A_77 = tpu.memref_slice %arg15[%add3A_20, %dma_start3A_76] : memref<10000x128xf32, #tpu.memory_space<vmem_shared>> -> memref<80x128xf32, #tpu.memory_space<vmem_shared>>
      %dma_start3A_78 = arith.constant 0 : i32
      %dma_start3A_79 = tpu.memref_slice %arg15[%add3A_20, %dma_start3A_78] : memref<10000x128xf32, #tpu.memory_space<vmem_shared>> -> memref<80x128xf32, #tpu.memory_space<vmem_shared>>
      tpu.enqueue_dma source(%arg11 : memref<80x128xf32, #tpu.memory_space<vmem>>) target(%dma_start3A_79 : memref<80x128xf32, #tpu.memory_space<vmem_shared>>) target_semaphore(%run_scoped3A : memref<!tpu.dma_semaphore, #tpu.memory_space<semaphore_mem>>)
      %dma_wait3A_80 = arith.constant 0 : i32
      %dma_wait3A_81 = tpu.memref_slice %arg15[%add3A_20, %dma_wait3A_80] : memref<10000x128xf32, #tpu.memory_space<vmem_shared>> -> memref<80x128xf32, #tpu.memory_space<vmem_shared>>
      %dma_wait3A_82 = arith.constant 0 : i32
      %dma_wait3A_83 = tpu.memref_slice %arg15[%add3A_20, %dma_wait3A_82] : memref<10000x128xf32, #tpu.memory_space<vmem_shared>> -> memref<80x128xf32, #tpu.memory_space<vmem_shared>>
      tpu.wait_dma2 semaphore(%run_scoped3A : memref<!tpu.dma_semaphore, #tpu.memory_space<semaphore_mem>>) src(%arg11 : memref<80x128xf32, #tpu.memory_space<vmem>>) dst(%dma_wait3A_83 : memref<80x128xf32, #tpu.memory_space<vmem_shared>>)
      tpu.yield
    }) : () -> ()
    %add3A_21 = arith.constant 480 : i32
    %add3A_22 = arith.addi %mul3A_8, %add3A_21 : i32
    "tpu.region"() ({
      %run_scoped3A = tpu.sem_alloc : memref<!tpu.dma_semaphore, #tpu.memory_space<semaphore_mem>>
      %dma_start3A_76 = arith.constant 0 : i32
      %dma_start3A_77 = tpu.memref_slice %arg15[%add3A_22, %dma_start3A_76] : memref<10000x128xf32, #tpu.memory_space<vmem_shared>> -> memref<80x128xf32, #tpu.memory_space<vmem_shared>>
      %dma_start3A_78 = arith.constant 0 : i32
      %dma_start3A_79 = tpu.memref_slice %arg15[%add3A_22, %dma_start3A_78] : memref<10000x128xf32, #tpu.memory_space<vmem_shared>> -> memref<80x128xf32, #tpu.memory_space<vmem_shared>>
      tpu.enqueue_dma source(%arg11 : memref<80x128xf32, #tpu.memory_space<vmem>>) target(%dma_start3A_79 : memref<80x128xf32, #tpu.memory_space<vmem_shared>>) target_semaphore(%run_scoped3A : memref<!tpu.dma_semaphore, #tpu.memory_space<semaphore_mem>>)
      %dma_wait3A_80 = arith.constant 0 : i32
      %dma_wait3A_81 = tpu.memref_slice %arg15[%add3A_22, %dma_wait3A_80] : memref<10000x128xf32, #tpu.memory_space<vmem_shared>> -> memref<80x128xf32, #tpu.memory_space<vmem_shared>>
      %dma_wait3A_82 = arith.constant 0 : i32
      %dma_wait3A_83 = tpu.memref_slice %arg15[%add3A_22, %dma_wait3A_82] : memref<10000x128xf32, #tpu.memory_space<vmem_shared>> -> memref<80x128xf32, #tpu.memory_space<vmem_shared>>
      tpu.wait_dma2 semaphore(%run_scoped3A : memref<!tpu.dma_semaphore, #tpu.memory_space<semaphore_mem>>) src(%arg11 : memref<80x128xf32, #tpu.memory_space<vmem>>) dst(%dma_wait3A_83 : memref<80x128xf32, #tpu.memory_space<vmem_shared>>)
      tpu.yield
    }) : () -> ()
    %add3A_23 = arith.constant 560 : i32
    %add3A_24 = arith.addi %mul3A_8, %add3A_23 : i32
    "tpu.region"() ({
      %run_scoped3A = tpu.sem_alloc : memref<!tpu.dma_semaphore, #tpu.memory_space<semaphore_mem>>
      %dma_start3A_76 = arith.constant 0 : i32
      %dma_start3A_77 = arith.constant 0 : i32
      %dma_start3A_78 = tpu.memref_slice %arg11[%dma_start3A_76, %dma_start3A_77] : memref<80x128xf32, #tpu.memory_space<vmem>> -> memref<64x128xf32, #tpu.memory_space<vmem>>
      %dma_start3A_79 = arith.constant 0 : i32
      %dma_start3A_80 = tpu.memref_slice %arg15[%add3A_24, %dma_start3A_79] : memref<10000x128xf32, #tpu.memory_space<vmem_shared>> -> memref<64x128xf32, #tpu.memory_space<vmem_shared>>
      %dma_start3A_81 = arith.constant 0 : i32
      %dma_start3A_82 = tpu.memref_slice %arg15[%add3A_24, %dma_start3A_81] : memref<10000x128xf32, #tpu.memory_space<vmem_shared>> -> memref<64x128xf32, #tpu.memory_space<vmem_shared>>
      %dma_start3A_83 = arith.constant 0 : i32
      %dma_start3A_84 = arith.constant 0 : i32
      %dma_start3A_85 = tpu.memref_slice %arg11[%dma_start3A_83, %dma_start3A_84] : memref<80x128xf32, #tpu.memory_space<vmem>> -> memref<64x128xf32, #tpu.memory_space<vmem>>
      tpu.enqueue_dma source(%dma_start3A_85 : memref<64x128xf32, #tpu.memory_space<vmem>>) target(%dma_start3A_82 : memref<64x128xf32, #tpu.memory_space<vmem_shared>>) target_semaphore(%run_scoped3A : memref<!tpu.dma_semaphore, #tpu.memory_space<semaphore_mem>>)
      %dma_wait3A_86 = arith.constant 0 : i32
      %dma_wait3A_87 = arith.constant 0 : i32
      %dma_wait3A_88 = tpu.memref_slice %arg11[%dma_wait3A_86, %dma_wait3A_87] : memref<80x128xf32, #tpu.memory_space<vmem>> -> memref<64x128xf32, #tpu.memory_space<vmem>>
      %dma_wait3A_89 = arith.constant 0 : i32
      %dma_wait3A_90 = tpu.memref_slice %arg15[%add3A_24, %dma_wait3A_89] : memref<10000x128xf32, #tpu.memory_space<vmem_shared>> -> memref<64x128xf32, #tpu.memory_space<vmem_shared>>
      %dma_wait3A_91 = arith.constant 0 : i32
      %dma_wait3A_92 = tpu.memref_slice %arg15[%add3A_24, %dma_wait3A_91] : memref<10000x128xf32, #tpu.memory_space<vmem_shared>> -> memref<64x128xf32, #tpu.memory_space<vmem_shared>>
      %dma_wait3A_93 = arith.constant 0 : i32
      %dma_wait3A_94 = arith.constant 0 : i32
      %dma_wait3A_95 = tpu.memref_slice %arg11[%dma_wait3A_93, %dma_wait3A_94] : memref<80x128xf32, #tpu.memory_space<vmem>> -> memref<64x128xf32, #tpu.memory_space<vmem>>
      tpu.wait_dma2 semaphore(%run_scoped3A : memref<!tpu.dma_semaphore, #tpu.memory_space<semaphore_mem>>) src(%dma_wait3A_95 : memref<64x128xf32, #tpu.memory_space<vmem>>) dst(%dma_wait3A_92 : memref<64x128xf32, #tpu.memory_space<vmem_shared>>)
      tpu.yield
    }) : () -> ()
    %eq3A = arith.constant 15 : i32
    %eq3A_25 = arith.cmpi eq, %arg1, %eq3A : i32
    %convert_element_type3A = arith.extui %eq3A_25 : i1 to i32
    %cond3A = arith.constant 0 : i32
    %cond3A_26 = arith.cmpi ne, %convert_element_type3A, %cond3A : i32
    scf.if %cond3A_26 {
      "tpu.region"() ({
        %run_scoped3A = tpu.sem_alloc : memref<!tpu.dma_semaphore, #tpu.memory_space<semaphore_mem>>
        %dma_start3A_76 = arith.constant 0 : i32
        %dma_start3A_77 = arith.constant 0 : i32
        %dma_start3A_78 = tpu.memref_slice %arg11[%dma_start3A_76, %dma_start3A_77] : memref<80x128xf32, #tpu.memory_space<vmem>> -> memref<16x128xf32, #tpu.memory_space<vmem>>
        %dma_start3A_79 = arith.constant 9984 : i32
        %dma_start3A_80 = arith.constant 0 : i32
        %dma_start3A_81 = tpu.memref_slice %arg15[%dma_start3A_79, %dma_start3A_80] : memref<10000x128xf32, #tpu.memory_space<vmem_shared>> -> memref<16x128xf32, #tpu.memory_space<vmem_shared>>
        %dma_start3A_82 = arith.constant 9984 : i32
        %dma_start3A_83 = arith.constant 0 : i32
        %dma_start3A_84 = tpu.memref_slice %arg15[%dma_start3A_82, %dma_start3A_83] : memref<10000x128xf32, #tpu.memory_space<vmem_shared>> -> memref<16x128xf32, #tpu.memory_space<vmem_shared>>
        %dma_start3A_85 = arith.constant 0 : i32
        %dma_start3A_86 = arith.constant 0 : i32
        %dma_start3A_87 = tpu.memref_slice %arg11[%dma_start3A_85, %dma_start3A_86] : memref<80x128xf32, #tpu.memory_space<vmem>> -> memref<16x128xf32, #tpu.memory_space<vmem>>
        tpu.enqueue_dma source(%dma_start3A_87 : memref<16x128xf32, #tpu.memory_space<vmem>>) target(%dma_start3A_84 : memref<16x128xf32, #tpu.memory_space<vmem_shared>>) target_semaphore(%run_scoped3A : memref<!tpu.dma_semaphore, #tpu.memory_space<semaphore_mem>>)
        %dma_wait3A_88 = arith.constant 0 : i32
        %dma_wait3A_89 = arith.constant 0 : i32
        %dma_wait3A_90 = tpu.memref_slice %arg11[%dma_wait3A_88, %dma_wait3A_89] : memref<80x128xf32, #tpu.memory_space<vmem>> -> memref<16x128xf32, #tpu.memory_space<vmem>>
        %dma_wait3A_91 = arith.constant 9984 : i32
        %dma_wait3A_92 = arith.constant 0 : i32
        %dma_wait3A_93 = tpu.memref_slice %arg15[%dma_wait3A_91, %dma_wait3A_92] : memref<10000x128xf32, #tpu.memory_space<vmem_shared>> -> memref<16x128xf32, #tpu.memory_space<vmem_shared>>
        %dma_wait3A_94 = arith.constant 9984 : i32
        %dma_wait3A_95 = arith.constant 0 : i32
        %dma_wait3A_96 = tpu.memref_slice %arg15[%dma_wait3A_94, %dma_wait3A_95] : memref<10000x128xf32, #tpu.memory_space<vmem_shared>> -> memref<16x128xf32, #tpu.memory_space<vmem_shared>>
        %dma_wait3A_97 = arith.constant 0 : i32
        %dma_wait3A_98 = arith.constant 0 : i32
        %dma_wait3A_99 = tpu.memref_slice %arg11[%dma_wait3A_97, %dma_wait3A_98] : memref<80x128xf32, #tpu.memory_space<vmem>> -> memref<16x128xf32, #tpu.memory_space<vmem>>
        tpu.wait_dma2 semaphore(%run_scoped3A : memref<!tpu.dma_semaphore, #tpu.memory_space<semaphore_mem>>) src(%dma_wait3A_99 : memref<16x128xf32, #tpu.memory_space<vmem>>) dst(%dma_wait3A_96 : memref<16x128xf32, #tpu.memory_space<vmem_shared>>)
        tpu.yield
      }) : () -> ()
    } else {
    }
    %barrier3A = arith.constant 0 : index
    tpu.barrier barrier_id(%barrier3A)
    %add3A_27 = arith.constant 0 : i32
    %add3A_28 = arith.addi %add3A_27, %add3A : i32
    %mul3A_29 = arith.constant 80 : i32
    %mul3A_30 = arith.muli %add3A_28, %mul3A_29 : i32
    %dma_start3A = tpu.memref_slice %arg3[%mul3A_30] : memref<320000xi32, #tpu.memory_space<hbm>> -> memref<80xi32, #tpu.memory_space<hbm>>
    %dma_start3A_31 = tpu.memref_slice %arg3[%mul3A_30] : memref<320000xi32, #tpu.memory_space<hbm>> -> memref<80xi32, #tpu.memory_space<hbm>>
    tpu.enqueue_dma source(%dma_start3A_31 : memref<80xi32, #tpu.memory_space<hbm>>) target(%arg7 : memref<80xi32, #tpu.memory_space<vmem>>) target_semaphore(%arg16 : memref<!tpu.dma_semaphore, #tpu.memory_space<semaphore_mem>>)
    %add3A_32 = arith.constant 0 : i32
    %add3A_33 = arith.addi %add3A_32, %add3A : i32
    %mul3A_34 = arith.constant 80 : i32
    %mul3A_35 = arith.muli %add3A_33, %mul3A_34 : i32
    %dma_start3A_36 = tpu.memref_slice %arg4[%mul3A_35] : memref<320000xi32, #tpu.memory_space<hbm>> -> memref<80xi32, #tpu.memory_space<hbm>>
    %dma_start3A_37 = tpu.memref_slice %arg4[%mul3A_35] : memref<320000xi32, #tpu.memory_space<hbm>> -> memref<80xi32, #tpu.memory_space<hbm>>
    tpu.enqueue_dma source(%dma_start3A_37 : memref<80xi32, #tpu.memory_space<hbm>>) target(%arg9 : memref<80xi32, #tpu.memory_space<vmem>>) target_semaphore(%arg18 : memref<!tpu.dma_semaphore, #tpu.memory_space<semaphore_mem>>)
    %dma_wait3A = arith.constant 0 : i32
    %dma_wait3A_38 = tpu.memref_slice %arg3[%dma_wait3A] : memref<320000xi32, #tpu.memory_space<hbm>> -> memref<80xi32, #tpu.memory_space<hbm>>
    %dma_wait3A_39 = arith.constant 0 : i32
    %dma_wait3A_40 = tpu.memref_slice %arg3[%dma_wait3A_39] : memref<320000xi32, #tpu.memory_space<hbm>> -> memref<80xi32, #tpu.memory_space<hbm>>
    tpu.wait_dma2 semaphore(%arg16 : memref<!tpu.dma_semaphore, #tpu.memory_space<semaphore_mem>>) src(%dma_wait3A_40 : memref<80xi32, #tpu.memory_space<hbm>>) dst(%arg7 : memref<80xi32, #tpu.memory_space<vmem>>)
    %dma_start3A_41 = arith.constant 0 : i32
    %dma_start3A_42 = arith.constant 0 : i32
    %dma_start3A_43 = tpu.memref_slice %arg2[%dma_start3A_41, %dma_start3A_42] : memref<10000x128xf32, #tpu.memory_space<hbm>> -> memref<10000x128xf32, #tpu.memory_space<hbm>>
    tpu.enqueue_indirect_dma source(%dma_start3A_43 : memref<10000x128xf32, #tpu.memory_space<hbm>>) target(%arg11 : memref<80x128xf32, #tpu.memory_space<vmem>>) offsets(%arg7 : memref<80xi32, #tpu.memory_space<vmem>>) semaphore(%arg20 : memref<!tpu.dma_semaphore, #tpu.memory_space<semaphore_mem>>)
    %add3A_44 = arith.constant 0 : i32
    %add3A_45 = arith.addi %add3A_44, %add3A : i32
    %mul3A_46 = arith.constant 80 : i32
    %mul3A_47 = arith.muli %add3A_45, %mul3A_46 : i32
    %dma_start3A_48 = arith.constant 0 : i32
    %dma_start3A_49 = tpu.memref_slice %arg5[%mul3A_47, %dma_start3A_48] : memref<320000x64xi32, #tpu.memory_space<hbm>> -> memref<80x64xi32, #tpu.memory_space<hbm>>
    %dma_start3A_50 = arith.constant 0 : i32
    %dma_start3A_51 = tpu.memref_slice %arg5[%mul3A_47, %dma_start3A_50] : memref<320000x64xi32, #tpu.memory_space<hbm>> -> memref<80x64xi32, #tpu.memory_space<hbm>>
    tpu.enqueue_dma source(%dma_start3A_51 : memref<80x64xi32, #tpu.memory_space<hbm>>) target(%arg13 : memref<80x64xi32, #tpu.memory_space<vmem>>) target_semaphore(%arg22 : memref<!tpu.dma_semaphore, #tpu.memory_space<semaphore_mem>>)
    %add3A_52 = arith.constant 32 : i32
    %add3A_53 = arith.addi %add3A_52, %add3A : i32
    %mul3A_54 = arith.constant 80 : i32
    %mul3A_55 = arith.muli %add3A_53, %mul3A_54 : i32
    %dma_start3A_56 = tpu.memref_slice %arg3[%mul3A_55] : memref<320000xi32, #tpu.memory_space<hbm>> -> memref<80xi32, #tpu.memory_space<hbm>>
    %dma_start3A_57 = tpu.memref_slice %arg3[%mul3A_55] : memref<320000xi32, #tpu.memory_space<hbm>> -> memref<80xi32, #tpu.memory_space<hbm>>
    tpu.enqueue_dma source(%dma_start3A_57 : memref<80xi32, #tpu.memory_space<hbm>>) target(%arg8 : memref<80xi32, #tpu.memory_space<vmem>>) target_semaphore(%arg17 : memref<!tpu.dma_semaphore, #tpu.memory_space<semaphore_mem>>)
    %scan3A_58 = arith.constant 0 : i32
    %scan3A_59 = arith.constant 0 : i32
    %scan3A_60 = arith.constant 63 : i32
    %scan3A_61 = arith.addi %scan3A_59, %scan3A_60 : i32
    %scan3A_62 = arith.constant 1 : i32
    scf.for %scan3A_76 = %scan3A_59 to %scan3A_61 step %scan3A_62  : i32 {
      %mul3A_77 = arith.constant 2 : i32
      %mul3A_78 = arith.muli %mul3A_77, %scan3A_76 : i32
      %add3A_79 = arith.constant 1 : i32
      %add3A_80 = arith.addi %mul3A_78, %add3A_79 : i32
      %lt3A = arith.constant 125 : i32
      %lt3A_81 = arith.cmpi slt, %add3A_80, %lt3A : i32
      %convert_element_type3A_82 = arith.extui %lt3A_81 : i1 to i32
      %cond3A_83 = arith.constant 0 : i32
      %cond3A_84 = arith.cmpi ne, %convert_element_type3A_82, %cond3A_83 : i32
      scf.if %cond3A_84 {
        %dma_wait3A_121 = arith.constant 0 : i32
        %dma_wait3A_122 = tpu.memref_slice %arg3[%dma_wait3A_121] : memref<320000xi32, #tpu.memory_space<hbm>> -> memref<80xi32, #tpu.memory_space<hbm>>
        %dma_wait3A_123 = arith.constant 0 : i32
        %dma_wait3A_124 = tpu.memref_slice %arg3[%dma_wait3A_123] : memref<320000xi32, #tpu.memory_space<hbm>> -> memref<80xi32, #tpu.memory_space<hbm>>
        tpu.wait_dma2 semaphore(%arg17 : memref<!tpu.dma_semaphore, #tpu.memory_space<semaphore_mem>>) src(%dma_wait3A_124 : memref<80xi32, #tpu.memory_space<hbm>>) dst(%arg8 : memref<80xi32, #tpu.memory_space<vmem>>)
        %ge3A = arith.constant 1 : i32
        %ge3A_125 = arith.cmpi sge, %mul3A_78, %ge3A : i32
        %convert_element_type3A_126 = arith.extui %ge3A_125 : i1 to i32
        %cond3A_127 = arith.constant 0 : i32
        %cond3A_128 = arith.cmpi ne, %convert_element_type3A_126, %cond3A_127 : i32
        scf.if %cond3A_128 {
          %dma_wait3A_152 = arith.constant 0 : i32
          %dma_wait3A_153 = arith.constant 0 : i32
          %dma_wait3A_154 = tpu.memref_slice %arg15[%dma_wait3A_152, %dma_wait3A_153] : memref<10000x128xf32, #tpu.memory_space<vmem_shared>> -> memref<10000x128xf32, #tpu.memory_space<vmem_shared>>
          tpu.wait_indirect_dma semaphore(%arg25 : memref<!tpu.dma_semaphore, #tpu.memory_space<semaphore_mem>>) src(%arg12 : memref<80x128xf32, #tpu.memory_space<vmem>>) dst(%dma_wait3A_154 : memref<10000x128xf32, #tpu.memory_space<vmem_shared>>)
        } else {
        }
        %add3A_129 = arith.constant 1 : i32
        %add3A_130 = arith.addi %mul3A_78, %add3A_129 : i32
        %mul3A_131 = arith.constant 32 : i32
        %mul3A_132 = arith.muli %add3A_130, %mul3A_131 : i32
        %add3A_133 = arith.addi %mul3A_132, %add3A : i32
        %mul3A_134 = arith.constant 80 : i32
        %mul3A_135 = arith.muli %add3A_133, %mul3A_134 : i32
        %dma_start3A_136 = tpu.memref_slice %arg4[%mul3A_135] : memref<320000xi32, #tpu.memory_space<hbm>> -> memref<80xi32, #tpu.memory_space<hbm>>
        %dma_start3A_137 = tpu.memref_slice %arg4[%mul3A_135] : memref<320000xi32, #tpu.memory_space<hbm>> -> memref<80xi32, #tpu.memory_space<hbm>>
        tpu.enqueue_dma source(%dma_start3A_137 : memref<80xi32, #tpu.memory_space<hbm>>) target(%arg10 : memref<80xi32, #tpu.memory_space<vmem>>) target_semaphore(%arg19 : memref<!tpu.dma_semaphore, #tpu.memory_space<semaphore_mem>>)
        %add3A_138 = arith.constant 1 : i32
        %add3A_139 = arith.addi %mul3A_78, %add3A_138 : i32
        %dma_start3A_140 = arith.constant 0 : i32
        %dma_start3A_141 = arith.constant 0 : i32
        %dma_start3A_142 = tpu.memref_slice %arg2[%dma_start3A_140, %dma_start3A_141] : memref<10000x128xf32, #tpu.memory_space<hbm>> -> memref<10000x128xf32, #tpu.memory_space<hbm>>
        tpu.enqueue_indirect_dma source(%dma_start3A_142 : memref<10000x128xf32, #tpu.memory_space<hbm>>) target(%arg12 : memref<80x128xf32, #tpu.memory_space<vmem>>) offsets(%arg8 : memref<80xi32, #tpu.memory_space<vmem>>) semaphore(%arg21 : memref<!tpu.dma_semaphore, #tpu.memory_space<semaphore_mem>>)
        %mul3A_143 = arith.constant 32 : i32
        %mul3A_144 = arith.muli %add3A_139, %mul3A_143 : i32
        %add3A_145 = arith.addi %mul3A_144, %add3A : i32
        %mul3A_146 = arith.constant 80 : i32
        %mul3A_147 = arith.muli %add3A_145, %mul3A_146 : i32
        %dma_start3A_148 = arith.constant 0 : i32
        %dma_start3A_149 = tpu.memref_slice %arg5[%mul3A_147, %dma_start3A_148] : memref<320000x64xi32, #tpu.memory_space<hbm>> -> memref<80x64xi32, #tpu.memory_space<hbm>>
        %dma_start3A_150 = arith.constant 0 : i32
        %dma_start3A_151 = tpu.memref_slice %arg5[%mul3A_147, %dma_start3A_150] : memref<320000x64xi32, #tpu.memory_space<hbm>> -> memref<80x64xi32, #tpu.memory_space<hbm>>
        tpu.enqueue_dma source(%dma_start3A_151 : memref<80x64xi32, #tpu.memory_space<hbm>>) target(%arg14 : memref<80x64xi32, #tpu.memory_space<vmem>>) target_semaphore(%arg23 : memref<!tpu.dma_semaphore, #tpu.memory_space<semaphore_mem>>)
      } else {
      }
      %dma_wait3A_85 = arith.constant 0 : i32
      %dma_wait3A_86 = arith.constant 0 : i32
      %dma_wait3A_87 = tpu.memref_slice %arg2[%dma_wait3A_85, %dma_wait3A_86] : memref<10000x128xf32, #tpu.memory_space<hbm>> -> memref<10000x128xf32, #tpu.memory_space<hbm>>
      tpu.wait_indirect_dma semaphore(%arg20 : memref<!tpu.dma_semaphore, #tpu.memory_space<semaphore_mem>>) src(%dma_wait3A_87 : memref<10000x128xf32, #tpu.memory_space<hbm>>) dst(%arg11 : memref<80x128xf32, #tpu.memory_space<vmem>>)
      %dma_wait3A_88 = arith.constant 0 : i32
      %dma_wait3A_89 = arith.constant 0 : i32
      %dma_wait3A_90 = tpu.memref_slice %arg5[%dma_wait3A_88, %dma_wait3A_89] : memref<320000x64xi32, #tpu.memory_space<hbm>> -> memref<80x64xi32, #tpu.memory_space<hbm>>
      %dma_wait3A_91 = arith.constant 0 : i32
      %dma_wait3A_92 = arith.constant 0 : i32
      %dma_wait3A_93 = tpu.memref_slice %arg5[%dma_wait3A_91, %dma_wait3A_92] : memref<320000x64xi32, #tpu.memory_space<hbm>> -> memref<80x64xi32, #tpu.memory_space<hbm>>
      tpu.wait_dma2 semaphore(%arg22 : memref<!tpu.dma_semaphore, #tpu.memory_space<semaphore_mem>>) src(%dma_wait3A_93 : memref<80x64xi32, #tpu.memory_space<hbm>>) dst(%arg13 : memref<80x64xi32, #tpu.memory_space<vmem>>)
      %add3A_94 = arith.constant 2 : i32
      %add3A_95 = arith.addi %mul3A_78, %add3A_94 : i32
      %lt3A_96 = arith.constant 125 : i32
      %lt3A_97 = arith.cmpi slt, %add3A_95, %lt3A_96 : i32
      %convert_element_type3A_98 = arith.extui %lt3A_97 : i1 to i32
      %cond3A_99 = arith.constant 0 : i32
      %cond3A_100 = arith.cmpi ne, %convert_element_type3A_98, %cond3A_99 : i32
      scf.if %cond3A_100 {
        %add3A_121 = arith.constant 2 : i32
        %add3A_122 = arith.addi %mul3A_78, %add3A_121 : i32
        %mul3A_123 = arith.constant 32 : i32
        %mul3A_124 = arith.muli %add3A_122, %mul3A_123 : i32
        %add3A_125 = arith.addi %mul3A_124, %add3A : i32
        %mul3A_126 = arith.constant 80 : i32
        %mul3A_127 = arith.muli %add3A_125, %mul3A_126 : i32
        %dma_start3A_128 = tpu.memref_slice %arg3[%mul3A_127] : memref<320000xi32, #tpu.memory_space<hbm>> -> memref<80xi32, #tpu.memory_space<hbm>>
        %dma_start3A_129 = tpu.memref_slice %arg3[%mul3A_127] : memref<320000xi32, #tpu.memory_space<hbm>> -> memref<80xi32, #tpu.memory_space<hbm>>
        tpu.enqueue_dma source(%dma_start3A_129 : memref<80xi32, #tpu.memory_space<hbm>>) target(%arg7 : memref<80xi32, #tpu.memory_space<vmem>>) target_semaphore(%arg16 : memref<!tpu.dma_semaphore, #tpu.memory_space<semaphore_mem>>)
      } else {
      }
      %scan3A_101 = arith.constant 0 : i32
      %scan3A_102 = arith.constant 0 : i32
      %scan3A_103 = arith.constant 80 : i32
      %scan3A_104 = arith.addi %scan3A_102, %scan3A_103 : i32
      %scan3A_105 = arith.constant 1 : i32
      scf.for %scan3A_121 = %scan3A_102 to %scan3A_104 step %scan3A_105  : i32 {
        %get3A = arith.index_cast %scan3A_121 : i32 to index
        %get3A_122 = arith.constant 0 : index
        %get3A_123 = tpu.vector_load %arg13[%get3A, %get3A_122] {strides = array<i32>} : memref<80x64xi32, #tpu.memory_space<vmem>>, vector<16xi32>,
        %shift_left3A = arith.constant 16 : i32
        %shift_left3A_124 = vector.broadcast %shift_left3A : i32 to vector<16xi32>
        %shift_left3A_125 = arith.shli %get3A_123, %shift_left3A_124 : vector<16xi32>
        %bitcast3A = vector.bitcast %shift_left3A_125 : vector<16xi32> to vector<16xf32>
        %and3A = arith.constant -65536 : i32
        %and3A_126 = vector.broadcast %and3A : i32 to vector<16xi32>
        %and3A_127 = arith.andi %get3A_123, %and3A_126 : vector<16xi32>
        %bitcast3A_128 = vector.bitcast %and3A_127 : vector<16xi32> to vector<16xf32>
        %get3A_129 = arith.index_cast %scan3A_121 : i32 to index
        %get3A_130 = arith.constant 0 : index
        %get3A_131 = tpu.vector_load %arg11[%get3A_129, %get3A_130] {strides = array<i32>} : memref<80x128xf32, #tpu.memory_space<vmem>>, vector<16xf32>,
        %mul3A_132 = arith.mulf %get3A_131, %bitcast3A : vector<16xf32>
        %swap3A = arith.index_cast %scan3A_121 : i32 to index
        %swap3A_133 = arith.constant 0 : index
        %swap3A_134 = tpu.vector_load %arg11[%swap3A, %swap3A_133] {strides = array<i32>} : memref<80x128xf32, #tpu.memory_space<vmem>>, vector<16xf32>,
        tpu.vector_store %arg11[%swap3A, %swap3A_133], %mul3A_132 {strides = array<i32>} : memref<80x128xf32, #tpu.memory_space<vmem>>, vector<16xf32>,
        %get3A_135 = arith.index_cast %scan3A_121 : i32 to index
        %get3A_136 = arith.constant 64 : index
        %get3A_137 = tpu.vector_load %arg11[%get3A_135, %get3A_136] {strides = array<i32>} : memref<80x128xf32, #tpu.memory_space<vmem>>, vector<16xf32>,
        %mul3A_138 = arith.mulf %get3A_137, %bitcast3A_128 : vector<16xf32>
        %swap3A_139 = arith.index_cast %scan3A_121 : i32 to index
        %swap3A_140 = arith.constant 64 : index
        %swap3A_141 = tpu.vector_load %arg11[%swap3A_139, %swap3A_140] {strides = array<i32>} : memref<80x128xf32, #tpu.memory_space<vmem>>, vector<16xf32>,
        tpu.vector_store %arg11[%swap3A_139, %swap3A_140], %mul3A_138 {strides = array<i32>} : memref<80x128xf32, #tpu.memory_space<vmem>>, vector<16xf32>,
        %get3A_142 = arith.index_cast %scan3A_121 : i32 to index
        %get3A_143 = arith.constant 16 : index
        %get3A_144 = tpu.vector_load %arg13[%get3A_142, %get3A_143] {strides = array<i32>} : memref<80x64xi32, #tpu.memory_space<vmem>>, vector<16xi32>,
        %shift_left3A_145 = arith.constant 16 : i32
        %shift_left3A_146 = vector.broadcast %shift_left3A_145 : i32 to vector<16xi32>
        %shift_left3A_147 = arith.shli %get3A_144, %shift_left3A_146 : vector<16xi32>
        %bitcast3A_148 = vector.bitcast %shift_left3A_147 : vector<16xi32> to vector<16xf32>
        %and3A_149 = arith.constant -65536 : i32
        %and3A_150 = vector.broadcast %and3A_149 : i32 to vector<16xi32>
        %and3A_151 = arith.andi %get3A_144, %and3A_150 : vector<16xi32>
        %bitcast3A_152 = vector.bitcast %and3A_151 : vector<16xi32> to vector<16xf32>
        %get3A_153 = arith.index_cast %scan3A_121 : i32 to index
        %get3A_154 = arith.constant 16 : index
        %get3A_155 = tpu.vector_load %arg11[%get3A_153, %get3A_154] {strides = array<i32>} : memref<80x128xf32, #tpu.memory_space<vmem>>, vector<16xf32>,
        %mul3A_156 = arith.mulf %get3A_155, %bitcast3A_148 : vector<16xf32>
        %swap3A_157 = arith.index_cast %scan3A_121 : i32 to index
        %swap3A_158 = arith.constant 16 : index
        %swap3A_159 = tpu.vector_load %arg11[%swap3A_157, %swap3A_158] {strides = array<i32>} : memref<80x128xf32, #tpu.memory_space<vmem>>, vector<16xf32>,
        tpu.vector_store %arg11[%swap3A_157, %swap3A_158], %mul3A_156 {strides = array<i32>} : memref<80x128xf32, #tpu.memory_space<vmem>>, vector<16xf32>,
        %get3A_160 = arith.index_cast %scan3A_121 : i32 to index
        %get3A_161 = arith.constant 80 : index
        %get3A_162 = tpu.vector_load %arg11[%get3A_160, %get3A_161] {strides = array<i32>} : memref<80x128xf32, #tpu.memory_space<vmem>>, vector<16xf32>,
        %mul3A_163 = arith.mulf %get3A_162, %bitcast3A_152 : vector<16xf32>
        %swap3A_164 = arith.index_cast %scan3A_121 : i32 to index
        %swap3A_165 = arith.constant 80 : index
        %swap3A_166 = tpu.vector_load %arg11[%swap3A_164, %swap3A_165] {strides = array<i32>} : memref<80x128xf32, #tpu.memory_space<vmem>>, vector<16xf32>,
        tpu.vector_store %arg11[%swap3A_164, %swap3A_165], %mul3A_163 {strides = array<i32>} : memref<80x128xf32, #tpu.memory_space<vmem>>, vector<16xf32>,
        %get3A_167 = arith.index_cast %scan3A_121 : i32 to index
        %get3A_168 = arith.constant 32 : index
        %get3A_169 = tpu.vector_load %arg13[%get3A_167, %get3A_168] {strides = array<i32>} : memref<80x64xi32, #tpu.memory_space<vmem>>, vector<16xi32>,
        %shift_left3A_170 = arith.constant 16 : i32
        %shift_left3A_171 = vector.broadcast %shift_left3A_170 : i32 to vector<16xi32>
        %shift_left3A_172 = arith.shli %get3A_169, %shift_left3A_171 : vector<16xi32>
        %bitcast3A_173 = vector.bitcast %shift_left3A_172 : vector<16xi32> to vector<16xf32>
        %and3A_174 = arith.constant -65536 : i32
        %and3A_175 = vector.broadcast %and3A_174 : i32 to vector<16xi32>
        %and3A_176 = arith.andi %get3A_169, %and3A_175 : vector<16xi32>
        %bitcast3A_177 = vector.bitcast %and3A_176 : vector<16xi32> to vector<16xf32>
        %get3A_178 = arith.index_cast %scan3A_121 : i32 to index
        %get3A_179 = arith.constant 32 : index
        %get3A_180 = tpu.vector_load %arg11[%get3A_178, %get3A_179] {strides = array<i32>} : memref<80x128xf32, #tpu.memory_space<vmem>>, vector<16xf32>,
        %mul3A_181 = arith.mulf %get3A_180, %bitcast3A_173 : vector<16xf32>
        %swap3A_182 = arith.index_cast %scan3A_121 : i32 to index
        %swap3A_183 = arith.constant 32 : index
        %swap3A_184 = tpu.vector_load %arg11[%swap3A_182, %swap3A_183] {strides = array<i32>} : memref<80x128xf32, #tpu.memory_space<vmem>>, vector<16xf32>,
        tpu.vector_store %arg11[%swap3A_182, %swap3A_183], %mul3A_181 {strides = array<i32>} : memref<80x128xf32, #tpu.memory_space<vmem>>, vector<16xf32>,
        %get3A_185 = arith.index_cast %scan3A_121 : i32 to index
        %get3A_186 = arith.constant 96 : index
        %get3A_187 = tpu.vector_load %arg11[%get3A_185, %get3A_186] {strides = array<i32>} : memref<80x128xf32, #tpu.memory_space<vmem>>, vector<16xf32>,
        %mul3A_188 = arith.mulf %get3A_187, %bitcast3A_177 : vector<16xf32>
        %swap3A_189 = arith.index_cast %scan3A_121 : i32 to index
        %swap3A_190 = arith.constant 96 : index
        %swap3A_191 = tpu.vector_load %arg11[%swap3A_189, %swap3A_190] {strides = array<i32>} : memref<80x128xf32, #tpu.memory_space<vmem>>, vector<16xf32>,
        tpu.vector_store %arg11[%swap3A_189, %swap3A_190], %mul3A_188 {strides = array<i32>} : memref<80x128xf32, #tpu.memory_space<vmem>>, vector<16xf32>,
        %get3A_192 = arith.index_cast %scan3A_121 : i32 to index
        %get3A_193 = arith.constant 48 : index
        %get3A_194 = tpu.vector_load %arg13[%get3A_192, %get3A_193] {strides = array<i32>} : memref<80x64xi32, #tpu.memory_space<vmem>>, vector<16xi32>,
        %shift_left3A_195 = arith.constant 16 : i32
        %shift_left3A_196 = vector.broadcast %shift_left3A_195 : i32 to vector<16xi32>
        %shift_left3A_197 = arith.shli %get3A_194, %shift_left3A_196 : vector<16xi32>
        %bitcast3A_198 = vector.bitcast %shift_left3A_197 : vector<16xi32> to vector<16xf32>
        %and3A_199 = arith.constant -65536 : i32
        %and3A_200 = vector.broadcast %and3A_199 : i32 to vector<16xi32>
        %and3A_201 = arith.andi %get3A_194, %and3A_200 : vector<16xi32>
        %bitcast3A_202 = vector.bitcast %and3A_201 : vector<16xi32> to vector<16xf32>
        %get3A_203 = arith.index_cast %scan3A_121 : i32 to index
        %get3A_204 = arith.constant 48 : index
        %get3A_205 = tpu.vector_load %arg11[%get3A_203, %get3A_204] {strides = array<i32>} : memref<80x128xf32, #tpu.memory_space<vmem>>, vector<16xf32>,
        %mul3A_206 = arith.mulf %get3A_205, %bitcast3A_198 : vector<16xf32>
        %swap3A_207 = arith.index_cast %scan3A_121 : i32 to index
        %swap3A_208 = arith.constant 48 : index
        %swap3A_209 = tpu.vector_load %arg11[%swap3A_207, %swap3A_208] {strides = array<i32>} : memref<80x128xf32, #tpu.memory_space<vmem>>, vector<16xf32>,
        tpu.vector_store %arg11[%swap3A_207, %swap3A_208], %mul3A_206 {strides = array<i32>} : memref<80x128xf32, #tpu.memory_space<vmem>>, vector<16xf32>,
        %get3A_210 = arith.index_cast %scan3A_121 : i32 to index
        %get3A_211 = arith.constant 112 : index
        %get3A_212 = tpu.vector_load %arg11[%get3A_210, %get3A_211] {strides = array<i32>} : memref<80x128xf32, #tpu.memory_space<vmem>>, vector<16xf32>,
        %mul3A_213 = arith.mulf %get3A_212, %bitcast3A_202 : vector<16xf32>
        %swap3A_214 = arith.index_cast %scan3A_121 : i32 to index
        %swap3A_215 = arith.constant 112 : index
        %swap3A_216 = tpu.vector_load %arg11[%swap3A_214, %swap3A_215] {strides = array<i32>} : memref<80x128xf32, #tpu.memory_space<vmem>>, vector<16xf32>,
        tpu.vector_store %arg11[%swap3A_214, %swap3A_215], %mul3A_213 {strides = array<i32>} : memref<80x128xf32, #tpu.memory_space<vmem>>, vector<16xf32>,
      }
      %scan3A_106 = arith.constant 80 : i32
      %dma_wait3A_107 = arith.constant 0 : i32
      %dma_wait3A_108 = tpu.memref_slice %arg4[%dma_wait3A_107] : memref<320000xi32, #tpu.memory_space<hbm>> -> memref<80xi32, #tpu.memory_space<hbm>>
      %dma_wait3A_109 = arith.constant 0 : i32
      %dma_wait3A_110 = tpu.memref_slice %arg4[%dma_wait3A_109] : memref<320000xi32, #tpu.memory_space<hbm>> -> memref<80xi32, #tpu.memory_space<hbm>>
      tpu.wait_dma2 semaphore(%arg18 : memref<!tpu.dma_semaphore, #tpu.memory_space<semaphore_mem>>) src(%dma_wait3A_110 : memref<80xi32, #tpu.memory_space<hbm>>) dst(%arg9 : memref<80xi32, #tpu.memory_space<vmem>>)
      %dma_start3A_111 = arith.constant 0 : i32
      %dma_start3A_112 = arith.constant 0 : i32
      %dma_start3A_113 = tpu.memref_slice %arg15[%dma_start3A_111, %dma_start3A_112] : memref<10000x128xf32, #tpu.memory_space<vmem_shared>> -> memref<10000x128xf32, #tpu.memory_space<vmem_shared>>
      tpu.enqueue_indirect_dma source(%arg11 : memref<80x128xf32, #tpu.memory_space<vmem>>) target(%dma_start3A_113 : memref<10000x128xf32, #tpu.memory_space<vmem_shared>>) offsets(%arg9 : memref<80xi32, #tpu.memory_space<vmem>>) semaphore(%arg24 : memref<!tpu.dma_semaphore, #tpu.memory_space<semaphore_mem>>) {add = true}
      %add3A_114 = arith.constant 1 : i32
      %add3A_115 = arith.addi %mul3A_78, %add3A_114 : i32
      %lt3A_116 = arith.constant 125 : i32
      %lt3A_117 = arith.cmpi slt, %add3A_115, %lt3A_116 : i32
      %convert_element_type3A_118 = arith.extui %lt3A_117 : i1 to i32
      %cond3A_119 = arith.constant 0 : i32
      %cond3A_120 = arith.cmpi ne, %convert_element_type3A_118, %cond3A_119 : i32
      scf.if %cond3A_120 {
        %add3A_121 = arith.constant 1 : i32
        %add3A_122 = arith.addi %mul3A_78, %add3A_121 : i32
        %add3A_123 = arith.constant 1 : i32
        %add3A_124 = arith.addi %add3A_122, %add3A_123 : i32
        %lt3A_125 = arith.constant 125 : i32
        %lt3A_126 = arith.cmpi slt, %add3A_124, %lt3A_125 : i32
        %convert_element_type3A_127 = arith.extui %lt3A_126 : i1 to i32
        %cond3A_128 = arith.constant 0 : i32
        %cond3A_129 = arith.cmpi ne, %convert_element_type3A_127, %cond3A_128 : i32
        scf.if %cond3A_129 {
          %dma_wait3A_159 = arith.constant 0 : i32
          %dma_wait3A_160 = tpu.memref_slice %arg3[%dma_wait3A_159] : memref<320000xi32, #tpu.memory_space<hbm>> -> memref<80xi32, #tpu.memory_space<hbm>>
          %dma_wait3A_161 = arith.constant 0 : i32
          %dma_wait3A_162 = tpu.memref_slice %arg3[%dma_wait3A_161] : memref<320000xi32, #tpu.memory_space<hbm>> -> memref<80xi32, #tpu.memory_space<hbm>>
          tpu.wait_dma2 semaphore(%arg16 : memref<!tpu.dma_semaphore, #tpu.memory_space<semaphore_mem>>) src(%dma_wait3A_162 : memref<80xi32, #tpu.memory_space<hbm>>) dst(%arg7 : memref<80xi32, #tpu.memory_space<vmem>>)
          %ge3A = arith.constant 1 : i32
          %ge3A_163 = arith.cmpi sge, %add3A_122, %ge3A : i32
          %convert_element_type3A_164 = arith.extui %ge3A_163 : i1 to i32
          %cond3A_165 = arith.constant 0 : i32
          %cond3A_166 = arith.cmpi ne, %convert_element_type3A_164, %cond3A_165 : i32
          scf.if %cond3A_166 {
            %dma_wait3A_190 = arith.constant 0 : i32
            %dma_wait3A_191 = arith.constant 0 : i32
            %dma_wait3A_192 = tpu.memref_slice %arg15[%dma_wait3A_190, %dma_wait3A_191] : memref<10000x128xf32, #tpu.memory_space<vmem_shared>> -> memref<10000x128xf32, #tpu.memory_space<vmem_shared>>
            tpu.wait_indirect_dma semaphore(%arg24 : memref<!tpu.dma_semaphore, #tpu.memory_space<semaphore_mem>>) src(%arg11 : memref<80x128xf32, #tpu.memory_space<vmem>>) dst(%dma_wait3A_192 : memref<10000x128xf32, #tpu.memory_space<vmem_shared>>)
          } else {
          }
          %add3A_167 = arith.constant 1 : i32
          %add3A_168 = arith.addi %add3A_122, %add3A_167 : i32
          %mul3A_169 = arith.constant 32 : i32
          %mul3A_170 = arith.muli %add3A_168, %mul3A_169 : i32
          %add3A_171 = arith.addi %mul3A_170, %add3A : i32
          %mul3A_172 = arith.constant 80 : i32
          %mul3A_173 = arith.muli %add3A_171, %mul3A_172 : i32
          %dma_start3A_174 = tpu.memref_slice %arg4[%mul3A_173] : memref<320000xi32, #tpu.memory_space<hbm>> -> memref<80xi32, #tpu.memory_space<hbm>>
          %dma_start3A_175 = tpu.memref_slice %arg4[%mul3A_173] : memref<320000xi32, #tpu.memory_space<hbm>> -> memref<80xi32, #tpu.memory_space<hbm>>
          tpu.enqueue_dma source(%dma_start3A_175 : memref<80xi32, #tpu.memory_space<hbm>>) target(%arg9 : memref<80xi32, #tpu.memory_space<vmem>>) target_semaphore(%arg18 : memref<!tpu.dma_semaphore, #tpu.memory_space<semaphore_mem>>)
          %add3A_176 = arith.constant 1 : i32
          %add3A_177 = arith.addi %add3A_122, %add3A_176 : i32
          %dma_start3A_178 = arith.constant 0 : i32
          %dma_start3A_179 = arith.constant 0 : i32
          %dma_start3A_180 = tpu.memref_slice %arg2[%dma_start3A_178, %dma_start3A_179] : memref<10000x128xf32, #tpu.memory_space<hbm>> -> memref<10000x128xf32, #tpu.memory_space<hbm>>
          tpu.enqueue_indirect_dma source(%dma_start3A_180 : memref<10000x128xf32, #tpu.memory_space<hbm>>) target(%arg11 : memref<80x128xf32, #tpu.memory_space<vmem>>) offsets(%arg7 : memref<80xi32, #tpu.memory_space<vmem>>) semaphore(%arg20 : memref<!tpu.dma_semaphore, #tpu.memory_space<semaphore_mem>>)
          %mul3A_181 = arith.constant 32 : i32
          %mul3A_182 = arith.muli %add3A_177, %mul3A_181 : i32
          %add3A_183 = arith.addi %mul3A_182, %add3A : i32
          %mul3A_184 = arith.constant 80 : i32
          %mul3A_185 = arith.muli %add3A_183, %mul3A_184 : i32
          %dma_start3A_186 = arith.constant 0 : i32
          %dma_start3A_187 = tpu.memref_slice %arg5[%mul3A_185, %dma_start3A_186] : memref<320000x64xi32, #tpu.memory_space<hbm>> -> memref<80x64xi32, #tpu.memory_space<hbm>>
          %dma_start3A_188 = arith.constant 0 : i32
          %dma_start3A_189 = tpu.memref_slice %arg5[%mul3A_185, %dma_start3A_188] : memref<320000x64xi32, #tpu.memory_space<hbm>> -> memref<80x64xi32, #tpu.memory_space<hbm>>
          tpu.enqueue_dma source(%dma_start3A_189 : memref<80x64xi32, #tpu.memory_space<hbm>>) target(%arg13 : memref<80x64xi32, #tpu.memory_space<vmem>>) target_semaphore(%arg22 : memref<!tpu.dma_semaphore, #tpu.memory_space<semaphore_mem>>)
        } else {
        }
        %dma_wait3A_130 = arith.constant 0 : i32
        %dma_wait3A_131 = arith.constant 0 : i32
        %dma_wait3A_132 = tpu.memref_slice %arg2[%dma_wait3A_130, %dma_wait3A_131] : memref<10000x128xf32, #tpu.memory_space<hbm>> -> memref<10000x128xf32, #tpu.memory_space<hbm>>
        tpu.wait_indirect_dma semaphore(%arg21 : memref<!tpu.dma_semaphore, #tpu.memory_space<semaphore_mem>>) src(%dma_wait3A_132 : memref<10000x128xf32, #tpu.memory_space<hbm>>) dst(%arg12 : memref<80x128xf32, #tpu.memory_space<vmem>>)
        %dma_wait3A_133 = arith.constant 0 : i32
        %dma_wait3A_134 = arith.constant 0 : i32
        %dma_wait3A_135 = tpu.memref_slice %arg5[%dma_wait3A_133, %dma_wait3A_134] : memref<320000x64xi32, #tpu.memory_space<hbm>> -> memref<80x64xi32, #tpu.memory_space<hbm>>
        %dma_wait3A_136 = arith.constant 0 : i32
        %dma_wait3A_137 = arith.constant 0 : i32
        %dma_wait3A_138 = tpu.memref_slice %arg5[%dma_wait3A_136, %dma_wait3A_137] : memref<320000x64xi32, #tpu.memory_space<hbm>> -> memref<80x64xi32, #tpu.memory_space<hbm>>
        tpu.wait_dma2 semaphore(%arg23 : memref<!tpu.dma_semaphore, #tpu.memory_space<semaphore_mem>>) src(%dma_wait3A_138 : memref<80x64xi32, #tpu.memory_space<hbm>>) dst(%arg14 : memref<80x64xi32, #tpu.memory_space<vmem>>)
        %add3A_139 = arith.constant 2 : i32
        %add3A_140 = arith.addi %add3A_122, %add3A_139 : i32
        %lt3A_141 = arith.constant 125 : i32
        %lt3A_142 = arith.cmpi slt, %add3A_140, %lt3A_141 : i32
        %convert_element_type3A_143 = arith.extui %lt3A_142 : i1 to i32
        %cond3A_144 = arith.constant 0 : i32
        %cond3A_145 = arith.cmpi ne, %convert_element_type3A_143, %cond3A_144 : i32
        scf.if %cond3A_145 {
          %add3A_159 = arith.constant 2 : i32
          %add3A_160 = arith.addi %add3A_122, %add3A_159 : i32
          %mul3A_161 = arith.constant 32 : i32
          %mul3A_162 = arith.muli %add3A_160, %mul3A_161 : i32
          %add3A_163 = arith.addi %mul3A_162, %add3A : i32
          %mul3A_164 = arith.constant 80 : i32
          %mul3A_165 = arith.muli %add3A_163, %mul3A_164 : i32
          %dma_start3A_166 = tpu.memref_slice %arg3[%mul3A_165] : memref<320000xi32, #tpu.memory_space<hbm>> -> memref<80xi32, #tpu.memory_space<hbm>>
          %dma_start3A_167 = tpu.memref_slice %arg3[%mul3A_165] : memref<320000xi32, #tpu.memory_space<hbm>> -> memref<80xi32, #tpu.memory_space<hbm>>
          tpu.enqueue_dma source(%dma_start3A_167 : memref<80xi32, #tpu.memory_space<hbm>>) target(%arg8 : memref<80xi32, #tpu.memory_space<vmem>>) target_semaphore(%arg17 : memref<!tpu.dma_semaphore, #tpu.memory_space<semaphore_mem>>)
        } else {
        }
        %scan3A_146 = arith.constant 0 : i32
        %scan3A_147 = arith.constant 0 : i32
        %scan3A_148 = arith.constant 80 : i32
        %scan3A_149 = arith.addi %scan3A_147, %scan3A_148 : i32
        %scan3A_150 = arith.constant 1 : i32
        scf.for %scan3A_159 = %scan3A_147 to %scan3A_149 step %scan3A_150  : i32 {
          %get3A = arith.index_cast %scan3A_159 : i32 to index
          %get3A_160 = arith.constant 0 : index
          %get3A_161 = tpu.vector_load %arg14[%get3A, %get3A_160] {strides = array<i32>} : memref<80x64xi32, #tpu.memory_space<vmem>>, vector<16xi32>,
          %shift_left3A = arith.constant 16 : i32
          %shift_left3A_162 = vector.broadcast %shift_left3A : i32 to vector<16xi32>
          %shift_left3A_163 = arith.shli %get3A_161, %shift_left3A_162 : vector<16xi32>
          %bitcast3A = vector.bitcast %shift_left3A_163 : vector<16xi32> to vector<16xf32>
          %and3A = arith.constant -65536 : i32
          %and3A_164 = vector.broadcast %and3A : i32 to vector<16xi32>
          %and3A_165 = arith.andi %get3A_161, %and3A_164 : vector<16xi32>
          %bitcast3A_166 = vector.bitcast %and3A_165 : vector<16xi32> to vector<16xf32>
          %get3A_167 = arith.index_cast %scan3A_159 : i32 to index
          %get3A_168 = arith.constant 0 : index
          %get3A_169 = tpu.vector_load %arg12[%get3A_167, %get3A_168] {strides = array<i32>} : memref<80x128xf32, #tpu.memory_space<vmem>>, vector<16xf32>,
          %mul3A_170 = arith.mulf %get3A_169, %bitcast3A : vector<16xf32>
          %swap3A = arith.index_cast %scan3A_159 : i32 to index
          %swap3A_171 = arith.constant 0 : index
          %swap3A_172 = tpu.vector_load %arg12[%swap3A, %swap3A_171] {strides = array<i32>} : memref<80x128xf32, #tpu.memory_space<vmem>>, vector<16xf32>,
          tpu.vector_store %arg12[%swap3A, %swap3A_171], %mul3A_170 {strides = array<i32>} : memref<80x128xf32, #tpu.memory_space<vmem>>, vector<16xf32>,
          %get3A_173 = arith.index_cast %scan3A_159 : i32 to index
          %get3A_174 = arith.constant 64 : index
          %get3A_175 = tpu.vector_load %arg12[%get3A_173, %get3A_174] {strides = array<i32>} : memref<80x128xf32, #tpu.memory_space<vmem>>, vector<16xf32>,
          %mul3A_176 = arith.mulf %get3A_175, %bitcast3A_166 : vector<16xf32>
          %swap3A_177 = arith.index_cast %scan3A_159 : i32 to index
          %swap3A_178 = arith.constant 64 : index
          %swap3A_179 = tpu.vector_load %arg12[%swap3A_177, %swap3A_178] {strides = array<i32>} : memref<80x128xf32, #tpu.memory_space<vmem>>, vector<16xf32>,
          tpu.vector_store %arg12[%swap3A_177, %swap3A_178], %mul3A_176 {strides = array<i32>} : memref<80x128xf32, #tpu.memory_space<vmem>>, vector<16xf32>,
          %get3A_180 = arith.index_cast %scan3A_159 : i32 to index
          %get3A_181 = arith.constant 16 : index
          %get3A_182 = tpu.vector_load %arg14[%get3A_180, %get3A_181] {strides = array<i32>} : memref<80x64xi32, #tpu.memory_space<vmem>>, vector<16xi32>,
          %shift_left3A_183 = arith.constant 16 : i32
          %shift_left3A_184 = vector.broadcast %shift_left3A_183 : i32 to vector<16xi32>
          %shift_left3A_185 = arith.shli %get3A_182, %shift_left3A_184 : vector<16xi32>
          %bitcast3A_186 = vector.bitcast %shift_left3A_185 : vector<16xi32> to vector<16xf32>
          %and3A_187 = arith.constant -65536 : i32
          %and3A_188 = vector.broadcast %and3A_187 : i32 to vector<16xi32>
          %and3A_189 = arith.andi %get3A_182, %and3A_188 : vector<16xi32>
          %bitcast3A_190 = vector.bitcast %and3A_189 : vector<16xi32> to vector<16xf32>
          %get3A_191 = arith.index_cast %scan3A_159 : i32 to index
          %get3A_192 = arith.constant 16 : index
          %get3A_193 = tpu.vector_load %arg12[%get3A_191, %get3A_192] {strides = array<i32>} : memref<80x128xf32, #tpu.memory_space<vmem>>, vector<16xf32>,
          %mul3A_194 = arith.mulf %get3A_193, %bitcast3A_186 : vector<16xf32>
          %swap3A_195 = arith.index_cast %scan3A_159 : i32 to index
          %swap3A_196 = arith.constant 16 : index
          %swap3A_197 = tpu.vector_load %arg12[%swap3A_195, %swap3A_196] {strides = array<i32>} : memref<80x128xf32, #tpu.memory_space<vmem>>, vector<16xf32>,
          tpu.vector_store %arg12[%swap3A_195, %swap3A_196], %mul3A_194 {strides = array<i32>} : memref<80x128xf32, #tpu.memory_space<vmem>>, vector<16xf32>,
          %get3A_198 = arith.index_cast %scan3A_159 : i32 to index
          %get3A_199 = arith.constant 80 : index
          %get3A_200 = tpu.vector_load %arg12[%get3A_198, %get3A_199] {strides = array<i32>} : memref<80x128xf32, #tpu.memory_space<vmem>>, vector<16xf32>,
          %mul3A_201 = arith.mulf %get3A_200, %bitcast3A_190 : vector<16xf32>
          %swap3A_202 = arith.index_cast %scan3A_159 : i32 to index
          %swap3A_203 = arith.constant 80 : index
          %swap3A_204 = tpu.vector_load %arg12[%swap3A_202, %swap3A_203] {strides = array<i32>} : memref<80x128xf32, #tpu.memory_space<vmem>>, vector<16xf32>,
          tpu.vector_store %arg12[%swap3A_202, %swap3A_203], %mul3A_201 {strides = array<i32>} : memref<80x128xf32, #tpu.memory_space<vmem>>, vector<16xf32>,
          %get3A_205 = arith.index_cast %scan3A_159 : i32 to index
          %get3A_206 = arith.constant 32 : index
          %get3A_207 = tpu.vector_load %arg14[%get3A_205, %get3A_206] {strides = array<i32>} : memref<80x64xi32, #tpu.memory_space<vmem>>, vector<16xi32>,
          %shift_left3A_208 = arith.constant 16 : i32
          %shift_left3A_209 = vector.broadcast %shift_left3A_208 : i32 to vector<16xi32>
          %shift_left3A_210 = arith.shli %get3A_207, %shift_left3A_209 : vector<16xi32>
          %bitcast3A_211 = vector.bitcast %shift_left3A_210 : vector<16xi32> to vector<16xf32>
          %and3A_212 = arith.constant -65536 : i32
          %and3A_213 = vector.broadcast %and3A_212 : i32 to vector<16xi32>
          %and3A_214 = arith.andi %get3A_207, %and3A_213 : vector<16xi32>
          %bitcast3A_215 = vector.bitcast %and3A_214 : vector<16xi32> to vector<16xf32>
          %get3A_216 = arith.index_cast %scan3A_159 : i32 to index
          %get3A_217 = arith.constant 32 : index
          %get3A_218 = tpu.vector_load %arg12[%get3A_216, %get3A_217] {strides = array<i32>} : memref<80x128xf32, #tpu.memory_space<vmem>>, vector<16xf32>,
          %mul3A_219 = arith.mulf %get3A_218, %bitcast3A_211 : vector<16xf32>
          %swap3A_220 = arith.index_cast %scan3A_159 : i32 to index
          %swap3A_221 = arith.constant 32 : index
          %swap3A_222 = tpu.vector_load %arg12[%swap3A_220, %swap3A_221] {strides = array<i32>} : memref<80x128xf32, #tpu.memory_space<vmem>>, vector<16xf32>,
          tpu.vector_store %arg12[%swap3A_220, %swap3A_221], %mul3A_219 {strides = array<i32>} : memref<80x128xf32, #tpu.memory_space<vmem>>, vector<16xf32>,
          %get3A_223 = arith.index_cast %scan3A_159 : i32 to index
          %get3A_224 = arith.constant 96 : index
          %get3A_225 = tpu.vector_load %arg12[%get3A_223, %get3A_224] {strides = array<i32>} : memref<80x128xf32, #tpu.memory_space<vmem>>, vector<16xf32>,
          %mul3A_226 = arith.mulf %get3A_225, %bitcast3A_215 : vector<16xf32>
          %swap3A_227 = arith.index_cast %scan3A_159 : i32 to index
          %swap3A_228 = arith.constant 96 : index
          %swap3A_229 = tpu.vector_load %arg12[%swap3A_227, %swap3A_228] {strides = array<i32>} : memref<80x128xf32, #tpu.memory_space<vmem>>, vector<16xf32>,
          tpu.vector_store %arg12[%swap3A_227, %swap3A_228], %mul3A_226 {strides = array<i32>} : memref<80x128xf32, #tpu.memory_space<vmem>>, vector<16xf32>,
          %get3A_230 = arith.index_cast %scan3A_159 : i32 to index
          %get3A_231 = arith.constant 48 : index
          %get3A_232 = tpu.vector_load %arg14[%get3A_230, %get3A_231] {strides = array<i32>} : memref<80x64xi32, #tpu.memory_space<vmem>>, vector<16xi32>,
          %shift_left3A_233 = arith.constant 16 : i32
          %shift_left3A_234 = vector.broadcast %shift_left3A_233 : i32 to vector<16xi32>
          %shift_left3A_235 = arith.shli %get3A_232, %shift_left3A_234 : vector<16xi32>
          %bitcast3A_236 = vector.bitcast %shift_left3A_235 : vector<16xi32> to vector<16xf32>
          %and3A_237 = arith.constant -65536 : i32
          %and3A_238 = vector.broadcast %and3A_237 : i32 to vector<16xi32>
          %and3A_239 = arith.andi %get3A_232, %and3A_238 : vector<16xi32>
          %bitcast3A_240 = vector.bitcast %and3A_239 : vector<16xi32> to vector<16xf32>
          %get3A_241 = arith.index_cast %scan3A_159 : i32 to index
          %get3A_242 = arith.constant 48 : index
          %get3A_243 = tpu.vector_load %arg12[%get3A_241, %get3A_242] {strides = array<i32>} : memref<80x128xf32, #tpu.memory_space<vmem>>, vector<16xf32>,
          %mul3A_244 = arith.mulf %get3A_243, %bitcast3A_236 : vector<16xf32>
          %swap3A_245 = arith.index_cast %scan3A_159 : i32 to index
          %swap3A_246 = arith.constant 48 : index
          %swap3A_247 = tpu.vector_load %arg12[%swap3A_245, %swap3A_246] {strides = array<i32>} : memref<80x128xf32, #tpu.memory_space<vmem>>, vector<16xf32>,
          tpu.vector_store %arg12[%swap3A_245, %swap3A_246], %mul3A_244 {strides = array<i32>} : memref<80x128xf32, #tpu.memory_space<vmem>>, vector<16xf32>,
          %get3A_248 = arith.index_cast %scan3A_159 : i32 to index
          %get3A_249 = arith.constant 112 : index
          %get3A_250 = tpu.vector_load %arg12[%get3A_248, %get3A_249] {strides = array<i32>} : memref<80x128xf32, #tpu.memory_space<vmem>>, vector<16xf32>,
          %mul3A_251 = arith.mulf %get3A_250, %bitcast3A_240 : vector<16xf32>
          %swap3A_252 = arith.index_cast %scan3A_159 : i32 to index
          %swap3A_253 = arith.constant 112 : index
          %swap3A_254 = tpu.vector_load %arg12[%swap3A_252, %swap3A_253] {strides = array<i32>} : memref<80x128xf32, #tpu.memory_space<vmem>>, vector<16xf32>,
          tpu.vector_store %arg12[%swap3A_252, %swap3A_253], %mul3A_251 {strides = array<i32>} : memref<80x128xf32, #tpu.memory_space<vmem>>, vector<16xf32>,
        }
        %scan3A_151 = arith.constant 80 : i32
        %dma_wait3A_152 = arith.constant 0 : i32
        %dma_wait3A_153 = tpu.memref_slice %arg4[%dma_wait3A_152] : memref<320000xi32, #tpu.memory_space<hbm>> -> memref<80xi32, #tpu.memory_space<hbm>>
        %dma_wait3A_154 = arith.constant 0 : i32
        %dma_wait3A_155 = tpu.memref_slice %arg4[%dma_wait3A_154] : memref<320000xi32, #tpu.memory_space<hbm>> -> memref<80xi32, #tpu.memory_space<hbm>>
        tpu.wait_dma2 semaphore(%arg19 : memref<!tpu.dma_semaphore, #tpu.memory_space<semaphore_mem>>) src(%dma_wait3A_155 : memref<80xi32, #tpu.memory_space<hbm>>) dst(%arg10 : memref<80xi32, #tpu.memory_space<vmem>>)
        %dma_start3A_156 = arith.constant 0 : i32
        %dma_start3A_157 = arith.constant 0 : i32
        %dma_start3A_158 = tpu.memref_slice %arg15[%dma_start3A_156, %dma_start3A_157] : memref<10000x128xf32, #tpu.memory_space<vmem_shared>> -> memref<10000x128xf32, #tpu.memory_space<vmem_shared>>
        tpu.enqueue_indirect_dma source(%arg12 : memref<80x128xf32, #tpu.memory_space<vmem>>) target(%dma_start3A_158 : memref<10000x128xf32, #tpu.memory_space<vmem_shared>>) offsets(%arg10 : memref<80xi32, #tpu.memory_space<vmem>>) semaphore(%arg25 : memref<!tpu.dma_semaphore, #tpu.memory_space<semaphore_mem>>) {add = true}
      } else {
      }
    }
    %scan3A_63 = arith.constant 63 : i32
    %dma_wait3A_64 = arith.constant 0 : i32
    %dma_wait3A_65 = arith.constant 0 : i32
    %dma_wait3A_66 = tpu.memref_slice %arg15[%dma_wait3A_64, %dma_wait3A_65] : memref<10000x128xf32, #tpu.memory_space<vmem_shared>> -> memref<10000x128xf32, #tpu.memory_space<vmem_shared>>
    tpu.wait_indirect_dma semaphore(%arg24 : memref<!tpu.dma_semaphore, #tpu.memory_space<semaphore_mem>>) src(%arg11 : memref<80x128xf32, #tpu.memory_space<vmem>>) dst(%dma_wait3A_66 : memref<10000x128xf32, #tpu.memory_space<vmem_shared>>)
    %dma_wait3A_67 = arith.constant 0 : i32
    %dma_wait3A_68 = arith.constant 0 : i32
    %dma_wait3A_69 = tpu.memref_slice %arg15[%dma_wait3A_67, %dma_wait3A_68] : memref<10000x128xf32, #tpu.memory_space<vmem_shared>> -> memref<10000x128xf32, #tpu.memory_space<vmem_shared>>
    tpu.wait_indirect_dma semaphore(%arg25 : memref<!tpu.dma_semaphore, #tpu.memory_space<semaphore_mem>>) src(%arg12 : memref<80x128xf32, #tpu.memory_space<vmem>>) dst(%dma_wait3A_69 : memref<10000x128xf32, #tpu.memory_space<vmem_shared>>)
    %barrier3A_70 = arith.constant 0 : index
    tpu.barrier barrier_id(%barrier3A_70)
    "tpu.region"() ({
      %run_scoped3A = tpu.sem_alloc : memref<!tpu.dma_semaphore, #tpu.memory_space<semaphore_mem>>
      %dma_start3A_76 = arith.constant 0 : i32
      %dma_start3A_77 = arith.constant 0 : i32
      %dma_start3A_78 = tpu.memref_slice %arg6[%arg0, %dma_start3A_76, %dma_start3A_77] : memref<2x10000x128xf32, #tpu.memory_space<hbm>> -> memref<1x10000x128xf32, #tpu.memory_space<hbm>>
      %dma_start3A_79 = tpu.memref_squeeze %dma_start3A_78 : memref<1x10000x128xf32, #tpu.memory_space<hbm>> -> memref<10000x128xf32, #tpu.memory_space<hbm>>
      %dma_start3A_80 = arith.constant 0 : i32
      %dma_start3A_81 = tpu.memref_slice %dma_start3A_79[%mul3A_8, %dma_start3A_80] : memref<10000x128xf32, #tpu.memory_space<hbm>> -> memref<624x128xf32, #tpu.memory_space<hbm>>
      %dma_start3A_82 = arith.constant 0 : i32
      %dma_start3A_83 = tpu.memref_slice %arg15[%mul3A_8, %dma_start3A_82] : memref<10000x128xf32, #tpu.memory_space<vmem_shared>> -> memref<624x128xf32, #tpu.memory_space<vmem_shared>>
      tpu.enqueue_dma source(%dma_start3A_83 : memref<624x128xf32, #tpu.memory_space<vmem_shared>>) target(%dma_start3A_81 : memref<624x128xf32, #tpu.memory_space<hbm>>) target_semaphore(%run_scoped3A : memref<!tpu.dma_semaphore, #tpu.memory_space<semaphore_mem>>)
      %dma_wait3A_84 = arith.constant 0 : i32
      %dma_wait3A_85 = arith.constant 0 : i32
      %dma_wait3A_86 = tpu.memref_slice %arg6[%arg0, %dma_wait3A_84, %dma_wait3A_85] : memref<2x10000x128xf32, #tpu.memory_space<hbm>> -> memref<1x10000x128xf32, #tpu.memory_space<hbm>>
      %dma_wait3A_87 = tpu.memref_squeeze %dma_wait3A_86 : memref<1x10000x128xf32, #tpu.memory_space<hbm>> -> memref<10000x128xf32, #tpu.memory_space<hbm>>
      %dma_wait3A_88 = arith.constant 0 : i32
      %dma_wait3A_89 = tpu.memref_slice %dma_wait3A_87[%mul3A_8, %dma_wait3A_88] : memref<10000x128xf32, #tpu.memory_space<hbm>> -> memref<624x128xf32, #tpu.memory_space<hbm>>
      %dma_wait3A_90 = arith.constant 0 : i32
      %dma_wait3A_91 = tpu.memref_slice %arg15[%mul3A_8, %dma_wait3A_90] : memref<10000x128xf32, #tpu.memory_space<vmem_shared>> -> memref<624x128xf32, #tpu.memory_space<vmem_shared>>
      tpu.wait_dma2 semaphore(%run_scoped3A : memref<!tpu.dma_semaphore, #tpu.memory_space<semaphore_mem>>) src(%dma_wait3A_91 : memref<624x128xf32, #tpu.memory_space<vmem_shared>>) dst(%dma_wait3A_89 : memref<624x128xf32, #tpu.memory_space<hbm>>)
      tpu.yield
    }) : () -> ()
    %eq3A_71 = arith.constant 15 : i32
    %eq3A_72 = arith.cmpi eq, %arg1, %eq3A_71 : i32
    %convert_element_type3A_73 = arith.extui %eq3A_72 : i1 to i32
    %cond3A_74 = arith.constant 0 : i32
    %cond3A_75 = arith.cmpi ne, %convert_element_type3A_73, %cond3A_74 : i32
    scf.if %cond3A_75 {
      "tpu.region"() ({
        %run_scoped3A = tpu.sem_alloc : memref<!tpu.dma_semaphore, #tpu.memory_space<semaphore_mem>>
        %dma_start3A_76 = arith.constant 0 : i32
        %dma_start3A_77 = arith.constant 0 : i32
        %dma_start3A_78 = tpu.memref_slice %arg6[%arg0, %dma_start3A_76, %dma_start3A_77] : memref<2x10000x128xf32, #tpu.memory_space<hbm>> -> memref<1x10000x128xf32, #tpu.memory_space<hbm>>
        %dma_start3A_79 = tpu.memref_squeeze %dma_start3A_78 : memref<1x10000x128xf32, #tpu.memory_space<hbm>> -> memref<10000x128xf32, #tpu.memory_space<hbm>>
        %dma_start3A_80 = arith.constant 9984 : i32
        %dma_start3A_81 = arith.constant 0 : i32
        %dma_start3A_82 = tpu.memref_slice %dma_start3A_79[%dma_start3A_80, %dma_start3A_81] : memref<10000x128xf32, #tpu.memory_space<hbm>> -> memref<16x128xf32, #tpu.memory_space<hbm>>
        %dma_start3A_83 = arith.constant 9984 : i32
        %dma_start3A_84 = arith.constant 0 : i32
        %dma_start3A_85 = tpu.memref_slice %arg15[%dma_start3A_83, %dma_start3A_84] : memref<10000x128xf32, #tpu.memory_space<vmem_shared>> -> memref<16x128xf32, #tpu.memory_space<vmem_shared>>
        tpu.enqueue_dma source(%dma_start3A_85 : memref<16x128xf32, #tpu.memory_space<vmem_shared>>) target(%dma_start3A_82 : memref<16x128xf32, #tpu.memory_space<hbm>>) target_semaphore(%run_scoped3A : memref<!tpu.dma_semaphore, #tpu.memory_space<semaphore_mem>>)
        %dma_wait3A_86 = arith.constant 0 : i32
        %dma_wait3A_87 = arith.constant 0 : i32
        %dma_wait3A_88 = tpu.memref_slice %arg6[%arg0, %dma_wait3A_86, %dma_wait3A_87] : memref<2x10000x128xf32, #tpu.memory_space<hbm>> -> memref<1x10000x128xf32, #tpu.memory_space<hbm>>
        %dma_wait3A_89 = tpu.memref_squeeze %dma_wait3A_88 : memref<1x10000x128xf32, #tpu.memory_space<hbm>> -> memref<10000x128xf32, #tpu.memory_space<hbm>>
        %dma_wait3A_90 = arith.constant 9984 : i32
        %dma_wait3A_91 = arith.constant 0 : i32
        %dma_wait3A_92 = tpu.memref_slice %dma_wait3A_89[%dma_wait3A_90, %dma_wait3A_91] : memref<10000x128xf32, #tpu.memory_space<hbm>> -> memref<16x128xf32, #tpu.memory_space<hbm>>
        %dma_wait3A_93 = arith.constant 9984 : i32
        %dma_wait3A_94 = arith.constant 0 : i32
        %dma_wait3A_95 = tpu.memref_slice %arg15[%dma_wait3A_93, %dma_wait3A_94] : memref<10000x128xf32, #tpu.memory_space<vmem_shared>> -> memref<16x128xf32, #tpu.memory_space<vmem_shared>>
        tpu.wait_dma2 semaphore(%run_scoped3A : memref<!tpu.dma_semaphore, #tpu.memory_space<semaphore_mem>>) src(%dma_wait3A_95 : memref<16x128xf32, #tpu.memory_space<vmem_shared>>) dst(%dma_wait3A_92 : memref<16x128xf32, #tpu.memory_space<hbm>>)
        tpu.yield
      }) : () -> ()
    } else {
    }
    return
  }
}

module attributes {stable_mosaic.version = 14 : i64} {
  func.func @_node0_body(%arg0: memref<10000x1xi32, #tpu.memory_space<vmem>>, %arg1: memref<10x128xf32, #tpu.memory_space<vmem>>, %arg2: memref<128x128xf32, #tpu.memory_space<vmem>>, %arg3: memref<10000x128xf32, #tpu.memory_space<vmem>>) attributes {dimension_semantics = [], scalar_prefetch = 0 : i64, scratch_operands = 0 : i64, tpu.core_type = #tpu.core_type<tc>} {
    %get3A = arith.constant 0 : index
    %get3A_0 = arith.constant 0 : index
    %get3A_1 = vector.load %arg0[%get3A, %get3A_0] : memref<10000x1xi32, #tpu.memory_space<vmem>>, vector<10000x1xi32>
    %iota3A = tpu.iota {dimensions = array<i32: 1>} : vector<1x10xi32>
    %eq3A = vector.broadcast %get3A_1 : vector<10000x1xi32> to vector<10000x10xi32>
    %eq3A_2 = vector.broadcast %iota3A : vector<1x10xi32> to vector<10000x10xi32>
    %eq3A_3 = arith.cmpi eq, %eq3A, %eq3A_2 : vector<10000x10xi32>
    %convert_element_type3A = arith.extui %eq3A_3 : vector<10000x10xi1> to vector<10000x10xi32>
    %convert_element_type3A_4 = arith.sitofp %convert_element_type3A : vector<10000x10xi32> to vector<10000x10xf32>
    %get3A_5 = arith.constant 0 : index
    %get3A_6 = arith.constant 0 : index
    %get3A_7 = vector.load %arg1[%get3A_5, %get3A_6] : memref<10x128xf32, #tpu.memory_space<vmem>>, vector<10x128xf32>
    %dot_general3A = arith.constant dense<0.000000e+00> : vector<10000x128xf32>
    %dot_general3A_8 = tpu.matmul %convert_element_type3A_4, %get3A_7, %dot_general3A {dimension_numbers = #tpu.dot_dimension_numbers<[1], [0], [0], [1], [0, 0, 1, 1], [], []>, transpose_lhs_hint = false} : vector<10000x10xf32>, vector<10x128xf32>, vector<10000x128xf32> -> vector<10000x128xf32>
    %get3A_9 = arith.constant 0 : index
    %get3A_10 = arith.constant 0 : index
    %get3A_11 = vector.load %arg2[%get3A_9, %get3A_10] : memref<128x128xf32, #tpu.memory_space<vmem>>, vector<128x128xf32>
    %dot_general3A_12 = arith.constant dense<0.000000e+00> : vector<10000x128xf32>
    %dot_general3A_13 = tpu.matmul %dot_general3A_8, %get3A_11, %dot_general3A_12 {dimension_numbers = #tpu.dot_dimension_numbers<[1], [0], [0], [1], [0, 0, 1, 1], [], []>, transpose_lhs_hint = false} : vector<10000x128xf32>, vector<128x128xf32>, vector<10000x128xf32> -> vector<10000x128xf32>
    %swap3A = arith.constant 0 : index
    %swap3A_14 = arith.constant 0 : index
    %swap3A_15 = vector.load %arg3[%swap3A, %swap3A_14] : memref<10000x128xf32, #tpu.memory_space<vmem>>, vector<10000x128xf32>
    tpu.vector_store %arg3[%swap3A, %swap3A_14], %dot_general3A_13 {strides = array<i32>} : memref<10000x128xf32, #tpu.memory_space<vmem>>, vector<10000x128xf32>,
    return
  }
}

module attributes {stable_mosaic.version = 14 : i64} {
  func.func @_edge_body(%arg0: i32, %arg1: memref<8x1280xf32, #tpu.memory_space<vmem>>, %arg2: memref<64x8xf32, #tpu.memory_space<vmem>>, %arg3: memref<128x64xf32, #tpu.memory_space<vmem>>, %arg4: memref<128x20xf32, #tpu.memory_space<vmem>>, %arg5: memref<64x8xf32, #tpu.memory_space<vmem>>, %arg6: memref<128x64xf32, #tpu.memory_space<vmem>>, %arg7: memref<128x20xf32, #tpu.memory_space<vmem>>, %arg8: memref<1280x64xi32, #tpu.memory_space<vmem>>, %arg9: memref<1280x64xi32, #tpu.memory_space<vmem>>) attributes {dimension_semantics = [#tpu.dimension_semantics<arbitrary>], iteration_bounds = array<i64: 250>, scalar_prefetch = 0 : i64, scratch_operands = 0 : i64, tpu.core_type = #tpu.core_type<tc>, window_params = [{transform_indices = @transform_0, window_bounds = array<i64: 8, 1280>}, {pipeline_mode = #tpu.pipeline_mode<synchronous>, transform_indices = @transform_1, window_bounds = array<i64: 64, 8>}, {pipeline_mode = #tpu.pipeline_mode<synchronous>, transform_indices = @transform_2, window_bounds = array<i64: 128, 64>}, {pipeline_mode = #tpu.pipeline_mode<synchronous>, transform_indices = @transform_3, window_bounds = array<i64: 128, 20>}, {pipeline_mode = #tpu.pipeline_mode<synchronous>, transform_indices = @transform_4, window_bounds = array<i64: 64, 8>}, {pipeline_mode = #tpu.pipeline_mode<synchronous>, transform_indices = @transform_5, window_bounds = array<i64: 128, 64>}, {pipeline_mode = #tpu.pipeline_mode<synchronous>, transform_indices = @transform_6, window_bounds = array<i64: 128, 20>}, {transform_indices = @transform_7, window_bounds = array<i64: 1280, 64>}, {transform_indices = @transform_8, window_bounds = array<i64: 1280, 64>}]} {
    %get3A = arith.constant 0 : index
    %get3A_0 = arith.constant 0 : index
    %get3A_1 = vector.load %arg1[%get3A, %get3A_0] : memref<8x1280xf32, #tpu.memory_space<vmem>>, vector<8x1280xf32>
    %slice3A = vector.extract_strided_slice %get3A_1 {offsets = [0, 0], sizes = [1, 1280], strides = [1, 1]} : vector<8x1280xf32> to vector<1x1280xf32>
    %slice3A_2 = vector.extract_strided_slice %get3A_1 {offsets = [1, 0], sizes = [1, 1280], strides = [1, 1]} : vector<8x1280xf32> to vector<1x1280xf32>
    %slice3A_3 = vector.extract_strided_slice %get3A_1 {offsets = [2, 0], sizes = [1, 1280], strides = [1, 1]} : vector<8x1280xf32> to vector<1x1280xf32>
    %mul3A = arith.mulf %slice3A, %slice3A : vector<1x1280xf32>
    %mul3A_4 = arith.mulf %slice3A_2, %slice3A_2 : vector<1x1280xf32>
    %add3A = arith.addf %mul3A, %mul3A_4 : vector<1x1280xf32>
    %mul3A_5 = arith.mulf %slice3A_3, %slice3A_3 : vector<1x1280xf32>
    %add3A_6 = arith.addf %add3A, %mul3A_5 : vector<1x1280xf32>
    %add3A_7 = arith.constant 1.000000e-18 : f32
    %add3A_8 = vector.broadcast %add3A_7 : f32 to vector<1x1280xf32>
    %add3A_9 = arith.addf %add3A_6, %add3A_8 : vector<1x1280xf32>
    %sqrt3A = math.sqrt %add3A_9 : vector<1x1280xf32>
    %div3A = arith.constant 1.000000e+00 : f32
    %div3A_10 = vector.broadcast %div3A : f32 to vector<1x1280xf32>
    %div3A_11 = arith.divf %div3A_10, %sqrt3A : vector<1x1280xf32>
    %mul3A_12 = arith.mulf %slice3A, %div3A_11 : vector<1x1280xf32>
    %mul3A_13 = arith.mulf %slice3A_2, %div3A_11 : vector<1x1280xf32>
    %mul3A_14 = arith.mulf %slice3A_3, %div3A_11 : vector<1x1280xf32>
    %mul3A_15 = arith.constant 2.000000e-01 : f32
    %mul3A_16 = vector.broadcast %mul3A_15 : f32 to vector<1x1280xf32>
    %mul3A_17 = arith.mulf %sqrt3A, %mul3A_16 : vector<1x1280xf32>
    %iota3A = tpu.iota {dimensions = array<i32: 0>} : vector<8x1xi32>
    %add3A_18 = arith.constant 1 : i32
    %add3A_19 = vector.broadcast %add3A_18 : i32 to vector<8x1xi32>
    %add3A_20 = arith.addi %iota3A, %add3A_19 : vector<8x1xi32>
    %convert_element_type3A = arith.sitofp %add3A_20 : vector<8x1xi32> to vector<8x1xf32>
    %mul3A_21 = arith.constant 3.14159274 : f32
    %mul3A_22 = vector.broadcast %mul3A_21 : f32 to vector<1x1280xf32>
    %mul3A_23 = arith.mulf %mul3A_22, %mul3A_17 : vector<1x1280xf32>
    %mul3A_24 = vector.broadcast %convert_element_type3A : vector<8x1xf32> to vector<8x1280xf32>
    %mul3A_25 = vector.broadcast %mul3A_23 : vector<1x1280xf32> to vector<8x1280xf32>
    %mul3A_26 = arith.mulf %mul3A_24, %mul3A_25 : vector<8x1280xf32>
    %sin3A = math.sin %mul3A_26 : vector<8x1280xf32>
    %mul3A_27 = arith.constant 0.632455527 : f32
    %mul3A_28 = vector.broadcast %mul3A_27 : f32 to vector<8x1280xf32>
    %mul3A_29 = arith.mulf %mul3A_28, %sin3A : vector<8x1280xf32>
    %add3A_30 = arith.constant 9.99999971E-10 : f32
    %add3A_31 = vector.broadcast %add3A_30 : f32 to vector<1x1280xf32>
    %add3A_32 = arith.addf %sqrt3A, %add3A_31 : vector<1x1280xf32>
    %div3A_33 = vector.broadcast %add3A_32 : vector<1x1280xf32> to vector<8x1280xf32>
    %div3A_34 = arith.divf %mul3A_29, %div3A_33 : vector<8x1280xf32>
    %mul3A_35 = arith.mulf %mul3A_17, %mul3A_17 : vector<1x1280xf32>
    %mul3A_36 = arith.mulf %mul3A_17, %mul3A_17 : vector<1x1280xf32>
    %mul3A_37 = arith.mulf %mul3A_35, %mul3A_36 : vector<1x1280xf32>
    %mul3A_38 = arith.mulf %mul3A_37, %mul3A_17 : vector<1x1280xf32>
    %mul3A_39 = arith.constant 1.500000e+01 : f32
    %mul3A_40 = vector.broadcast %mul3A_39 : f32 to vector<1x1280xf32>
    %mul3A_41 = arith.mulf %mul3A_40, %mul3A_17 : vector<1x1280xf32>
    %sub3A = arith.constant 3.500000e+01 : f32
    %sub3A_42 = vector.broadcast %sub3A : f32 to vector<1x1280xf32>
    %sub3A_43 = arith.subf %sub3A_42, %mul3A_41 : vector<1x1280xf32>
    %mul3A_44 = arith.mulf %mul3A_17, %sub3A_43 : vector<1x1280xf32>
    %add3A_45 = arith.constant -2.100000e+01 : f32
    %add3A_46 = vector.broadcast %add3A_45 : f32 to vector<1x1280xf32>
    %add3A_47 = arith.addf %add3A_46, %mul3A_44 : vector<1x1280xf32>
    %mul3A_48 = arith.mulf %mul3A_38, %add3A_47 : vector<1x1280xf32>
    %add3A_49 = arith.constant 1.000000e+00 : f32
    %add3A_50 = vector.broadcast %add3A_49 : f32 to vector<1x1280xf32>
    %add3A_51 = arith.addf %add3A_50, %mul3A_48 : vector<1x1280xf32>
    %lt3A = arith.constant 1.000000e+00 : f32
    %lt3A_52 = vector.broadcast %lt3A : f32 to vector<1x1280xf32>
    %lt3A_53 = arith.cmpf olt, %mul3A_17, %lt3A_52 : vector<1x1280xf32>
    %jit3A = arith.constant 0.000000e+00 : f32
    %broadcast_in_dim3A = vector.broadcast %jit3A : f32 to vector<1x1280xf32>
    %select_n3A = arith.select %lt3A_53, %add3A_51, %broadcast_in_dim3A : vector<1x1280xi1>, vector<1x1280xf32>
    %mul3A_54 = vector.broadcast %select_n3A : vector<1x1280xf32> to vector<8x1280xf32>
    %mul3A_55 = arith.mulf %div3A_34, %mul3A_54 : vector<8x1280xf32>
    %broadcast_in_dim3A_56 = arith.constant 1.000000e+00 : f32
    %broadcast_in_dim3A_57 = vector.broadcast %broadcast_in_dim3A_56 : f32 to vector<1x1280xf32>
    %mul3A_58 = arith.mulf %mul3A_12, %mul3A_12 : vector<1x1280xf32>
    %mul3A_59 = arith.mulf %mul3A_12, %mul3A_13 : vector<1x1280xf32>
    %mul3A_60 = arith.mulf %mul3A_12, %mul3A_14 : vector<1x1280xf32>
    %mul3A_61 = arith.mulf %mul3A_13, %mul3A_13 : vector<1x1280xf32>
    %mul3A_62 = arith.mulf %mul3A_13, %mul3A_14 : vector<1x1280xf32>
    %mul3A_63 = arith.mulf %mul3A_14, %mul3A_14 : vector<1x1280xf32>
    %mul3A_64 = arith.mulf %mul3A_12, %mul3A_12 : vector<1x1280xf32>
    %mul3A_65 = arith.mulf %mul3A_64, %mul3A_12 : vector<1x1280xf32>
    %mul3A_66 = arith.mulf %mul3A_12, %mul3A_12 : vector<1x1280xf32>
    %mul3A_67 = arith.mulf %mul3A_66, %mul3A_13 : vector<1x1280xf32>
    %mul3A_68 = arith.mulf %mul3A_12, %mul3A_12 : vector<1x1280xf32>
    %mul3A_69 = arith.mulf %mul3A_68, %mul3A_14 : vector<1x1280xf32>
    %mul3A_70 = arith.mulf %mul3A_12, %mul3A_13 : vector<1x1280xf32>
    %mul3A_71 = arith.mulf %mul3A_70, %mul3A_13 : vector<1x1280xf32>
    %mul3A_72 = arith.mulf %mul3A_12, %mul3A_13 : vector<1x1280xf32>
    %mul3A_73 = arith.mulf %mul3A_72, %mul3A_14 : vector<1x1280xf32>
    %mul3A_74 = arith.mulf %mul3A_12, %mul3A_14 : vector<1x1280xf32>
    %mul3A_75 = arith.mulf %mul3A_74, %mul3A_14 : vector<1x1280xf32>
    %mul3A_76 = arith.mulf %mul3A_13, %mul3A_13 : vector<1x1280xf32>
    %mul3A_77 = arith.mulf %mul3A_76, %mul3A_13 : vector<1x1280xf32>
    %mul3A_78 = arith.mulf %mul3A_13, %mul3A_13 : vector<1x1280xf32>
    %mul3A_79 = arith.mulf %mul3A_78, %mul3A_14 : vector<1x1280xf32>
    %mul3A_80 = arith.mulf %mul3A_13, %mul3A_14 : vector<1x1280xf32>
    %mul3A_81 = arith.mulf %mul3A_80, %mul3A_14 : vector<1x1280xf32>
    %mul3A_82 = arith.mulf %mul3A_14, %mul3A_14 : vector<1x1280xf32>
    %mul3A_83 = arith.mulf %mul3A_82, %mul3A_14 : vector<1x1280xf32>
    %concatenate3A = tpu.concatenate %broadcast_in_dim3A_57, %mul3A_12, %mul3A_13, %mul3A_14, %mul3A_58, %mul3A_59, %mul3A_60, %mul3A_61, %mul3A_62, %mul3A_63, %mul3A_65, %mul3A_67, %mul3A_69, %mul3A_71, %mul3A_73, %mul3A_75, %mul3A_77, %mul3A_79, %mul3A_81, %mul3A_83 in 0 : vector<1x1280xf32>, vector<1x1280xf32>, vector<1x1280xf32>, vector<1x1280xf32>, vector<1x1280xf32>, vector<1x1280xf32>, vector<1x1280xf32>, vector<1x1280xf32>, vector<1x1280xf32>, vector<1x1280xf32>, vector<1x1280xf32>, vector<1x1280xf32>, vector<1x1280xf32>, vector<1x1280xf32>, vector<1x1280xf32>, vector<1x1280xf32>, vector<1x1280xf32>, vector<1x1280xf32>, vector<1x1280xf32>, vector<1x1280xf32> -> vector<20x1280xf32>
    %get3A_84 = arith.constant 0 : index
    %get3A_85 = arith.constant 0 : index
    %get3A_86 = vector.load %arg2[%get3A_84, %get3A_85] : memref<64x8xf32, #tpu.memory_space<vmem>>, vector<64x8xf32>
    %dot_general3A = arith.constant dense<0.000000e+00> : vector<64x1280xf32>
    %dot_general3A_87 = tpu.matmul %get3A_86, %mul3A_55, %dot_general3A {dimension_numbers = #tpu.dot_dimension_numbers<[1], [0], [0], [1], [0, 0, 1, 1], [], []>, transpose_lhs_hint = false} : vector<64x8xf32>, vector<8x1280xf32>, vector<64x1280xf32> -> vector<64x1280xf32>
    %logistic3A = arith.negf %dot_general3A_87 : vector<64x1280xf32>
    %logistic3A_88 = math.exp %logistic3A : vector<64x1280xf32>
    %logistic3A_89 = arith.constant 1.000000e+00 : f32
    %logistic3A_90 = vector.broadcast %logistic3A_89 : f32 to vector<64x1280xf32>
    %logistic3A_91 = arith.addf %logistic3A_90, %logistic3A_88 : vector<64x1280xf32>
    %logistic3A_92 = arith.divf %logistic3A_90, %logistic3A_91 : vector<64x1280xf32>
    %mul3A_93 = arith.mulf %dot_general3A_87, %logistic3A_92 : vector<64x1280xf32>
    %get3A_94 = arith.constant 0 : index
    %get3A_95 = arith.constant 0 : index
    %get3A_96 = vector.load %arg3[%get3A_94, %get3A_95] : memref<128x64xf32, #tpu.memory_space<vmem>>, vector<128x64xf32>
    %dot_general3A_97 = arith.constant dense<0.000000e+00> : vector<128x1280xf32>
    %dot_general3A_98 = tpu.matmul %get3A_96, %mul3A_93, %dot_general3A_97 {dimension_numbers = #tpu.dot_dimension_numbers<[1], [0], [0], [1], [0, 0, 1, 1], [], []>, transpose_lhs_hint = false} : vector<128x64xf32>, vector<64x1280xf32>, vector<128x1280xf32> -> vector<128x1280xf32>
    %get3A_99 = arith.constant 0 : index
    %get3A_100 = arith.constant 0 : index
    %get3A_101 = vector.load %arg4[%get3A_99, %get3A_100] : memref<128x20xf32, #tpu.memory_space<vmem>>, vector<128x20xf32>
    %dot_general3A_102 = arith.constant dense<0.000000e+00> : vector<128x1280xf32>
    %dot_general3A_103 = tpu.matmul %get3A_101, %concatenate3A, %dot_general3A_102 {dimension_numbers = #tpu.dot_dimension_numbers<[1], [0], [0], [1], [0, 0, 1, 1], [], []>, transpose_lhs_hint = false} : vector<128x20xf32>, vector<20x1280xf32>, vector<128x1280xf32> -> vector<128x1280xf32>
    %mul3A_104 = arith.mulf %dot_general3A_98, %dot_general3A_103 : vector<128x1280xf32>
    %slice3A_105 = vector.extract_strided_slice %mul3A_104 {offsets = [0, 0], sizes = [64, 1280], strides = [1, 1]} : vector<128x1280xf32> to vector<64x1280xf32>
    %convert_element_type3A_106 = arith.truncf %slice3A_105 : vector<64x1280xf32> to vector<64x1280xbf16>
    %convert_element_type3A_107 = arith.extf %convert_element_type3A_106 : vector<64x1280xbf16> to vector<64x1280xf32>
    %slice3A_108 = vector.extract_strided_slice %mul3A_104 {offsets = [64, 0], sizes = [64, 1280], strides = [1, 1]} : vector<128x1280xf32> to vector<64x1280xf32>
    %convert_element_type3A_109 = arith.truncf %slice3A_108 : vector<64x1280xf32> to vector<64x1280xbf16>
    %convert_element_type3A_110 = arith.extf %convert_element_type3A_109 : vector<64x1280xbf16> to vector<64x1280xf32>
    %bitcast_convert_type3A = tpu.bitcast %convert_element_type3A_107 : vector<64x1280xf32> -> vector<64x1280xi32>
    %bitcast_convert_type3A_111 = tpu.bitcast %convert_element_type3A_110 : vector<64x1280xf32> -> vector<64x1280xi32>
    %shift_right_logical3A = arith.constant 16 : i32
    %shift_right_logical3A_112 = vector.broadcast %shift_right_logical3A : i32 to vector<64x1280xi32>
    %shift_right_logical3A_113 = arith.shrui %bitcast_convert_type3A, %shift_right_logical3A_112 : vector<64x1280xi32>
    %and3A = arith.constant -65536 : i32
    %and3A_114 = vector.broadcast %and3A : i32 to vector<64x1280xi32>
    %and3A_115 = arith.andi %bitcast_convert_type3A_111, %and3A_114 : vector<64x1280xi32>
    %or3A = arith.ori %shift_right_logical3A_113, %and3A_115 : vector<64x1280xi32>
    %transpose3A = tpu.transpose %or3A, [1, 0] : vector<64x1280xi32> -> vector<1280x64xi32>
    %swap3A = arith.constant 0 : index
    %swap3A_116 = arith.constant 0 : index
    %swap3A_117 = vector.load %arg8[%swap3A, %swap3A_116] : memref<1280x64xi32, #tpu.memory_space<vmem>>, vector<1280x64xi32>
    tpu.vector_store %arg8[%swap3A, %swap3A_116], %transpose3A {strides = array<i32>} : memref<1280x64xi32, #tpu.memory_space<vmem>>, vector<1280x64xi32>,
    %get3A_118 = arith.constant 0 : index
    %get3A_119 = arith.constant 0 : index
    %get3A_120 = vector.load %arg5[%get3A_118, %get3A_119] : memref<64x8xf32, #tpu.memory_space<vmem>>, vector<64x8xf32>
    %dot_general3A_121 = arith.constant dense<0.000000e+00> : vector<64x1280xf32>
    %dot_general3A_122 = tpu.matmul %get3A_120, %mul3A_55, %dot_general3A_121 {dimension_numbers = #tpu.dot_dimension_numbers<[1], [0], [0], [1], [0, 0, 1, 1], [], []>, transpose_lhs_hint = false} : vector<64x8xf32>, vector<8x1280xf32>, vector<64x1280xf32> -> vector<64x1280xf32>
    %logistic3A_123 = arith.negf %dot_general3A_122 : vector<64x1280xf32>
    %logistic3A_124 = math.exp %logistic3A_123 : vector<64x1280xf32>
    %logistic3A_125 = arith.constant 1.000000e+00 : f32
    %logistic3A_126 = vector.broadcast %logistic3A_125 : f32 to vector<64x1280xf32>
    %logistic3A_127 = arith.addf %logistic3A_126, %logistic3A_124 : vector<64x1280xf32>
    %logistic3A_128 = arith.divf %logistic3A_126, %logistic3A_127 : vector<64x1280xf32>
    %mul3A_129 = arith.mulf %dot_general3A_122, %logistic3A_128 : vector<64x1280xf32>
    %get3A_130 = arith.constant 0 : index
    %get3A_131 = arith.constant 0 : index
    %get3A_132 = vector.load %arg6[%get3A_130, %get3A_131] : memref<128x64xf32, #tpu.memory_space<vmem>>, vector<128x64xf32>
    %dot_general3A_133 = arith.constant dense<0.000000e+00> : vector<128x1280xf32>
    %dot_general3A_134 = tpu.matmul %get3A_132, %mul3A_129, %dot_general3A_133 {dimension_numbers = #tpu.dot_dimension_numbers<[1], [0], [0], [1], [0, 0, 1, 1], [], []>, transpose_lhs_hint = false} : vector<128x64xf32>, vector<64x1280xf32>, vector<128x1280xf32> -> vector<128x1280xf32>
    %get3A_135 = arith.constant 0 : index
    %get3A_136 = arith.constant 0 : index
    %get3A_137 = vector.load %arg7[%get3A_135, %get3A_136] : memref<128x20xf32, #tpu.memory_space<vmem>>, vector<128x20xf32>
    %dot_general3A_138 = arith.constant dense<0.000000e+00> : vector<128x1280xf32>
    %dot_general3A_139 = tpu.matmul %get3A_137, %concatenate3A, %dot_general3A_138 {dimension_numbers = #tpu.dot_dimension_numbers<[1], [0], [0], [1], [0, 0, 1, 1], [], []>, transpose_lhs_hint = false} : vector<128x20xf32>, vector<20x1280xf32>, vector<128x1280xf32> -> vector<128x1280xf32>
    %mul3A_140 = arith.mulf %dot_general3A_134, %dot_general3A_139 : vector<128x1280xf32>
    %slice3A_141 = vector.extract_strided_slice %mul3A_140 {offsets = [0, 0], sizes = [64, 1280], strides = [1, 1]} : vector<128x1280xf32> to vector<64x1280xf32>
    %convert_element_type3A_142 = arith.truncf %slice3A_141 : vector<64x1280xf32> to vector<64x1280xbf16>
    %convert_element_type3A_143 = arith.extf %convert_element_type3A_142 : vector<64x1280xbf16> to vector<64x1280xf32>
    %slice3A_144 = vector.extract_strided_slice %mul3A_140 {offsets = [64, 0], sizes = [64, 1280], strides = [1, 1]} : vector<128x1280xf32> to vector<64x1280xf32>
    %convert_element_type3A_145 = arith.truncf %slice3A_144 : vector<64x1280xf32> to vector<64x1280xbf16>
    %convert_element_type3A_146 = arith.extf %convert_element_type3A_145 : vector<64x1280xbf16> to vector<64x1280xf32>
    %bitcast_convert_type3A_147 = tpu.bitcast %convert_element_type3A_143 : vector<64x1280xf32> -> vector<64x1280xi32>
    %bitcast_convert_type3A_148 = tpu.bitcast %convert_element_type3A_146 : vector<64x1280xf32> -> vector<64x1280xi32>
    %shift_right_logical3A_149 = arith.constant 16 : i32
    %shift_right_logical3A_150 = vector.broadcast %shift_right_logical3A_149 : i32 to vector<64x1280xi32>
    %shift_right_logical3A_151 = arith.shrui %bitcast_convert_type3A_147, %shift_right_logical3A_150 : vector<64x1280xi32>
    %and3A_152 = arith.constant -65536 : i32
    %and3A_153 = vector.broadcast %and3A_152 : i32 to vector<64x1280xi32>
    %and3A_154 = arith.andi %bitcast_convert_type3A_148, %and3A_153 : vector<64x1280xi32>
    %or3A_155 = arith.ori %shift_right_logical3A_151, %and3A_154 : vector<64x1280xi32>
    %transpose3A_156 = tpu.transpose %or3A_155, [1, 0] : vector<64x1280xi32> -> vector<1280x64xi32>
    %swap3A_157 = arith.constant 0 : index
    %swap3A_158 = arith.constant 0 : index
    %swap3A_159 = vector.load %arg9[%swap3A_157, %swap3A_158] : memref<1280x64xi32, #tpu.memory_space<vmem>>, vector<1280x64xi32>
    tpu.vector_store %arg9[%swap3A_157, %swap3A_158], %transpose3A_156 {strides = array<i32>} : memref<1280x64xi32, #tpu.memory_space<vmem>>, vector<1280x64xi32>,
    return
  }
  func.func @transform_0(%arg0: i32) -> (i32, i32) {
    %c0_i32 = arith.constant 0 : i32
    %c0_i32_0 = arith.constant 0 : i32
    return %c0_i32, %arg0 : i32, i32
  }
  func.func @transform_1(%arg0: i32) -> (i32, i32) {
    %c0_i32 = arith.constant 0 : i32
    %c0_i32_0 = arith.constant 0 : i32
    %c0_i32_1 = arith.constant 0 : i32
    return %c0_i32, %c0_i32_0 : i32, i32
  }
  func.func @transform_2(%arg0: i32) -> (i32, i32) {
    %c0_i32 = arith.constant 0 : i32
    %c0_i32_0 = arith.constant 0 : i32
    %c0_i32_1 = arith.constant 0 : i32
    return %c0_i32, %c0_i32_0 : i32, i32
  }
  func.func @transform_3(%arg0: i32) -> (i32, i32) {
    %c0_i32 = arith.constant 0 : i32
    %c0_i32_0 = arith.constant 0 : i32
    %c0_i32_1 = arith.constant 0 : i32
    return %c0_i32, %c0_i32_0 : i32, i32
  }
  func.func @transform_4(%arg0: i32) -> (i32, i32) {
    %c0_i32 = arith.constant 0 : i32
    %c0_i32_0 = arith.constant 0 : i32
    %c0_i32_1 = arith.constant 0 : i32
    return %c0_i32, %c0_i32_0 : i32, i32
  }
  func.func @transform_5(%arg0: i32) -> (i32, i32) {
    %c0_i32 = arith.constant 0 : i32
    %c0_i32_0 = arith.constant 0 : i32
    %c0_i32_1 = arith.constant 0 : i32
    return %c0_i32, %c0_i32_0 : i32, i32
  }
  func.func @transform_6(%arg0: i32) -> (i32, i32) {
    %c0_i32 = arith.constant 0 : i32
    %c0_i32_0 = arith.constant 0 : i32
    %c0_i32_1 = arith.constant 0 : i32
    return %c0_i32, %c0_i32_0 : i32, i32
  }
  func.func @transform_7(%arg0: i32) -> (i32, i32) {
    %c0_i32 = arith.constant 0 : i32
    %c0_i32_0 = arith.constant 0 : i32
    return %arg0, %c0_i32 : i32, i32
  }
  func.func @transform_8(%arg0: i32) -> (i32, i32) {
    %c0_i32 = arith.constant 0 : i32
    %c0_i32_0 = arith.constant 0 : i32
    return %arg0, %c0_i32 : i32, i32
  }
}

module attributes {stable_mosaic.version = 14 : i64} {
  func.func @_node1_body(%arg0: memref<2x10000x128xf32, #tpu.memory_space<vmem>>, %arg1: memref<10000x1xi32, #tpu.memory_space<vmem>>, %arg2: memref<10x128xf32, #tpu.memory_space<vmem>>, %arg3: memref<10x128xf32, #tpu.memory_space<vmem>>, %arg4: memref<10x128xf32, #tpu.memory_space<vmem>>, %arg5: memref<128x128xf32, #tpu.memory_space<vmem>>, %arg6: memref<128x1xf32, #tpu.memory_space<vmem>>, %arg7: memref<128x128xf32, #tpu.memory_space<vmem>>, %arg8: memref<10000x128xf32, #tpu.memory_space<vmem>>, %arg9: memref<10000x128xf32, #tpu.memory_space<vmem>>, %arg10: memref<10000x1xf32, #tpu.memory_space<vmem>>) attributes {dimension_semantics = [], scalar_prefetch = 0 : i64, scratch_operands = 0 : i64, tpu.core_type = #tpu.core_type<tc>} {
    %get3A = arith.constant 0 : index
    %get3A_0 = arith.constant 0 : index
    %get3A_1 = arith.constant 0 : index
    %get3A_2 = vector.load %arg0[%get3A, %get3A_0, %get3A_1] : memref<2x10000x128xf32, #tpu.memory_space<vmem>>, vector<1x10000x128xf32>
    %get3A_3 = vector.shape_cast %get3A_2 : vector<1x10000x128xf32> to vector<10000x128xf32>
    %get3A_4 = arith.constant 1 : index
    %get3A_5 = arith.constant 0 : index
    %get3A_6 = arith.constant 0 : index
    %get3A_7 = vector.load %arg0[%get3A_4, %get3A_5, %get3A_6] : memref<2x10000x128xf32, #tpu.memory_space<vmem>>, vector<1x10000x128xf32>
    %get3A_8 = vector.shape_cast %get3A_7 : vector<1x10000x128xf32> to vector<10000x128xf32>
    %add3A = arith.addf %get3A_3, %get3A_8 : vector<10000x128xf32>
    %mul3A = arith.constant 0.176776692 : f32
    %mul3A_9 = vector.broadcast %mul3A : f32 to vector<10000x128xf32>
    %mul3A_10 = arith.mulf %add3A, %mul3A_9 : vector<10000x128xf32>
    %get3A_11 = arith.constant 0 : index
    %get3A_12 = arith.constant 0 : index
    %get3A_13 = vector.load %arg1[%get3A_11, %get3A_12] : memref<10000x1xi32, #tpu.memory_space<vmem>>, vector<10000x1xi32>
    %iota3A = tpu.iota {dimensions = array<i32: 1>} : vector<1x10xi32>
    %eq3A = vector.broadcast %get3A_13 : vector<10000x1xi32> to vector<10000x10xi32>
    %eq3A_14 = vector.broadcast %iota3A : vector<1x10xi32> to vector<10000x10xi32>
    %eq3A_15 = arith.cmpi eq, %eq3A, %eq3A_14 : vector<10000x10xi32>
    %convert_element_type3A = arith.extui %eq3A_15 : vector<10000x10xi1> to vector<10000x10xi32>
    %convert_element_type3A_16 = arith.sitofp %convert_element_type3A : vector<10000x10xi32> to vector<10000x10xf32>
    %get3A_17 = arith.constant 0 : index
    %get3A_18 = arith.constant 0 : index
    %get3A_19 = vector.load %arg2[%get3A_17, %get3A_18] : memref<10x128xf32, #tpu.memory_space<vmem>>, vector<10x128xf32>
    %dot_general3A = arith.constant dense<0.000000e+00> : vector<10000x128xf32>
    %dot_general3A_20 = tpu.matmul %convert_element_type3A_16, %get3A_19, %dot_general3A {dimension_numbers = #tpu.dot_dimension_numbers<[1], [0], [0], [1], [0, 0, 1, 1], [], []>, transpose_lhs_hint = false} : vector<10000x10xf32>, vector<10x128xf32>, vector<10000x128xf32> -> vector<10000x128xf32>
    %mul3A_21 = arith.mulf %mul3A_10, %dot_general3A_20 : vector<10000x128xf32>
    %get3A_22 = arith.constant 0 : index
    %get3A_23 = arith.constant 0 : index
    %get3A_24 = vector.load %arg3[%get3A_22, %get3A_23] : memref<10x128xf32, #tpu.memory_space<vmem>>, vector<10x128xf32>
    %dot_general3A_25 = arith.constant dense<0.000000e+00> : vector<10000x128xf32>
    %dot_general3A_26 = tpu.matmul %convert_element_type3A_16, %get3A_24, %dot_general3A_25 {dimension_numbers = #tpu.dot_dimension_numbers<[1], [0], [0], [1], [0, 0, 1, 1], [], []>, transpose_lhs_hint = false} : vector<10000x10xf32>, vector<10x128xf32>, vector<10000x128xf32> -> vector<10000x128xf32>
    %get3A_27 = arith.constant 0 : index
    %get3A_28 = arith.constant 0 : index
    %get3A_29 = vector.load %arg4[%get3A_27, %get3A_28] : memref<10x128xf32, #tpu.memory_space<vmem>>, vector<10x128xf32>
    %dot_general3A_30 = arith.constant dense<0.000000e+00> : vector<10000x128xf32>
    %dot_general3A_31 = tpu.matmul %convert_element_type3A_16, %get3A_29, %dot_general3A_30 {dimension_numbers = #tpu.dot_dimension_numbers<[1], [0], [0], [1], [0, 0, 1, 1], [], []>, transpose_lhs_hint = false} : vector<10000x10xf32>, vector<10x128xf32>, vector<10000x128xf32> -> vector<10000x128xf32>
    %mul3A_32 = arith.mulf %dot_general3A_31, %mul3A_21 : vector<10000x128xf32>
    %add3A_33 = arith.addf %dot_general3A_26, %mul3A_32 : vector<10000x128xf32>
    %mul3A_34 = arith.mulf %mul3A_21, %add3A_33 : vector<10000x128xf32>
    %add3A_35 = arith.constant 1.000000e+00 : f32
    %add3A_36 = vector.broadcast %add3A_35 : f32 to vector<10000x128xf32>
    %add3A_37 = arith.addf %add3A_36, %mul3A_34 : vector<10000x128xf32>
    %mul3A_38 = arith.mulf %mul3A_21, %add3A_37 : vector<10000x128xf32>
    %get3A_39 = arith.constant 0 : index
    %get3A_40 = arith.constant 0 : index
    %get3A_41 = vector.load %arg5[%get3A_39, %get3A_40] : memref<128x128xf32, #tpu.memory_space<vmem>>, vector<128x128xf32>
    %dot_general3A_42 = arith.constant dense<0.000000e+00> : vector<10000x128xf32>
    %dot_general3A_43 = tpu.matmul %mul3A_38, %get3A_41, %dot_general3A_42 {dimension_numbers = #tpu.dot_dimension_numbers<[1], [0], [0], [1], [0, 0, 1, 1], [], []>, transpose_lhs_hint = false} : vector<10000x128xf32>, vector<128x128xf32>, vector<10000x128xf32> -> vector<10000x128xf32>
    %swap3A = arith.constant 0 : index
    %swap3A_44 = arith.constant 0 : index
    %swap3A_45 = vector.load %arg8[%swap3A, %swap3A_44] : memref<10000x128xf32, #tpu.memory_space<vmem>>, vector<10000x128xf32>
    tpu.vector_store %arg8[%swap3A, %swap3A_44], %dot_general3A_43 {strides = array<i32>} : memref<10000x128xf32, #tpu.memory_space<vmem>>, vector<10000x128xf32>,
    %get3A_46 = arith.constant 0 : index
    %get3A_47 = arith.constant 0 : index
    %get3A_48 = vector.load %arg7[%get3A_46, %get3A_47] : memref<128x128xf32, #tpu.memory_space<vmem>>, vector<128x128xf32>
    %dot_general3A_49 = arith.constant dense<0.000000e+00> : vector<10000x128xf32>
    %dot_general3A_50 = tpu.matmul %dot_general3A_43, %get3A_48, %dot_general3A_49 {dimension_numbers = #tpu.dot_dimension_numbers<[1], [0], [0], [1], [0, 0, 1, 1], [], []>, transpose_lhs_hint = false} : vector<10000x128xf32>, vector<128x128xf32>, vector<10000x128xf32> -> vector<10000x128xf32>
    %swap3A_51 = arith.constant 0 : index
    %swap3A_52 = arith.constant 0 : index
    %swap3A_53 = vector.load %arg9[%swap3A_51, %swap3A_52] : memref<10000x128xf32, #tpu.memory_space<vmem>>, vector<10000x128xf32>
    tpu.vector_store %arg9[%swap3A_51, %swap3A_52], %dot_general3A_50 {strides = array<i32>} : memref<10000x128xf32, #tpu.memory_space<vmem>>, vector<10000x128xf32>,
    %get3A_54 = arith.constant 0 : index
    %get3A_55 = arith.constant 0 : index
    %get3A_56 = vector.load %arg6[%get3A_54, %get3A_55] : memref<128x1xf32, #tpu.memory_space<vmem>>, vector<128x1xf32>
    %dot_general3A_57 = arith.constant dense<0.000000e+00> : vector<10000x1xf32>
    %dot_general3A_58 = tpu.matmul %dot_general3A_43, %get3A_56, %dot_general3A_57 {dimension_numbers = #tpu.dot_dimension_numbers<[1], [0], [0], [1], [0, 0, 1, 1], [], []>, transpose_lhs_hint = false} : vector<10000x128xf32>, vector<128x1xf32>, vector<10000x1xf32> -> vector<10000x1xf32>
    %swap3A_59 = arith.constant 0 : index
    %swap3A_60 = arith.constant 0 : index
    %swap3A_61 = vector.load %arg10[%swap3A_59, %swap3A_60] : memref<10000x1xf32, #tpu.memory_space<vmem>>, vector<10000x1xf32>
    tpu.vector_store %arg10[%swap3A_59, %swap3A_60], %dot_general3A_58 {strides = array<i32>} : memref<10000x1xf32, #tpu.memory_space<vmem>>, vector<10000x1xf32>,
    return
  }
}

module attributes {stable_mosaic.version = 14 : i64} {
  func.func @_node2_body(%arg0: memref<2x10000x128xf32, #tpu.memory_space<vmem>>, %arg1: memref<10000x128xf32, #tpu.memory_space<vmem>>, %arg2: memref<10000x1xi32, #tpu.memory_space<vmem>>, %arg3: memref<10x128xf32, #tpu.memory_space<vmem>>, %arg4: memref<10x128xf32, #tpu.memory_space<vmem>>, %arg5: memref<10x128xf32, #tpu.memory_space<vmem>>, %arg6: memref<128x128xf32, #tpu.memory_space<vmem>>, %arg7: memref<128x16xf32, #tpu.memory_space<vmem>>, %arg8: memref<16x1xf32, #tpu.memory_space<vmem>>, %arg9: memref<10000x1xf32, #tpu.memory_space<vmem>>) attributes {dimension_semantics = [], scalar_prefetch = 0 : i64, scratch_operands = 0 : i64, tpu.core_type = #tpu.core_type<tc>} {
    %get3A = arith.constant 0 : index
    %get3A_0 = arith.constant 0 : index
    %get3A_1 = arith.constant 0 : index
    %get3A_2 = vector.load %arg0[%get3A, %get3A_0, %get3A_1] : memref<2x10000x128xf32, #tpu.memory_space<vmem>>, vector<1x10000x128xf32>
    %get3A_3 = vector.shape_cast %get3A_2 : vector<1x10000x128xf32> to vector<10000x128xf32>
    %get3A_4 = arith.constant 1 : index
    %get3A_5 = arith.constant 0 : index
    %get3A_6 = arith.constant 0 : index
    %get3A_7 = vector.load %arg0[%get3A_4, %get3A_5, %get3A_6] : memref<2x10000x128xf32, #tpu.memory_space<vmem>>, vector<1x10000x128xf32>
    %get3A_8 = vector.shape_cast %get3A_7 : vector<1x10000x128xf32> to vector<10000x128xf32>
    %add3A = arith.addf %get3A_3, %get3A_8 : vector<10000x128xf32>
    %mul3A = arith.constant 0.176776692 : f32
    %mul3A_9 = vector.broadcast %mul3A : f32 to vector<10000x128xf32>
    %mul3A_10 = arith.mulf %add3A, %mul3A_9 : vector<10000x128xf32>
    %get3A_11 = arith.constant 0 : index
    %get3A_12 = arith.constant 0 : index
    %get3A_13 = vector.load %arg2[%get3A_11, %get3A_12] : memref<10000x1xi32, #tpu.memory_space<vmem>>, vector<10000x1xi32>
    %iota3A = tpu.iota {dimensions = array<i32: 1>} : vector<1x10xi32>
    %eq3A = vector.broadcast %get3A_13 : vector<10000x1xi32> to vector<10000x10xi32>
    %eq3A_14 = vector.broadcast %iota3A : vector<1x10xi32> to vector<10000x10xi32>
    %eq3A_15 = arith.cmpi eq, %eq3A, %eq3A_14 : vector<10000x10xi32>
    %convert_element_type3A = arith.extui %eq3A_15 : vector<10000x10xi1> to vector<10000x10xi32>
    %convert_element_type3A_16 = arith.sitofp %convert_element_type3A : vector<10000x10xi32> to vector<10000x10xf32>
    %get3A_17 = arith.constant 0 : index
    %get3A_18 = arith.constant 0 : index
    %get3A_19 = vector.load %arg1[%get3A_17, %get3A_18] : memref<10000x128xf32, #tpu.memory_space<vmem>>, vector<10000x128xf32>
    %get3A_20 = arith.constant 0 : index
    %get3A_21 = arith.constant 0 : index
    %get3A_22 = vector.load %arg3[%get3A_20, %get3A_21] : memref<10x128xf32, #tpu.memory_space<vmem>>, vector<10x128xf32>
    %dot_general3A = arith.constant dense<0.000000e+00> : vector<10000x128xf32>
    %dot_general3A_23 = tpu.matmul %convert_element_type3A_16, %get3A_22, %dot_general3A {dimension_numbers = #tpu.dot_dimension_numbers<[1], [0], [0], [1], [0, 0, 1, 1], [], []>, transpose_lhs_hint = false} : vector<10000x10xf32>, vector<10x128xf32>, vector<10000x128xf32> -> vector<10000x128xf32>
    %mul3A_24 = arith.mulf %get3A_19, %dot_general3A_23 : vector<10000x128xf32>
    %get3A_25 = arith.constant 0 : index
    %get3A_26 = arith.constant 0 : index
    %get3A_27 = vector.load %arg4[%get3A_25, %get3A_26] : memref<10x128xf32, #tpu.memory_space<vmem>>, vector<10x128xf32>
    %dot_general3A_28 = arith.constant dense<0.000000e+00> : vector<10000x128xf32>
    %dot_general3A_29 = tpu.matmul %convert_element_type3A_16, %get3A_27, %dot_general3A_28 {dimension_numbers = #tpu.dot_dimension_numbers<[1], [0], [0], [1], [0, 0, 1, 1], [], []>, transpose_lhs_hint = false} : vector<10000x10xf32>, vector<10x128xf32>, vector<10000x128xf32> -> vector<10000x128xf32>
    %get3A_30 = arith.constant 0 : index
    %get3A_31 = arith.constant 0 : index
    %get3A_32 = vector.load %arg5[%get3A_30, %get3A_31] : memref<10x128xf32, #tpu.memory_space<vmem>>, vector<10x128xf32>
    %dot_general3A_33 = arith.constant dense<0.000000e+00> : vector<10000x128xf32>
    %dot_general3A_34 = tpu.matmul %convert_element_type3A_16, %get3A_32, %dot_general3A_33 {dimension_numbers = #tpu.dot_dimension_numbers<[1], [0], [0], [1], [0, 0, 1, 1], [], []>, transpose_lhs_hint = false} : vector<10000x10xf32>, vector<10x128xf32>, vector<10000x128xf32> -> vector<10000x128xf32>
    %mul3A_35 = arith.mulf %dot_general3A_34, %mul3A_10 : vector<10000x128xf32>
    %add3A_36 = arith.addf %dot_general3A_29, %mul3A_35 : vector<10000x128xf32>
    %mul3A_37 = arith.mulf %mul3A_10, %add3A_36 : vector<10000x128xf32>
    %add3A_38 = arith.constant 1.000000e+00 : f32
    %add3A_39 = vector.broadcast %add3A_38 : f32 to vector<10000x128xf32>
    %add3A_40 = arith.addf %add3A_39, %mul3A_37 : vector<10000x128xf32>
    %mul3A_41 = arith.mulf %mul3A_10, %add3A_40 : vector<10000x128xf32>
    %get3A_42 = arith.constant 0 : index
    %get3A_43 = arith.constant 0 : index
    %get3A_44 = vector.load %arg6[%get3A_42, %get3A_43] : memref<128x128xf32, #tpu.memory_space<vmem>>, vector<128x128xf32>
    %dot_general3A_45 = arith.constant dense<0.000000e+00> : vector<10000x128xf32>
    %dot_general3A_46 = tpu.matmul %mul3A_41, %get3A_44, %dot_general3A_45 {dimension_numbers = #tpu.dot_dimension_numbers<[1], [0], [0], [1], [0, 0, 1, 1], [], []>, transpose_lhs_hint = false} : vector<10000x128xf32>, vector<128x128xf32>, vector<10000x128xf32> -> vector<10000x128xf32>
    %add3A_47 = arith.addf %dot_general3A_46, %mul3A_24 : vector<10000x128xf32>
    %get3A_48 = arith.constant 0 : index
    %get3A_49 = arith.constant 0 : index
    %get3A_50 = vector.load %arg7[%get3A_48, %get3A_49] : memref<128x16xf32, #tpu.memory_space<vmem>>, vector<128x16xf32>
    %dot_general3A_51 = arith.constant dense<0.000000e+00> : vector<10000x16xf32>
    %dot_general3A_52 = tpu.matmul %add3A_47, %get3A_50, %dot_general3A_51 {dimension_numbers = #tpu.dot_dimension_numbers<[1], [0], [0], [1], [0, 0, 1, 1], [], []>, transpose_lhs_hint = false} : vector<10000x128xf32>, vector<128x16xf32>, vector<10000x16xf32> -> vector<10000x16xf32>
    %logistic3A = arith.negf %dot_general3A_52 : vector<10000x16xf32>
    %logistic3A_53 = math.exp %logistic3A : vector<10000x16xf32>
    %logistic3A_54 = arith.constant 1.000000e+00 : f32
    %logistic3A_55 = vector.broadcast %logistic3A_54 : f32 to vector<10000x16xf32>
    %logistic3A_56 = arith.addf %logistic3A_55, %logistic3A_53 : vector<10000x16xf32>
    %logistic3A_57 = arith.divf %logistic3A_55, %logistic3A_56 : vector<10000x16xf32>
    %mul3A_58 = arith.mulf %dot_general3A_52, %logistic3A_57 : vector<10000x16xf32>
    %get3A_59 = arith.constant 0 : index
    %get3A_60 = arith.constant 0 : index
    %get3A_61 = vector.load %arg8[%get3A_59, %get3A_60] : memref<16x1xf32, #tpu.memory_space<vmem>>, vector<16x1xf32>
    %dot_general3A_62 = arith.constant dense<0.000000e+00> : vector<10000x1xf32>
    %dot_general3A_63 = tpu.matmul %mul3A_58, %get3A_61, %dot_general3A_62 {dimension_numbers = #tpu.dot_dimension_numbers<[1], [0], [0], [1], [0, 0, 1, 1], [], []>, transpose_lhs_hint = false} : vector<10000x16xf32>, vector<16x1xf32>, vector<10000x1xf32> -> vector<10000x1xf32>
    %swap3A = arith.constant 0 : index
    %swap3A_64 = arith.constant 0 : index
    %swap3A_65 = vector.load %arg9[%swap3A, %swap3A_64] : memref<10000x1xf32, #tpu.memory_space<vmem>>, vector<10000x1xf32>
    tpu.vector_store %arg9[%swap3A, %swap3A_64], %dot_general3A_63 {strides = array<i32>} : memref<10000x1xf32, #tpu.memory_space<vmem>>, vector<10000x1xf32>,
    return
  }
}

</mosaic_0001>

<sc_bundles>
// kernel: kernel.11.cloned.1.call-start
scs
__scs_entry_jumppad:
0x0: {  	(pc) =	sbr.rel $0x88, $3  }
0x1: {  	(tag) =	ssettag $0x0;
	lr =	simm.s32 $0x1  }
0x2: {  	[smem:$0x3F89] =	sst lr;
	_ =	strace $0xD0000000  }
0x3: {  	_ = 	snop  }
0x4: {  	_ = 	snop  }
0x5: {  	_ = 	snop  }
0x6: {  	_ = 	snop  }
0x7: {  	_ = 	snop  }
__scs_overlays_trampoline_lowered:
0x8: {  	[smem:$0x3F98] =	sst s0  }
0x9: {  	[smem:$0x3F99] =	sst s1  }
0xa: {  	[smem:$0x3F9A] =	sst s2  }
0xb: {  	[smem:$0x3F9B] =	sst s3  }
0xc: {  	[smem:$0x3F9C] =	sst s4  }
0xd: {  	[smem:$0x3F9D] =	sst s5  }
0xe: {  	[smem:$0x3F9E] =	sst s6  }
0xf: {  	[smem:$0x3F9F] =	sst s7  }
0x10: {  	[smem:$0x3FA0] =	sst s8  }
0x11: {  	[smem:$0x3FA1] =	sst s9;
	s0 =	simm.s32 @!p0 $0x0  }
0x12: {  	s1 =	sld [smem:$0x3F87];
	s0 =	simm.s32 @p0 $0x1  }
0x13: {  	[smem:$0x3FA2] =	sst s0;
	s0 =	simm.s32 @!p1 $0x0  }
0x14: {  	s2 =	sld [smem:$0x3F86];
	s0 =	simm.s32 @p1 $0x1  }
0x15: {  	[smem:$0x3FA3] =	sst s0;
	s0 =	simm.s32 @!p2 $0x0  }
0x16: {  	s3 =	sld [smem:$0x3FDB];
	s0 =	simm.s32 @p2 $0x1  }
0x17: {  	s4 =	simm.s32 $0x1BF5;
	[smem:$0x3FA5] =	sst s0  }
0x18: {  	s0 =	sld [smem:$0x3F88];
	_ =	swait.ge [sflag:s4], $0x0  }
0x19: {  	s7 =	sld [smem:$0x3F89]  }
0x1a: {  	s8 =	sadd.s32 $0xFFFFE003, lr  }
0x1b: {  	s9 =	sadd.s32 $0xFFFFFEF7, lr;
	s5 =	simm.s32 $0xFFFFFFFF;
	p2 =	slt.u32 s8, $0xFFFFF086  }
0x1c: {  	p1 =	slt.u32 s9, $0xF7A;
	s5 =	simm.s32 @!p2 $0x0  }
0x1d: {  	s5 =	simm.s32 @p1 $0x1;
	p0 =	seq.s32 s7, s2  }
0x1e: {  	s7 =	smul.u32 @!p0 $0xF7A, s2;
	p2 =	seq.s32 @!p0 s5, $0x0  }
0x1f: {  	s9 =	smul.u32 $0xF7A, s1;
	s8 =	simm.s32 @!p0 $0x1BF5;
	p2 =	por !p2, p0  }
0x20: {  	[sflag:s8] =	ssyncset.s32 @!p0 $0xFFFFF086;
	s6 =	sadd.s32 @!p0 s3, s7;
	s7 =	simm.s32 @!p0 $0x108  }
0x21: {  	s3 =	sadd.s32 s3, s9;
	s6 =	sadd.s32 @!p0 $0x88, s6;
	s7 =	simm.s32 @p2 $0x1082  }
0x22: {  	[simem:s7], [sflag:s8] =	dma.local @!p0 [hbm:s6], $0xF7A  }
0x23: {  	s9 =	sor.u32 $0xD0000000, s2;
	s6 =	simm.s32 $0x108;
	_ =	swait.ge @!p0 [sflag:s8], $0x0  }
0x24: {  	s3 =	sadd.s32 $0x88, s3;
	s6 =	simm.s32 @!p1 $0x1082;
	[sflag:s4] =	ssyncset.s32 $0xFFFFF086  }
0x25: {  	[simem:s6], [sflag:s4] =	dma.local [hbm:s3], $0xF7A  }
0x26: {  	[smem:$0x3F89] =	sst s1;
	(tag) =	ssettag s2;
	_ =	strace s9  }
0x27: {  	s1 =	sld [smem:$0x3F99]  }
0x28: {  	s2 =	sld [smem:$0x3F9A]  }
0x29: {  	s4 =	sld [smem:$0x3F9C]  }
0x2a: {  	p0 =	seq.s32 s5, $0x0;
	s5 =	sld [smem:$0x3F9D]  }
0x2b: {  	s6 =	sld [smem:$0x3F9E]  }
0x2c: {  	s7 =	sld [smem:$0x3F9F]  }
0x2d: {  	s3 =	simm.s32 $0x108;
	s8 =	sld [smem:$0x3FA0]  }
0x2e: {  	s3 =	simm.s32 @!p0 $0x1082;
	s9 =	sld [smem:$0x3FA1]  }
0x2f: {  	lr =	sadd.s32 s0, s3;
	s0 =	sld [smem:$0x3F98]  }
0x30: {  	s3 =	sld [smem:$0x3F9B]  }
0x31: {  	[smem:$0x3FA4] =	sst s10  }
0x32: {  	s10 =	sld [smem:$0x3FA2];
	_ =	sdelay $0x3  }
0x33: {  	p0 =	seq.s32 s10, $0x1;
	s10 =	sld [smem:$0x3FA4];
	_ =	sdelay $0x3  }
0x34: {  	[smem:$0x3FA4] =	sst s10  }
0x35: {  	s10 =	sld [smem:$0x3FA3];
	_ =	sdelay $0x3  }
0x36: {  	p1 =	seq.s32 s10, $0x1;
	s10 =	sld [smem:$0x3FA4];
	_ =	sdelay $0x3  }
0x37: {  	[smem:$0x3FA4] =	sst s10  }
0x38: {  	s10 =	sld [smem:$0x3FA5]  }
0x39: {  	_ = 	snop;
	(pc) =	sbr.ind lr, $3  }
0x3a: {  	_ = 	snop  }
0x3b: {  	_ = 	snop  }
0x3c: {  	p2 =	seq.s32 s10, $0x1;
	s10 =	sld [smem:$0x3FA4]  }
0x3d: {  	_ =	shalt  }
0x3e: {  	_ =	shalt  }
0x3f: {  	_ =	shalt  }
0x40: {  	_ =	shalt  }
0x41: {  	_ =	shalt  }
0x42: {  	_ =	shalt  }
0x43: {  	_ =	shalt  }
0x44: {  	_ =	shalt  }
0x45: {  	_ =	shalt  }
0x46: {  	_ =	shalt  }
0x47: {  	_ =	shalt  }
0x48: {  	_ =	shalt  }
0x49: {  	_ =	shalt  }
0x4a: {  	_ =	shalt  }
0x4b: {  	_ =	shalt  }
0x4c: {  	_ =	shalt  }
0x4d: {  	_ =	shalt  }
0x4e: {  	_ =	shalt  }
0x4f: {  	_ =	shalt  }
0x50: {  	_ =	shalt  }
0x51: {  	_ =	shalt  }
0x52: {  	_ =	shalt  }
0x53: {  	_ =	shalt  }
0x54: {  	_ =	shalt  }
0x55: {  	_ =	shalt  }
0x56: {  	_ =	shalt  }
0x57: {  	_ =	shalt  }
0x58: {  	_ =	shalt  }
0x59: {  	_ =	shalt  }
0x5a: {  	_ =	shalt  }
0x5b: {  	_ =	shalt  }
0x5c: {  	_ =	shalt  }
0x5d: {  	_ =	shalt  }
0x5e: {  	_ =	shalt  }
0x5f: {  	_ =	shalt  }
0x60: {  	_ =	shalt  }
0x61: {  	_ =	shalt  }
0x62: {  	_ =	shalt  }
0x63: {  	_ =	shalt  }
0x64: {  	_ =	shalt  }
0x65: {  	_ =	shalt  }
0x66: {  	_ =	shalt  }
0x67: {  	_ =	shalt  }
0x68: {  	_ =	shalt  }
0x69: {  	_ =	shalt  }
0x6a: {  	_ =	shalt  }
0x6b: {  	_ =	shalt  }
0x6c: {  	_ =	shalt  }
0x6d: {  	_ =	shalt  }
0x6e: {  	_ =	shalt  }
0x6f: {  	_ =	shalt  }
0x70: {  	_ =	shalt  }
0x71: {  	_ =	shalt  }
0x72: {  	_ =	shalt  }
0x73: {  	_ =	shalt  }
0x74: {  	_ =	shalt  }
0x75: {  	_ =	shalt  }
0x76: {  	_ =	shalt  }
0x77: {  	_ =	shalt  }
0x78: {  	_ =	shalt  }
0x79: {  	_ =	shalt  }
0x7a: {  	_ =	shalt  }
0x7b: {  	_ =	shalt  }
0x7c: {  	_ =	shalt  }
0x7d: {  	_ =	shalt  }
0x7e: {  	_ =	shalt  }
0x7f: {  	_ =	shalt  }
0x80: {  	_ =	shalt  }
0x81: {  	_ =	shalt  }
0x82: {  	_ =	shalt  }
0x83: {  	_ =	shalt  }
0x84: {  	_ =	shalt  }
0x85: {  	_ =	shalt  }
0x86: {  	_ =	shalt  }
0x87: {  	_ =	shalt  }
.Lfunc_end0:
.L_simem_size_0:
called_computation.1_lowered:
.L_overlay_start_0:
0x88: {  	s2 =	sld [smem:$0x3FD9]  }
0x89: {  	s3 =	sld [smem:$0x3FFE];
	_ =	sdelay $0x1  }
0x8a: {  	s1 =	srdreg.scid  }
0x8b: {  	s0 =	sand.u32 $0x1, s1  }
0x8c: {  	s17 =	sshll.u32 s0, $0xA;
	s2 =	sadd.s32 s3, s2  }
0x8d: {  	s2 =	sadd.s32 s2, s17  }
0x8e: {  	[smem:$0x3FB0] =	sst s2  }
0x8f: {  	_ = 	snop  }
0x90: {  	s2 =	sld [smem:$0x3FC7]  }
0x91: {  	s18 =	sld [smem:$0x3FC6];
	(tm) =	ssettm $0x1  }
0x92: {  	s4 =	sld [smem:$0x3FFB];
	_ =	sdelay $0x3  }
0x93: {  	_ =	strace s4  }
0x94: {  	s4 =	sld [smem:$0x3FFC];
	_ =	sdelay $0x3  }
0x95: {  	_ =	strace s4  }
0x96: {  	s4 =	sld [smem:$0x3FFD];
	_ =	sdelay $0x3  }
0x97: {  	_ =	strace s4  }
0x98: {  	_ =	strace $0x8FFFFFFF  }
0x99: {  	s19 =	sld [smem:$0x3FDB];
	_ =	sdelay $0x1  }
0x9a: {  	s5 =	simm.s32 $_scs_section_size  }
0x9b: {  	s6 =	simm.s32 $_size__tile_overlayer_lowered;
	s7 =	simm.s32 $_tile_overlayer_lowered  }
0x9c: {  	s22 =	simm.s32 $0x1BFF;
	s21 =	sshll.u32 s7, $0x1;
	s4 =	sadd.s32 s5, s19  }
0x9d: {  	s8 =	simm.s32 $0x0;
	s20 =	sshll.u32 s6, $0x1;
	s6 =	sadd.s32 s21, s4  }
0x9e: {  	[timem:s8], [sflag:s22] =	dma.local [hbm:s6], s20  }
0x9f: {  	_ =	swait.ge [sflag:s22], s20  }
0xa0: {  	s5 =	ssub.s32 $0x0, s20;
	[sflag:s22] =	ssyncset.done $0x0  }
0xa1: {  	[sflag:s22] =	ssyncadd.s32 s5;
	_ =	sdelay $0x1  }
0xa2: {  	s23 =	simm.s32 $0x1B8B  }
0xa3: {  	_ =	swait.ge [sflag:s23], $0x1  }
0xa4: {  	[sflag:s23] =	ssyncset.done $0x0  }
0xa5: {  	s25 =	simm.s32 $0x1B8E;
	s24 =	sld [smem:$0x3FFE];
	[sflag:s23] =	ssyncadd.s32 $0xFFFFFFFF  }
0xa6: {  	s26 =	simm.s32 $execute0_lowered;
	[smem:$0x3FD2] =	sst s25  }
0xa7: {  	s6 =	sshll.u32 s26, $0x1;
	_ =	strace $0x80000049;
	[dreg:$0x1] =	wrdreg $0xFFFFFFFF  }
0xa8: {  	s28 =	simm.s32 $_size_execute0_lowered;
	s4 =	sadd.s32 s4, s6;
	[dreg:$0x0] =	wrdreg $0x0  }
0xa9: {  	s6 =	sshll.u32 s28, $0x1;
	[dreg:$0x2] =	wrdreg s4  }
0xaa: {  	[dreg:$0x3] =	wrdreg s6  }
0xab: {  	[dreg:$0x4] =	wrdreg $0xC0  }
0xac: {  	_ =	task [dreg:s8], $0x5FFFF  }
0xad: {  	[dreg:$0x1] =	wrdreg $0xFFFFFFFF  }
0xae: {  	[dreg:$0x0] =	wrdreg $0x60  }
0xaf: {  	[dreg:$0x2] =	wrdreg s24  }
0xb0: {  	[dreg:$0x3] =	wrdreg s2  }
0xb1: {  	[dreg:$0x4] =	wrdreg s18  }
0xb2: {  	[dreg:$0x5] =	wrdreg $0xA2000  }
0xb3: {  	[dreg:$0x6] =	wrdreg $0x9  }
0xb4: {  	_ =	task.clear_ibuf [dreg:s8], $0x7FFFF;
	_ =	strace $0x90000049  }
0xb5: {  	s29 =	simm.s32 $0x9;
	_ =	strace $0x8000004B  }
0xb6: {  	_ =	swait.ge [sflag:s29], $0x1  }
0xb7: {  	[sflag:s29] =	ssyncadd.s32 $0xFFFFFFFF  }
0xb8: {  	_ =	strace $0x9000004B  }
0xb9: {  	_ =	sfence  }
0xba: {  	s30 =	sld [smem:$0x0];
	_ =	sdelay $0x2  }
0xbb: {  	s31 =	sshll.u32 s1, $0xD;
	s1 =	sshrl.u32 s1, $0x2  }
0xbc: {  	s3 =	sand.u32 $0x4000, s31;
	s1 =	sadd.s32 s1, s30  }
0xbd: {  	s0 =	sor.u32 s3, s0;
	s1 =	sshll.u32 s1, $0x11  }
0xbe: {  	s0 =	sor.u32 s1, s0  }
0xbf: {  	s0 =	sadd.s32 $0x8F2B, s0  }
0xc0: {  	[sflag:s0] =	ssyncadd.remote.s32 $0x1  }
0xc1: {  	_ =	sfence.sel $0xFFFF  }
0xc2: {  	[dreg:$0x0] =	wrdreg $0xFFFFFFFF;
	(pc) =	sbr.abs _section_cstart, $3  }
0xc3: {  	[dreg:$0x1] =	wrdreg $0xFFFFFFFF  }
0xc4: {  	_ =	task.clear_ibuf [dreg:s8], $0x2FFFF;
	_ =	strace $0x9FFFFFFF  }
0xc5: {  	(tm) =	ssettm $0x7FFFFFFF  }
tec
execute0_lowered:
.L_overlay_start_1:
0x0: {  	(tag) =	ssettag $0x1  }
0x1: {  	s0 =	rddreg [dreg:$0x0]  }
0x2: {  	s1 =	rddreg [dreg:$0x1]  }
0x3: {  	s2 =	rddreg [dreg:$0x2]  }
0x4: {  	s3 =	rddreg [dreg:$0x3];
	s4 =	simm.s32 $0x0  }
0x5: {  	s5 =	srdreg.scid;
	s13 =	stileid.u32;
	s28 =	simm.s32 $0xB  }
0x6: {  	s29 =	simm.s32 $0x100;
	s30 =	simm.s32 $0x1;
	s31 =	simm.s32 $0x50  }
0x7: {  	[smem:$0x7FF] =	sst s4;
	s5 =	sand.u32 $0x1, s5;
	s9 =	smul.u32 $0x4E000, s13  }
0x8: {  	s6 =	sadd.s32 $0x2AE00, s0;
	s7 =	sadd.s32 $0x534000, s0;
	s24 =	sadd.s32 $0x138000, s3  }
0x9: {  	p0 =	sne.s32 s13, $0xF;
	s8 =	smul.u32 $0x27100, s5;
	_ =	strace $0x8000004A  }
0xa: {  	s10 =	ssub.s32 $0x2, s5;
	s5 =	sshll.u32 s5, $0x4;
	s9 =	sshrl.u32 s9, $0x2  }
0xb: {  	s25 =	sshrl.u32 s10, $0x1;
	s0 =	sadd.s32 s8, s0;
	s26 =	sadd.s32 s9, s3  }
0xc: {  	s10 =	ssub.s32 s10, s25;
	s12 =	sadd.s32 $0x2800, s26;
	[dreg:$0xc] =	wrdreg s26  }
0xd: {  	s9 =	sor.u32 s13, s5;
	s14 =	sadd.s32 $0x5000, s26;
	[dreg:$0x5] =	wrdreg s12  }
0xe: {  	s25 =	smul.u32 $0x2700, s13;
	s15 =	sadd.s32 $0x7800, s26;
	[dreg:$0x6] =	wrdreg s14  }
0xf: {  	s13 =	simm.s32 $0x6;
	s16 =	sadd.s32 $0xA000, s26;
	[dreg:$0x7] =	wrdreg s15  }
0x10: {  	s17 =	smul.u32 $0xA, s9;
	s11 =	sadd.s32 $0xC800, s26;
	[dreg:$0x8] =	wrdreg s16  }
0x11: {  	s18 =	sadd.s32 $0xF000, s26;
	s19 =	smul.u32 $0x50, s9;
	[dreg:$0x9] =	wrdreg s11  }
0x12: {  	s20 =	smul.u32 $0x500, s9;
	s0 =	sadd.s32 $0xA0400, s0;
	[dreg:$0xa] =	wrdreg s18  }
0x13: {  	s12 =	sadd.s32 $0x11800, s26;
	s26 =	smax.u32 s10, $0x1;
	[dreg:$0x11] =	wrdreg s0  }
0x14: {  	s0 =	sadd.s32 s25, s0;
	s10 =	simm.s32 $0x7;
	s11 =	simm.s32 $0x3  }
0x15: {  	s14 =	simm.s32 $0x8;
	s15 =	simm.s32 $0x4;
	s16 =	simm.s32 $0x180  }
0x16: {  	s18 =	simm.s32 $0x2A00;
	[dreg:$0xb] =	wrdreg s12;
	s21 =	sadd.s32 s1, s17  }
0x17: {  	s5 =	sadd.s32 s2, s17;
	s22 =	sshrl.u32 s19, $0x3;
	[dreg:$0x12] =	wrdreg s26  }
.Ltmp0:
0x18: {  	s23 =	sadd.s32 s7, s20;
	[dreg:$0x13] =	wrdreg s0;
	(pc) =	sbr.rel .LBB2_1-.Ltmp0, $4  }
0x19: {  	s26 =	simm.s32 $0x200;
	s0 =	simm.s32 $0x5200;
	[dreg:$0xd] =	wrdreg s21  }
0x1a: {  	s12 =	simm.s32 $0x9;
	[dreg:$0xe] =	wrdreg s5;
	s5 =	sadd.s32 s1, s22  }
0x1b: {  	s20 =	simm.s32 $0x0;
	[dreg:$0xf] =	wrdreg s23;
	s5 =	sadd.s32 $0x140, s5  }
0x1c: {  	v0 =	vimm.f32 $0.0e+00;
	s22 =	sor.u32 $0x60, s9;
	[dreg:$0x10] =	wrdreg s5;
	s5 =	simm.s32 $0x5  }
.LBB2_11:
0x1d: {  	_ =	swait.ge [sflag:s12], $0x2800  }
0x1e: {  	[sflag:s12] =	ssyncset.done $0x0  }
0x1f: {  	s17 =	simm.s32 $0xA;
	[sflag:s12] =	ssyncadd.s32 $0xFFFFD800  }
0x20: {  	_ =	swait.ge [sflag:s17], $0x2800  }
0x21: {  	[sflag:s17] =	ssyncset.done $0x0  }
0x22: {  	[sflag:s17] =	ssyncadd.s32 $0xFFFFD800  }
0x23: {  	s24 =	stileid.u32;
	[bflag:$0x0] =	sbarrier.arrive $0xFFFF  }
0x24: {  	s17 =	sshll.u32 s24, $0x6;
	s19 =	rddreg [dreg:$0xc]  }
0x25: {  	s17 =	sor.u32 $0x1C0B, s17;
	s21 =	rddreg [dreg:$0x13];
	s19 =	sshrl.u32 s19, $0x3  }
0x26: {  	[hbm:s21], [sflag:s17] =	dma.local [spmem:s19], $0x2700  }
0x27: {  	_ =	swait.ge [sflag:s28], $0x2700  }
0x28: {  	[sflag:s28] =	ssyncset.done $0x0;
	s19 =	rddreg [dreg:$0x11]  }
0x29: {  	s21 =	sshrl.u32 @!p0 s8, $0x3;
	[sflag:s28] =	ssyncadd.s32 $0xFFFFD900;
	s19 =	sadd.s32 @!p0 $0x27000, s19  }
0x2a: {  	[hbm:s19], [sflag:s17] =	dma.local @!p0 [spmem:s21], $0x100  }
0x2b: {  	s17 =	simm.s32 @!p0 $0xB  }
0x2c: {  	_ =	swait.ge @!p0 [sflag:s17], $0x100  }
0x2d: {  	s20 =	sadd.s32 $0x1, s20;
	s25 =	rddreg [dreg:$0x12]  }
0x2e: {  	p1 =	sne.s32 s20, s25  }
.Ltmp1:
0x2f: {  	_ = 	snop;
	(pc) =	sbr.rel @!p1 .LBB2_12-.Ltmp1, $3  }
0x30: {  	_ =	sdelay $0x1  }
0x31: {  	[sflag:s17] =	ssyncset.done @!p0 $0x0  }
0x32: {  	s24 =	smov.u32 s8;
	[sflag:s17] =	ssyncadd.s32 @!p0 $0xFFFFFF00  }
.LBB2_1:
0x33: {  	s21 =	simm.s32 $0x0;
	s23 =	simm.s32 $0x200  }
.LBB2_2:
0x34: {  	p1 =	sne.s32 s23, $0x9E00;
	[tilespmem:s21+$0x270] =	vst v0  }
0x35: {  	[tilespmem:s21+$0x200] =	vst v0  }
0x36: {  	[tilespmem:s21+$0x210] =	vst v0  }
.Ltmp2:
0x37: {  	[tilespmem:s21+$0x220] =	vst v0;
	(pc) =	sbr.rel @p1 .LBB2_2-.Ltmp2, $4  }
0x38: {  	[tilespmem:s21+$0x230] =	vst v0  }
0x39: {  	[tilespmem:s21+$0x240] =	vst v0  }
0x3a: {  	[tilespmem:s21+$0x250] =	vst v0  }
0x3b: {  	[tilespmem:s21+$0x260] =	vst v0;
	s21 =	sshra.s32 s23, $0x2;
	s23 =	sadd.s32 $0x200, s23  }
0x3c: {  	[tilespmem:s21+$0x270] =	vst v0  }
0x3d: {  	[tilespmem:s21+$0x200] =	vst v0  }
0x3e: {  	[tilespmem:s21+$0x210] =	vst v0  }
0x3f: {  	[tilespmem:s21+$0x220] =	vst v0  }
0x40: {  	[tilespmem:s21+$0x230] =	vst v0  }
0x41: {  	[tilespmem:s21+$0x240] =	vst v0  }
0x42: {  	[tilespmem:s21+$0x250] =	vst v0  }
0x43: {  	[tilespmem:s21+$0x260] =	vst v0;
	s8 =	rddreg [dreg:$0xc]  }
0x44: {  	[spmem:s8] =	stream.linear.scatter [tilespmem:s26], [sflag:$0xB], $0x2800, $0x38;
	[tilespmem:$0x1DA80] =	vst v63  }
0x45: {  	_ =	swait.ge [sflag:s28], $0x2800  }
0x46: {  	[sflag:s28] =	ssyncset.done $0x0  }
0x47: {  	s17 =	rddreg [dreg:$0x5];
	[sflag:s28] =	ssyncadd.s32 $0xFFFFD800  }
0x48: {  	[spmem:s17] =	stream.linear.scatter [tilespmem:s26], [sflag:$0xB], $0x2800, $0x38;
	[tilespmem:$0x1DA80] =	vst v63  }
0x49: {  	_ =	swait.ge [sflag:s28], $0x2800  }
0x4a: {  	[sflag:s28] =	ssyncset.done $0x0  }
0x4b: {  	s8 =	rddreg [dreg:$0x6];
	[sflag:s28] =	ssyncadd.s32 $0xFFFFD800  }
0x4c: {  	[spmem:s8] =	stream.linear.scatter [tilespmem:s26], [sflag:$0xB], $0x2800, $0x38;
	[tilespmem:$0x1DA80] =	vst v63  }
0x4d: {  	_ =	swait.ge [sflag:s28], $0x2800  }
0x4e: {  	[sflag:s28] =	ssyncset.done $0x0  }
0x4f: {  	s19 =	rddreg [dreg:$0x7];
	[sflag:s28] =	ssyncadd.s32 $0xFFFFD800  }
0x50: {  	[spmem:s19] =	stream.linear.scatter [tilespmem:s26], [sflag:$0xB], $0x2800, $0x38;
	[tilespmem:$0x1DA80] =	vst v63  }
0x51: {  	_ =	swait.ge [sflag:s28], $0x2800  }
0x52: {  	[sflag:s28] =	ssyncset.done $0x0  }
0x53: {  	s21 =	rddreg [dreg:$0x8];
	[sflag:s28] =	ssyncadd.s32 $0xFFFFD800  }
0x54: {  	[spmem:s21] =	stream.linear.scatter [tilespmem:s26], [sflag:$0xB], $0x2800, $0x38;
	[tilespmem:$0x1DA80] =	vst v63  }
0x55: {  	_ =	swait.ge [sflag:s28], $0x2800  }
0x56: {  	[sflag:s28] =	ssyncset.done $0x0  }
0x57: {  	s23 =	rddreg [dreg:$0x9];
	[sflag:s28] =	ssyncadd.s32 $0xFFFFD800  }
0x58: {  	[spmem:s23] =	stream.linear.scatter [tilespmem:s26], [sflag:$0xB], $0x2800, $0x38;
	[tilespmem:$0x1DA80] =	vst v63  }
0x59: {  	_ =	swait.ge [sflag:s28], $0x2800  }
0x5a: {  	[sflag:s28] =	ssyncset.done $0x0  }
0x5b: {  	s25 =	rddreg [dreg:$0xa];
	[sflag:s28] =	ssyncadd.s32 $0xFFFFD800  }
0x5c: {  	[spmem:s25] =	stream.linear.scatter [tilespmem:s26], [sflag:$0xB], $0x2800, $0x38;
	[tilespmem:$0x1DA80] =	vst v63  }
0x5d: {  	_ =	swait.ge [sflag:s28], $0x2800  }
0x5e: {  	[sflag:s28] =	ssyncset.done $0x0  }
0x5f: {  	s8 =	rddreg [dreg:$0xb];
	[sflag:s28] =	ssyncadd.s32 $0xFFFFD800  }
0x60: {  	[spmem:s8] =	stream.linear.scatter [tilespmem:s26], [sflag:$0xB], $0x2000, $0x38;
	[tilespmem:$0x1DA80] =	vst v63  }
0x61: {  	_ =	swait.ge [sflag:s28], $0x2000  }
0x62: {  	[sflag:s28] =	ssyncset.done $0x0  }
0x63: {  	s21 =	simm.s32 @!p0 $0x200;
	[sflag:s28] =	ssyncadd.s32 $0xFFFFE000  }
0x64: {  	[spmem:s24] =	stream.linear.scatter @!p0 [tilespmem:s21], [sflag:$0xB], $0x800, $0x38;
	[tilespmem:$0x1DA80] =	vst v63  }
0x65: {  	s21 =	simm.s32 @!p0 $0xB  }
0x66: {  	_ =	swait.ge @!p0 [sflag:s21], $0x800  }
0x67: {  	[sflag:s21] =	ssyncset.done @!p0 $0x0  }
0x68: {  	[sflag:s21] =	ssyncadd.s32 @!p0 $0xFFFFF800  }
0x69: {  	[bflag:$0x0] =	sbarrier.arrive $0xFFFF  }
0x6a: {  	s21 =	simm.s32 $0x0;
	s19 =	rddreg [dreg:$0xd]  }
0x6b: {  	[tilespmem:s21], [sflag:$0x1] =	stream.linear.gather [hbm4b:s19+s21], $0x50, $0x38;
	[tilespmem:$0x1DA80] =	vst v63  }
0x6c: {  	s23 =	rddreg [dreg:$0xe]  }
0x6d: {  	[tilespmem:s29], [sflag:$0x3] =	stream.linear.gather [hbm4b:s23+s21], $0x50, $0x38;
	[tilespmem:$0x1DA80] =	vst v63  }
0x6e: {  	_ =	swait.ge [sflag:s30], $0x50  }
0x6f: {  	[sflag:s30] =	ssyncset.done $0x0  }
0x70: {  	[sflag:s30] =	ssyncadd.s32 $0xFFFFFFB0  }
0x71: {  	[tilespmem:s26], [sflag:$0x5] =	stream.indirect.gather [hbm4b:s6+s31], $0x80, s21, s31, $0xb8;
	[tilespmem:$0x1DA80] =	vst v63  }
.Ltmp3:
0x72: {  	_ = 	snop;
	(pc) =	sbr.rel .LBB2_4-.Ltmp3, $4  }
0x73: {  	s8 =	smov.u32 s24;
	s24 =	rddreg [dreg:$0xf]  }
0x74: {  	[tilespmem:s0], [sflag:$0x7] =	stream.linear.gather [hbm4b:s24+s21], $0x2800, $0x38;
	[tilespmem:$0x1DA80] =	vst v63  }
0x75: {  	s19 =	simm.s32 $0x80;
	s25 =	rddreg [dreg:$0x10]  }
0x76: {  	[tilespmem:s19], [sflag:$0x2] =	stream.linear.gather [hbm4b:s25+s21], $0x50, $0x38;
	[tilespmem:$0x1DA80] =	vst v63  }
.LBB2_10:
0x77: {  	s21 =	sadd.s32 $0x1, s21  }
0x78: {  	p1 =	sne.s32 s21, $0x3F  }
.Ltmp4:
0x79: {  	_ = 	snop;
	(pc) =	sbr.rel @!p1 .LBB2_11-.Ltmp4, $1  }
0x7a: {  	_ =	sdelay $0x3  }
.LBB2_4:
0x7b: {  	s23 =	sshllo.u32 s21, $0x1  }
0x7c: {  	p1 =	sgt.u32 s23, $0x7C  }
0x7d: {  	s24 =	simm.s32 @!p1 $0x2  }
0x7e: {  	p2 =	seq.s32 @!p1 s21, $0x0;
	_ =	swait.ge @!p1 [sflag:s24], $0x50  }
0x7f: {  	s23 =	sshll.u32 @!p1 s23, $0x5;
	p2 =	por p2, p1;
	[sflag:s24] =	ssyncset.done @!p1 $0x0  }
0x80: {  	s23 =	sor.u32 @!p1 s9, s23;
	[sflag:s24] =	ssyncadd.s32 @!p1 $0xFFFFFFB0;
	s24 =	simm.s32 @!p2 $0xA  }
0x81: {  	s25 =	smul.u32 @!p1 $0xA, s23;
	_ =	swait.ge @!p2 [sflag:s24], $0x2800  }
0x82: {  	s19 =	simm.s32 @!p1 $0x180;
	s17 =	simm.s32 @!p1 $0x2A00;
	[sflag:s24] =	ssyncset.done @!p2 $0x0  }
0x83: {  	[sflag:s24] =	ssyncadd.s32 @!p2 $0xFFFFD800;
	s24 =	sadd.s32 @!p1 s2, s25;
	s25 =	simm.s32 @!p1 $0x0  }
0x84: {  	[tilespmem:s19], [sflag:$0x4] =	stream.linear.gather @!p1 [hbm4b:s24+s25], $0x50, $0x38;
	[tilespmem:$0x1DA80] =	vst v63  }
0x85: {  	s23 =	smul.u32 @!p1 $0x500, s23;
	s19 =	simm.s32 @!p1 $0x50;
	s24 =	simm.s32 @!p1 $0x80  }
0x86: {  	[tilespmem:s17], [sflag:$0x6] =	stream.indirect.gather @!p1 [hbm4b:s6+s19], $0x80, s24, s19, $0xb8;
	[tilespmem:$0x1DA80] =	vst v63  }
0x87: {  	s24 =	sshll.u32 s21, $0x1;
	s19 =	sadd.s32 @!p1 s7, s23;
	s23 =	simm.s32 @!p1 $0x7A00  }
0x88: {  	[tilespmem:s23], [sflag:$0x8] =	stream.linear.gather @!p1 [hbm4b:s19+s25], $0x2800, $0x38;
	[tilespmem:$0x1DA80] =	vst v63  }
0x89: {  	p2 =	seq.s32 s21, $0x3E;
	s24 =	sadd.s32 $0x2, s24;
	_ =	swait.ge [sflag:s5], $0x2800  }
0x8a: {  	s17 =	sshll.u32 @!p2 s24, $0x5;
	[sflag:s5] =	ssyncset.done $0x0  }
0x8b: {  	s17 =	sor.u32 @!p2 s9, s17;
	[sflag:s5] =	ssyncadd.s32 $0xFFFFD800  }
0x8c: {  	s17 =	smul.u32 @!p2 $0xA, s17;
	_ =	swait.ge [sflag:s10], $0x2800  }
0x8d: {  	s19 =	simm.s32 @!p2 $0x0;
	[sflag:s10] =	ssyncset.done $0x0  }
0x8e: {  	s25 =	simm.s32 $0x0;
	s17 =	sadd.s32 @!p2 s1, s17;
	[sflag:s10] =	ssyncadd.s32 $0xFFFFD800  }
0x8f: {  	[tilespmem:s19], [sflag:$0x1] =	stream.linear.gather @!p2 [hbm4b:s17+s19], $0x50, $0x38;
	[tilespmem:$0x1DA80] =	vst v63  }
0x90: {  	v5 =	vld [tilespmem:s25+$0x5200]  }
0x91: {  	v3 =	vld [tilespmem:s25+$0x5210]  }
0x92: {  	v2 =	vld [tilespmem:s25+$0x5220]  }
0x93: {  	v1 =	vld [tilespmem:s25+$0x5230]  }
0x94: {  	v9 =	vld [tilespmem:s25+$0x200]  }
0x95: {  	v8 =	vld [tilespmem:s25+$0x240]  }
0x96: {  	v7 =	vld [tilespmem:s25+$0x210]  }
0x97: {  	v6 =	vld [tilespmem:s25+$0x250]  }
0x98: {  	v4 =	vld [tilespmem:s25+$0x220];
	v11 =	vshll.u32 v5, $0x10  }
0x99: {  	s23 =	simm.s32 $0x200;
	v10 =	vand.u32 $0xFFFF0000, v5;
	v5 =	vld [tilespmem:s25+$0x260];
	v9 =	vmul.f32 v11, v9  }
.LBB2_5:
0x9a: {  	p2 =	sne.s32 s23, $0x9E00;
	v8 =	vmul.f32 v10, v8;
	v10 =	vshll.u32 v3, $0x10;
	v11 =	vld [tilespmem:s25+$0x230]  }
0x9b: {  	s17 =	sshra.s32 s23, $0x2;
	v3 =	vand.u32 $0xFFFF0000, v3;
	[tilespmem:s25+$0x200] =	vst v9;
	v7 =	vmul.f32 v10, v7;
	v9 =	vld [tilespmem:s25+$0x270]  }
0x9c: {  	v10 =	vld [tilespmem:s17+$0x5200];
	[tilespmem:s25+$0x240] =	vst v8;
	v6 =	vmul.f32 v3, v6;
	v8 =	vshll.u32 v2, $0x10  }
0x9d: {  	v3 =	vld [tilespmem:s17+$0x5210];
	[tilespmem:s25+$0x210] =	vst v7;
	v7 =	vand.u32 $0xFFFF0000, v2;
	v4 =	vmul.f32 v8, v4  }
0x9e: {  	v2 =	vld [tilespmem:s17+$0x5220];
	[tilespmem:s25+$0x250] =	vst v6;
	v5 =	vmul.f32 v7, v5;
	v6 =	vshll.u32 v1, $0x10  }
0x9f: {  	[tilespmem:s25+$0x220] =	vst v4;
	v4 =	vand.u32 $0xFFFF0000, v1;
	v1 =	vld [tilespmem:s17+$0x5230];
	v6 =	vmul.f32 v6, v11  }
0xa0: {  	v11 =	vld [tilespmem:s17+$0x200];
	[tilespmem:s25+$0x260] =	vst v5;
	v4 =	vmul.f32 v4, v9  }
.Ltmp5:
0xa1: {  	v8 =	vld [tilespmem:s17+$0x240];
	[tilespmem:s25+$0x230] =	vst v6;
	(pc) =	sbr.rel @p2 .LBB2_5-.Ltmp5, $4  }
0xa2: {  	v7 =	vld [tilespmem:s17+$0x210];
	[tilespmem:s25+$0x270] =	vst v4;
	s25 =	smov.u32 s17  }
0xa3: {  	v6 =	vld [tilespmem:s25+$0x250]  }
0xa4: {  	v5 =	vshll.u32 v10, $0x10;
	v4 =	vld [tilespmem:s25+$0x220]  }
0xa5: {  	s23 =	sadd.s32 $0x200, s23;
	v10 =	vand.u32 $0xFFFF0000, v10;
	v9 =	vmul.f32 v5, v11;
	v5 =	vld [tilespmem:s25+$0x260]  }
0xa6: {  	v11 =	vld [tilespmem:s25+$0x230];
	v8 =	vmul.f32 v10, v8;
	v61 =	vshll.u32 v3, $0x10  }
0xa7: {  	v3 =	vand.u32 $0xFFFF0000, v3;
	v62 =	vld [tilespmem:s25+$0x270];
	[tilespmem:s25+$0x200] =	vst v9;
	v7 =	vmul.f32 v61, v7  }
0xa8: {  	v63 =	vshll.u32 v2, $0x10;
	[tilespmem:s25+$0x240] =	vst v8;
	v3 =	vmul.f32 v3, v6  }
0xa9: {  	v2 =	vand.u32 $0xFFFF0000, v2;
	[tilespmem:s25+$0x210] =	vst v7;
	v4 =	vmul.f32 v63, v4  }
0xaa: {  	[tilespmem:s25+$0x250] =	vst v3;
	v2 =	vmul.f32 v2, v5;
	v3 =	vshll.u32 v1, $0x10  }
0xab: {  	v1 =	vand.u32 $0xFFFF0000, v1;
	[tilespmem:s25+$0x220] =	vst v4;
	v3 =	vmul.f32 v3, v11  }
0xac: {  	v1 =	vmul.f32 v1, v62;
	[tilespmem:s25+$0x260] =	vst v2  }
0xad: {  	[tilespmem:s25+$0x230] =	vst v3  }
.Ltmp6:
0xae: {  	[tilespmem:s25+$0x270] =	vst v1;
	(pc) =	sbr.rel @p1 .LBB2_10-.Ltmp6, $4  }
0xaf: {  	_ =	swait.ge [sflag:s11], $0x50  }
0xb0: {  	[sflag:s11] =	ssyncset.done $0x0  }
0xb1: {  	[sflag:s11] =	ssyncadd.s32 $0xFFFFFFB0  }
0xb2: {  	[spmem:s3] =	stream.indirect.scatter.add.f32 [tilespmem:s26], [sflag:$0x9], $0x80, s29, s31, $0xb8;
	[tilespmem:$0x1DA80] =	vst v63  }
0xb3: {  	_ =	swait.ge [sflag:s30], $0x50  }
0xb4: {  	s17 =	sshll.u32 s24, $0x5;
	[sflag:s30] =	ssyncset.done $0x0  }
0xb5: {  	s17 =	sor.u32 s9, s17;
	[sflag:s30] =	ssyncadd.s32 $0xFFFFFFB0  }
0xb6: {  	s19 =	smul.u32 $0xA, s17;
	_ =	swait.ge [sflag:s12], $0x2800  }
0xb7: {  	[sflag:s12] =	ssyncset.done $0x0  }
0xb8: {  	s19 =	sadd.s32 s2, s19;
	[sflag:s12] =	ssyncadd.s32 $0xFFFFD800  }
0xb9: {  	[tilespmem:s29], [sflag:$0x3] =	stream.linear.gather [hbm4b:s19+s4], $0x50, $0x38;
	[tilespmem:$0x1DA80] =	vst v63  }
0xba: {  	s17 =	smul.u32 $0x500, s17  }
0xbb: {  	[tilespmem:s26], [sflag:$0x5] =	stream.indirect.gather [hbm4b:s6+s31], $0x80, s4, s31, $0xb8;
	[tilespmem:$0x1DA80] =	vst v63  }
0xbc: {  	s17 =	sadd.s32 s7, s17  }
0xbd: {  	[tilespmem:s0], [sflag:$0x7] =	stream.linear.gather [hbm4b:s17+s4], $0x2800, $0x38;
	[tilespmem:$0x1DA80] =	vst v63  }
0xbe: {  	p1 =	sgt.u32 s21, $0x3C;
	_ =	swait.ge [sflag:s13], $0x2800  }
0xbf: {  	s17 =	sshll.u32 @!p1 s21, $0x6;
	[sflag:s13] =	ssyncset.done $0x0  }
0xc0: {  	s17 =	sadd.s32 @!p1 s22, s17;
	[sflag:s13] =	ssyncadd.s32 $0xFFFFD800  }
0xc1: {  	s17 =	smul.u32 @!p1 $0xA, s17;
	_ =	swait.ge [sflag:s14], $0x2800  }
0xc2: {  	s24 =	simm.s32 $0x0;
	s23 =	simm.s32 @!p1 $0x80;
	[sflag:s14] =	ssyncset.done $0x0  }
0xc3: {  	s19 =	simm.s32 @!p1 $0x0;
	s17 =	sadd.s32 @!p1 s1, s17;
	[sflag:s14] =	ssyncadd.s32 $0xFFFFD800  }
0xc4: {  	[tilespmem:s23], [sflag:$0x2] =	stream.linear.gather @!p1 [hbm4b:s17+s19], $0x50, $0x38;
	[tilespmem:$0x1DA80] =	vst v63  }
0xc5: {  	v5 =	vld [tilespmem:s24+$0x7A00]  }
0xc6: {  	v3 =	vld [tilespmem:s24+$0x7A10]  }
0xc7: {  	v2 =	vld [tilespmem:s24+$0x7A20]  }
0xc8: {  	v1 =	vld [tilespmem:s24+$0x7A30]  }
0xc9: {  	v9 =	vld [tilespmem:s24+$0x2A00]  }
0xca: {  	v8 =	vld [tilespmem:s24+$0x2A40]  }
0xcb: {  	v7 =	vld [tilespmem:s24+$0x2A10]  }
0xcc: {  	v6 =	vld [tilespmem:s24+$0x2A50]  }
0xcd: {  	v4 =	vld [tilespmem:s24+$0x2A20];
	v11 =	vshll.u32 v5, $0x10  }
0xce: {  	s23 =	simm.s32 $0x200;
	v10 =	vand.u32 $0xFFFF0000, v5;
	v5 =	vld [tilespmem:s24+$0x2A60];
	v9 =	vmul.f32 v11, v9  }
.LBB2_8:
0xcf: {  	p1 =	sne.s32 s23, $0x9E00;
	v8 =	vmul.f32 v10, v8;
	v10 =	vshll.u32 v3, $0x10;
	v11 =	vld [tilespmem:s24+$0x2A30]  }
0xd0: {  	s17 =	sshra.s32 s23, $0x2;
	v3 =	vand.u32 $0xFFFF0000, v3;
	[tilespmem:s24+$0x2A00] =	vst v9;
	v7 =	vmul.f32 v10, v7;
	v9 =	vld [tilespmem:s24+$0x2A70]  }
0xd1: {  	v10 =	vld [tilespmem:s17+$0x7A00];
	[tilespmem:s24+$0x2A40] =	vst v8;
	v6 =	vmul.f32 v3, v6;
	v8 =	vshll.u32 v2, $0x10  }
0xd2: {  	v3 =	vld [tilespmem:s17+$0x7A10];
	[tilespmem:s24+$0x2A10] =	vst v7;
	v7 =	vand.u32 $0xFFFF0000, v2;
	v4 =	vmul.f32 v8, v4  }
0xd3: {  	v2 =	vld [tilespmem:s17+$0x7A20];
	[tilespmem:s24+$0x2A50] =	vst v6;
	v5 =	vmul.f32 v7, v5;
	v6 =	vshll.u32 v1, $0x10  }
0xd4: {  	[tilespmem:s24+$0x2A20] =	vst v4;
	v4 =	vand.u32 $0xFFFF0000, v1;
	v1 =	vld [tilespmem:s17+$0x7A30];
	v6 =	vmul.f32 v6, v11  }
0xd5: {  	v11 =	vld [tilespmem:s17+$0x2A00];
	[tilespmem:s24+$0x2A60] =	vst v5;
	v4 =	vmul.f32 v4, v9  }
.Ltmp7:
0xd6: {  	v8 =	vld [tilespmem:s17+$0x2A40];
	[tilespmem:s24+$0x2A30] =	vst v6;
	(pc) =	sbr.rel @p1 .LBB2_8-.Ltmp7, $4  }
0xd7: {  	v7 =	vld [tilespmem:s17+$0x2A10];
	[tilespmem:s24+$0x2A70] =	vst v4;
	s24 =	smov.u32 s17  }
0xd8: {  	v6 =	vld [tilespmem:s24+$0x2A50]  }
0xd9: {  	v5 =	vshll.u32 v10, $0x10;
	v4 =	vld [tilespmem:s24+$0x2A20]  }
0xda: {  	s23 =	sadd.s32 $0x200, s23;
	v10 =	vand.u32 $0xFFFF0000, v10;
	v9 =	vmul.f32 v5, v11;
	v5 =	vld [tilespmem:s24+$0x2A60]  }
0xdb: {  	v11 =	vld [tilespmem:s24+$0x2A30];
	v8 =	vmul.f32 v10, v8;
	v61 =	vshll.u32 v3, $0x10  }
0xdc: {  	v3 =	vand.u32 $0xFFFF0000, v3;
	v62 =	vld [tilespmem:s24+$0x2A70];
	[tilespmem:s24+$0x2A00] =	vst v9;
	v7 =	vmul.f32 v61, v7  }
0xdd: {  	v63 =	vshll.u32 v2, $0x10;
	[tilespmem:s24+$0x2A40] =	vst v8;
	v3 =	vmul.f32 v3, v6  }
0xde: {  	v2 =	vand.u32 $0xFFFF0000, v2;
	[tilespmem:s24+$0x2A10] =	vst v7;
	v4 =	vmul.f32 v63, v4  }
0xdf: {  	[tilespmem:s24+$0x2A50] =	vst v3;
	v2 =	vmul.f32 v2, v5;
	v3 =	vshll.u32 v1, $0x10  }
0xe0: {  	v1 =	vand.u32 $0xFFFF0000, v1;
	[tilespmem:s24+$0x2A20] =	vst v4;
	v3 =	vmul.f32 v3, v11  }
0xe1: {  	v1 =	vmul.f32 v1, v62;
	[tilespmem:s24+$0x2A60] =	vst v2  }
0xe2: {  	[tilespmem:s24+$0x2A30] =	vst v3  }
.Ltmp8:
0xe3: {  	[tilespmem:s24+$0x2A70] =	vst v1;
	(pc) =	sbr.rel .LBB2_10-.Ltmp8, $4  }
0xe4: {  	_ =	swait.ge [sflag:s15], $0x50  }
0xe5: {  	[sflag:s15] =	ssyncset.done $0x0  }
0xe6: {  	[sflag:s15] =	ssyncadd.s32 $0xFFFFFFB0  }
0xe7: {  	[spmem:s3] =	stream.indirect.scatter.add.f32 [tilespmem:s18], [sflag:$0xA], $0x80, s16, s31, $0xb8;
	[tilespmem:$0x1DA80] =	vst v63  }
.LBB2_12:
0xe8: {  	_ =	sfence.sel $0x180000  }
0xe9: {  	[bflag:$0x0] =	sbarrier.arrive $0xFFFF  }
0xea: {  	_ =	strace $0x9000004A  }
0xeb: {  	s0 =	stileid.u32;
	[bflag:$0x2] =	sbarrier.arrive $0xFFFF  }
0xec: {  	p0 =	sne.s32 s0, $0x0;
	s0 =	rddreg [dreg:$0x4]  }
0xed: {  	s0 =	sadd.s32 @!p0 $0x100000, s0  }
0xee: {  	[sflag:s0] =	ssyncadd.tile.s32 @!p0 $0x1;
	_ =	shalt  }
.Lfunc_end2:
_tile_overlayer_lowered:
.L_overlay_start_2:
0xef: {  	(tag) =	ssettag $0x2  }
0xf0: {  	s0 =	rddreg [dreg:$0x0];
	s2 =	stileid.u32  }
0xf1: {  	s1 =	rddreg [dreg:$0x1];
	p0 =	sne.s32 s2, $0x0  }
0xf2: {  	s3 =	rddreg [dreg:$0x2];
	[bflag:$0x3] =	sbarrier.arrive $0xFFFF;
	s2 =	simm.s32 @!p0 $0x1C0B  }
0xf3: {  	[timem:s3], [sflag:s2] =	dma.local @!p0 [hbm:s0], s1  }
0xf4: {  	s0 =	simm.s32 @!p0 $0xB  }
0xf5: {  	_ =	swait.ge @!p0 [sflag:s0], s1  }
0xf6: {  	s1 =	ssub.s32 @!p0 $0x0, s1;
	[sflag:s0] =	ssyncset.done @!p0 $0x0  }
0xf7: {  	[sflag:s0] =	ssyncadd.s32 @!p0 s1  }
0xf8: {  	[bflag:$0x3] =	sbarrier.arrive $0xFFFF  }
0xf9: {  	_ =	shalt  }

// kernel: kernel.8.cloned.1.call-start
scs
__scs_entry_jumppad:
0x0: {  	(pc) =	sbr.rel $0x88, $3  }
0x1: {  	(tag) =	ssettag $0x0;
	lr =	simm.s32 $0x1  }
0x2: {  	[smem:$0x3F89] =	sst lr;
	_ =	strace $0xD0000000  }
0x3: {  	_ = 	snop  }
0x4: {  	_ = 	snop  }
0x5: {  	_ = 	snop  }
0x6: {  	_ = 	snop  }
0x7: {  	_ = 	snop  }
__scs_overlays_trampoline_lowered:
0x8: {  	[smem:$0x3F98] =	sst s0  }
0x9: {  	[smem:$0x3F99] =	sst s1  }
0xa: {  	[smem:$0x3F9A] =	sst s2  }
0xb: {  	[smem:$0x3F9B] =	sst s3  }
0xc: {  	[smem:$0x3F9C] =	sst s4  }
0xd: {  	[smem:$0x3F9D] =	sst s5  }
0xe: {  	[smem:$0x3F9E] =	sst s6  }
0xf: {  	[smem:$0x3F9F] =	sst s7  }
0x10: {  	[smem:$0x3FA0] =	sst s8  }
0x11: {  	[smem:$0x3FA1] =	sst s9;
	s0 =	simm.s32 @!p0 $0x0  }
0x12: {  	s1 =	sld [smem:$0x3F87];
	s0 =	simm.s32 @p0 $0x1  }
0x13: {  	[smem:$0x3FA2] =	sst s0;
	s0 =	simm.s32 @!p1 $0x0  }
0x14: {  	s2 =	sld [smem:$0x3F86];
	s0 =	simm.s32 @p1 $0x1  }
0x15: {  	[smem:$0x3FA3] =	sst s0;
	s0 =	simm.s32 @!p2 $0x0  }
0x16: {  	s3 =	sld [smem:$0x3FDB];
	s0 =	simm.s32 @p2 $0x1  }
0x17: {  	s4 =	simm.s32 $0x1BF5;
	[smem:$0x3FA5] =	sst s0  }
0x18: {  	s0 =	sld [smem:$0x3F88];
	_ =	swait.ge [sflag:s4], $0x0  }
0x19: {  	s7 =	sld [smem:$0x3F89]  }
0x1a: {  	s8 =	sadd.s32 $0xFFFFE003, lr  }
0x1b: {  	s9 =	sadd.s32 $0xFFFFFEF7, lr;
	s5 =	simm.s32 $0xFFFFFFFF;
	p2 =	slt.u32 s8, $0xFFFFF086  }
0x1c: {  	p1 =	slt.u32 s9, $0xF7A;
	s5 =	simm.s32 @!p2 $0x0  }
0x1d: {  	s5 =	simm.s32 @p1 $0x1;
	p0 =	seq.s32 s7, s2  }
0x1e: {  	s7 =	smul.u32 @!p0 $0xF7A, s2;
	p2 =	seq.s32 @!p0 s5, $0x0  }
0x1f: {  	s9 =	smul.u32 $0xF7A, s1;
	s8 =	simm.s32 @!p0 $0x1BF5;
	p2 =	por !p2, p0  }
0x20: {  	[sflag:s8] =	ssyncset.s32 @!p0 $0xFFFFF086;
	s6 =	sadd.s32 @!p0 s3, s7;
	s7 =	simm.s32 @!p0 $0x108  }
0x21: {  	s3 =	sadd.s32 s3, s9;
	s6 =	sadd.s32 @!p0 $0x88, s6;
	s7 =	simm.s32 @p2 $0x1082  }
0x22: {  	[simem:s7], [sflag:s8] =	dma.local @!p0 [hbm:s6], $0xF7A  }
0x23: {  	s9 =	sor.u32 $0xD0000000, s2;
	s6 =	simm.s32 $0x108;
	_ =	swait.ge @!p0 [sflag:s8], $0x0  }
0x24: {  	s3 =	sadd.s32 $0x88, s3;
	s6 =	simm.s32 @!p1 $0x1082;
	[sflag:s4] =	ssyncset.s32 $0xFFFFF086  }
0x25: {  	[simem:s6], [sflag:s4] =	dma.local [hbm:s3], $0xF7A  }
0x26: {  	[smem:$0x3F89] =	sst s1;
	(tag) =	ssettag s2;
	_ =	strace s9  }
0x27: {  	s1 =	sld [smem:$0x3F99]  }
0x28: {  	s2 =	sld [smem:$0x3F9A]  }
0x29: {  	s4 =	sld [smem:$0x3F9C]  }
0x2a: {  	p0 =	seq.s32 s5, $0x0;
	s5 =	sld [smem:$0x3F9D]  }
0x2b: {  	s6 =	sld [smem:$0x3F9E]  }
0x2c: {  	s7 =	sld [smem:$0x3F9F]  }
0x2d: {  	s3 =	simm.s32 $0x108;
	s8 =	sld [smem:$0x3FA0]  }
0x2e: {  	s3 =	simm.s32 @!p0 $0x1082;
	s9 =	sld [smem:$0x3FA1]  }
0x2f: {  	lr =	sadd.s32 s0, s3;
	s0 =	sld [smem:$0x3F98]  }
0x30: {  	s3 =	sld [smem:$0x3F9B]  }
0x31: {  	[smem:$0x3FA4] =	sst s10  }
0x32: {  	s10 =	sld [smem:$0x3FA2];
	_ =	sdelay $0x3  }
0x33: {  	p0 =	seq.s32 s10, $0x1;
	s10 =	sld [smem:$0x3FA4];
	_ =	sdelay $0x3  }
0x34: {  	[smem:$0x3FA4] =	sst s10  }
0x35: {  	s10 =	sld [smem:$0x3FA3];
	_ =	sdelay $0x3  }
0x36: {  	p1 =	seq.s32 s10, $0x1;
	s10 =	sld [smem:$0x3FA4];
	_ =	sdelay $0x3  }
0x37: {  	[smem:$0x3FA4] =	sst s10  }
0x38: {  	s10 =	sld [smem:$0x3FA5]  }
0x39: {  	_ = 	snop;
	(pc) =	sbr.ind lr, $3  }
0x3a: {  	_ = 	snop  }
0x3b: {  	_ = 	snop  }
0x3c: {  	p2 =	seq.s32 s10, $0x1;
	s10 =	sld [smem:$0x3FA4]  }
0x3d: {  	_ =	shalt  }
0x3e: {  	_ =	shalt  }
0x3f: {  	_ =	shalt  }
0x40: {  	_ =	shalt  }
0x41: {  	_ =	shalt  }
0x42: {  	_ =	shalt  }
0x43: {  	_ =	shalt  }
0x44: {  	_ =	shalt  }
0x45: {  	_ =	shalt  }
0x46: {  	_ =	shalt  }
0x47: {  	_ =	shalt  }
0x48: {  	_ =	shalt  }
0x49: {  	_ =	shalt  }
0x4a: {  	_ =	shalt  }
0x4b: {  	_ =	shalt  }
0x4c: {  	_ =	shalt  }
0x4d: {  	_ =	shalt  }
0x4e: {  	_ =	shalt  }
0x4f: {  	_ =	shalt  }
0x50: {  	_ =	shalt  }
0x51: {  	_ =	shalt  }
0x52: {  	_ =	shalt  }
0x53: {  	_ =	shalt  }
0x54: {  	_ =	shalt  }
0x55: {  	_ =	shalt  }
0x56: {  	_ =	shalt  }
0x57: {  	_ =	shalt  }
0x58: {  	_ =	shalt  }
0x59: {  	_ =	shalt  }
0x5a: {  	_ =	shalt  }
0x5b: {  	_ =	shalt  }
0x5c: {  	_ =	shalt  }
0x5d: {  	_ =	shalt  }
0x5e: {  	_ =	shalt  }
0x5f: {  	_ =	shalt  }
0x60: {  	_ =	shalt  }
0x61: {  	_ =	shalt  }
0x62: {  	_ =	shalt  }
0x63: {  	_ =	shalt  }
0x64: {  	_ =	shalt  }
0x65: {  	_ =	shalt  }
0x66: {  	_ =	shalt  }
0x67: {  	_ =	shalt  }
0x68: {  	_ =	shalt  }
0x69: {  	_ =	shalt  }
0x6a: {  	_ =	shalt  }
0x6b: {  	_ =	shalt  }
0x6c: {  	_ =	shalt  }
0x6d: {  	_ =	shalt  }
0x6e: {  	_ =	shalt  }
0x6f: {  	_ =	shalt  }
0x70: {  	_ =	shalt  }
0x71: {  	_ =	shalt  }
0x72: {  	_ =	shalt  }
0x73: {  	_ =	shalt  }
0x74: {  	_ =	shalt  }
0x75: {  	_ =	shalt  }
0x76: {  	_ =	shalt  }
0x77: {  	_ =	shalt  }
0x78: {  	_ =	shalt  }
0x79: {  	_ =	shalt  }
0x7a: {  	_ =	shalt  }
0x7b: {  	_ =	shalt  }
0x7c: {  	_ =	shalt  }
0x7d: {  	_ =	shalt  }
0x7e: {  	_ =	shalt  }
0x7f: {  	_ =	shalt  }
0x80: {  	_ =	shalt  }
0x81: {  	_ =	shalt  }
0x82: {  	_ =	shalt  }
0x83: {  	_ =	shalt  }
0x84: {  	_ =	shalt  }
0x85: {  	_ =	shalt  }
0x86: {  	_ =	shalt  }
0x87: {  	_ =	shalt  }
.Lfunc_end0:
.L_simem_size_0:
called_computation_lowered:
.L_overlay_start_0:
0x88: {  	s2 =	sld [smem:$0x3FD9]  }
0x89: {  	s3 =	sld [smem:$0x3FFE];
	_ =	sdelay $0x1  }
0x8a: {  	s1 =	srdreg.scid  }
0x8b: {  	s0 =	sand.u32 $0x1, s1  }
0x8c: {  	s17 =	sshll.u32 s0, $0xA;
	s2 =	sadd.s32 s3, s2  }
0x8d: {  	s2 =	sadd.s32 s2, s17  }
0x8e: {  	[smem:$0x3FB0] =	sst s2  }
0x8f: {  	_ = 	snop  }
0x90: {  	s2 =	sld [smem:$0x3FC7]  }
0x91: {  	s18 =	sld [smem:$0x3FC6];
	(tm) =	ssettm $0x1  }
0x92: {  	s4 =	sld [smem:$0x3FFB];
	_ =	sdelay $0x3  }
0x93: {  	_ =	strace s4  }
0x94: {  	s4 =	sld [smem:$0x3FFC];
	_ =	sdelay $0x3  }
0x95: {  	_ =	strace s4  }
0x96: {  	s4 =	sld [smem:$0x3FFD];
	_ =	sdelay $0x3  }
0x97: {  	_ =	strace s4  }
0x98: {  	_ =	strace $0x8FFFFFFF  }
0x99: {  	s19 =	sld [smem:$0x3FDB];
	_ =	sdelay $0x1  }
0x9a: {  	s5 =	simm.s32 $_scs_section_size  }
0x9b: {  	s6 =	simm.s32 $_size__tile_overlayer_lowered;
	s7 =	simm.s32 $_tile_overlayer_lowered  }
0x9c: {  	s22 =	simm.s32 $0x1BFF;
	s21 =	sshll.u32 s7, $0x1;
	s4 =	sadd.s32 s5, s19  }
0x9d: {  	s8 =	simm.s32 $0x0;
	s20 =	sshll.u32 s6, $0x1;
	s6 =	sadd.s32 s21, s4  }
0x9e: {  	[timem:s8], [sflag:s22] =	dma.local [hbm:s6], s20  }
0x9f: {  	_ =	swait.ge [sflag:s22], s20  }
0xa0: {  	s5 =	ssub.s32 $0x0, s20;
	[sflag:s22] =	ssyncset.done $0x0  }
0xa1: {  	[sflag:s22] =	ssyncadd.s32 s5;
	_ =	sdelay $0x1  }
0xa2: {  	s23 =	simm.s32 $0x1B8B  }
0xa3: {  	_ =	swait.ge [sflag:s23], $0x1  }
0xa4: {  	[sflag:s23] =	ssyncset.done $0x0  }
0xa5: {  	s25 =	simm.s32 $0x1B8E;
	s24 =	sld [smem:$0x3FFE];
	[sflag:s23] =	ssyncadd.s32 $0xFFFFFFFF  }
0xa6: {  	s26 =	simm.s32 $execute0_lowered;
	[smem:$0x3FD2] =	sst s25  }
0xa7: {  	s6 =	sshll.u32 s26, $0x1;
	_ =	strace $0x80000046;
	[dreg:$0x1] =	wrdreg $0xFFFFFFFF  }
0xa8: {  	s28 =	simm.s32 $_size_execute0_lowered;
	s4 =	sadd.s32 s4, s6;
	[dreg:$0x0] =	wrdreg $0x0  }
0xa9: {  	s6 =	sshll.u32 s28, $0x1;
	[dreg:$0x2] =	wrdreg s4  }
0xaa: {  	[dreg:$0x3] =	wrdreg s6  }
0xab: {  	[dreg:$0x4] =	wrdreg $0xC0  }
0xac: {  	_ =	task [dreg:s8], $0x5FFFF  }
0xad: {  	[dreg:$0x1] =	wrdreg $0xFFFFFFFF  }
0xae: {  	[dreg:$0x0] =	wrdreg $0x60  }
0xaf: {  	[dreg:$0x2] =	wrdreg s24  }
0xb0: {  	[dreg:$0x3] =	wrdreg s2  }
0xb1: {  	[dreg:$0x4] =	wrdreg s18  }
0xb2: {  	[dreg:$0x5] =	wrdreg $0xA2000  }
0xb3: {  	[dreg:$0x6] =	wrdreg $0x9  }
0xb4: {  	_ =	task.clear_ibuf [dreg:s8], $0x7FFFF;
	_ =	strace $0x90000046  }
0xb5: {  	s29 =	simm.s32 $0x9;
	_ =	strace $0x80000048  }
0xb6: {  	_ =	swait.ge [sflag:s29], $0x1  }
0xb7: {  	[sflag:s29] =	ssyncadd.s32 $0xFFFFFFFF  }
0xb8: {  	_ =	strace $0x90000048  }
0xb9: {  	_ =	sfence  }
0xba: {  	s30 =	sld [smem:$0x0];
	_ =	sdelay $0x2  }
0xbb: {  	s31 =	sshll.u32 s1, $0xD;
	s1 =	sshrl.u32 s1, $0x2  }
0xbc: {  	s3 =	sand.u32 $0x4000, s31;
	s1 =	sadd.s32 s1, s30  }
0xbd: {  	s0 =	sor.u32 s3, s0;
	s1 =	sshll.u32 s1, $0x11  }
0xbe: {  	s0 =	sor.u32 s1, s0  }
0xbf: {  	s0 =	sadd.s32 $0x8F2B, s0  }
0xc0: {  	[sflag:s0] =	ssyncadd.remote.s32 $0x1  }
0xc1: {  	_ =	sfence.sel $0xFFFF  }
0xc2: {  	[dreg:$0x0] =	wrdreg $0xFFFFFFFF;
	(pc) =	sbr.abs _section_cstart, $3  }
0xc3: {  	[dreg:$0x1] =	wrdreg $0xFFFFFFFF  }
0xc4: {  	_ =	task.clear_ibuf [dreg:s8], $0x2FFFF;
	_ =	strace $0x9FFFFFFF  }
0xc5: {  	(tm) =	ssettm $0x7FFFFFFF  }
tec
execute0_lowered:
.L_overlay_start_1:
0x0: {  	(tag) =	ssettag $0x1  }
0x1: {  	s0 =	rddreg [dreg:$0x0]  }
0x2: {  	s1 =	rddreg [dreg:$0x1]  }
0x3: {  	s2 =	rddreg [dreg:$0x2]  }
0x4: {  	s3 =	rddreg [dreg:$0x3];
	s4 =	simm.s32 $0x0  }
0x5: {  	s5 =	srdreg.scid;
	s13 =	stileid.u32;
	s28 =	simm.s32 $0xB  }
0x6: {  	s29 =	simm.s32 $0x100;
	s30 =	simm.s32 $0x1;
	s31 =	simm.s32 $0x50  }
0x7: {  	[smem:$0x7FF] =	sst s4;
	s5 =	sand.u32 $0x1, s5;
	s9 =	smul.u32 $0x4E000, s13  }
0x8: {  	s6 =	sadd.s32 $0x2AE00, s0;
	s7 =	sadd.s32 $0x52000, s0;
	s24 =	sadd.s32 $0x138000, s3  }
0x9: {  	p0 =	sne.s32 s13, $0xF;
	s8 =	smul.u32 $0x27100, s5;
	_ =	strace $0x80000047  }
0xa: {  	s10 =	ssub.s32 $0x2, s5;
	s5 =	sshll.u32 s5, $0x4;
	s9 =	sshrl.u32 s9, $0x2  }
0xb: {  	s25 =	sshrl.u32 s10, $0x1;
	s0 =	sadd.s32 s8, s0;
	s26 =	sadd.s32 s9, s3  }
0xc: {  	s10 =	ssub.s32 s10, s25;
	s12 =	sadd.s32 $0x2800, s26;
	[dreg:$0xc] =	wrdreg s26  }
0xd: {  	s9 =	sor.u32 s13, s5;
	s14 =	sadd.s32 $0x5000, s26;
	[dreg:$0x5] =	wrdreg s12  }
0xe: {  	s25 =	smul.u32 $0x2700, s13;
	s15 =	sadd.s32 $0x7800, s26;
	[dreg:$0x6] =	wrdreg s14  }
0xf: {  	s13 =	simm.s32 $0x6;
	s16 =	sadd.s32 $0xA000, s26;
	[dreg:$0x7] =	wrdreg s15  }
0x10: {  	s17 =	smul.u32 $0xA, s9;
	s11 =	sadd.s32 $0xC800, s26;
	[dreg:$0x8] =	wrdreg s16  }
0x11: {  	s18 =	sadd.s32 $0xF000, s26;
	s19 =	smul.u32 $0x50, s9;
	[dreg:$0x9] =	wrdreg s11  }
0x12: {  	s20 =	smul.u32 $0x500, s9;
	s0 =	sadd.s32 $0xA16000, s0;
	[dreg:$0xa] =	wrdreg s18  }
0x13: {  	s12 =	sadd.s32 $0x11800, s26;
	s26 =	smax.u32 s10, $0x1;
	[dreg:$0x11] =	wrdreg s0  }
0x14: {  	s0 =	sadd.s32 s25, s0;
	s10 =	simm.s32 $0x7;
	s11 =	simm.s32 $0x3  }
0x15: {  	s14 =	simm.s32 $0x8;
	s15 =	simm.s32 $0x4;
	s16 =	simm.s32 $0x180  }
0x16: {  	s18 =	simm.s32 $0x2A00;
	[dreg:$0xb] =	wrdreg s12;
	s21 =	sadd.s32 s1, s17  }
0x17: {  	s5 =	sadd.s32 s2, s17;
	s22 =	sshrl.u32 s19, $0x3;
	[dreg:$0x12] =	wrdreg s26  }
.Ltmp0:
0x18: {  	s23 =	sadd.s32 s7, s20;
	[dreg:$0x13] =	wrdreg s0;
	(pc) =	sbr.rel .LBB2_1-.Ltmp0, $4  }
0x19: {  	s26 =	simm.s32 $0x200;
	s0 =	simm.s32 $0x5200;
	[dreg:$0xd] =	wrdreg s21  }
0x1a: {  	s12 =	simm.s32 $0x9;
	[dreg:$0xe] =	wrdreg s5;
	s5 =	sadd.s32 s1, s22  }
0x1b: {  	s20 =	simm.s32 $0x0;
	[dreg:$0xf] =	wrdreg s23;
	s5 =	sadd.s32 $0x140, s5  }
0x1c: {  	v0 =	vimm.f32 $0.0e+00;
	s22 =	sor.u32 $0x60, s9;
	[dreg:$0x10] =	wrdreg s5;
	s5 =	simm.s32 $0x5  }
.LBB2_11:
0x1d: {  	_ =	swait.ge [sflag:s12], $0x2800  }
0x1e: {  	[sflag:s12] =	ssyncset.done $0x0  }
0x1f: {  	s17 =	simm.s32 $0xA;
	[sflag:s12] =	ssyncadd.s32 $0xFFFFD800  }
0x20: {  	_ =	swait.ge [sflag:s17], $0x2800  }
0x21: {  	[sflag:s17] =	ssyncset.done $0x0  }
0x22: {  	[sflag:s17] =	ssyncadd.s32 $0xFFFFD800  }
0x23: {  	s24 =	stileid.u32;
	[bflag:$0x0] =	sbarrier.arrive $0xFFFF  }
0x24: {  	s17 =	sshll.u32 s24, $0x6;
	s19 =	rddreg [dreg:$0xc]  }
0x25: {  	s17 =	sor.u32 $0x1C0B, s17;
	s21 =	rddreg [dreg:$0x13];
	s19 =	sshrl.u32 s19, $0x3  }
0x26: {  	[hbm:s21], [sflag:s17] =	dma.local [spmem:s19], $0x2700  }
0x27: {  	_ =	swait.ge [sflag:s28], $0x2700  }
0x28: {  	[sflag:s28] =	ssyncset.done $0x0;
	s19 =	rddreg [dreg:$0x11]  }
0x29: {  	s21 =	sshrl.u32 @!p0 s8, $0x3;
	[sflag:s28] =	ssyncadd.s32 $0xFFFFD900;
	s19 =	sadd.s32 @!p0 $0x27000, s19  }
0x2a: {  	[hbm:s19], [sflag:s17] =	dma.local @!p0 [spmem:s21], $0x100  }
0x2b: {  	s17 =	simm.s32 @!p0 $0xB  }
0x2c: {  	_ =	swait.ge @!p0 [sflag:s17], $0x100  }
0x2d: {  	s20 =	sadd.s32 $0x1, s20;
	s25 =	rddreg [dreg:$0x12]  }
0x2e: {  	p1 =	sne.s32 s20, s25  }
.Ltmp1:
0x2f: {  	_ = 	snop;
	(pc) =	sbr.rel @!p1 .LBB2_12-.Ltmp1, $3  }
0x30: {  	_ =	sdelay $0x1  }
0x31: {  	[sflag:s17] =	ssyncset.done @!p0 $0x0  }
0x32: {  	s24 =	smov.u32 s8;
	[sflag:s17] =	ssyncadd.s32 @!p0 $0xFFFFFF00  }
.LBB2_1:
0x33: {  	s21 =	simm.s32 $0x0;
	s23 =	simm.s32 $0x200  }
.LBB2_2:
0x34: {  	p1 =	sne.s32 s23, $0x9E00;
	[tilespmem:s21+$0x270] =	vst v0  }
0x35: {  	[tilespmem:s21+$0x200] =	vst v0  }
0x36: {  	[tilespmem:s21+$0x210] =	vst v0  }
.Ltmp2:
0x37: {  	[tilespmem:s21+$0x220] =	vst v0;
	(pc) =	sbr.rel @p1 .LBB2_2-.Ltmp2, $4  }
0x38: {  	[tilespmem:s21+$0x230] =	vst v0  }
0x39: {  	[tilespmem:s21+$0x240] =	vst v0  }
0x3a: {  	[tilespmem:s21+$0x250] =	vst v0  }
0x3b: {  	[tilespmem:s21+$0x260] =	vst v0;
	s21 =	sshra.s32 s23, $0x2;
	s23 =	sadd.s32 $0x200, s23  }
0x3c: {  	[tilespmem:s21+$0x270] =	vst v0  }
0x3d: {  	[tilespmem:s21+$0x200] =	vst v0  }
0x3e: {  	[tilespmem:s21+$0x210] =	vst v0  }
0x3f: {  	[tilespmem:s21+$0x220] =	vst v0  }
0x40: {  	[tilespmem:s21+$0x230] =	vst v0  }
0x41: {  	[tilespmem:s21+$0x240] =	vst v0  }
0x42: {  	[tilespmem:s21+$0x250] =	vst v0  }
0x43: {  	[tilespmem:s21+$0x260] =	vst v0;
	s8 =	rddreg [dreg:$0xc]  }
0x44: {  	[spmem:s8] =	stream.linear.scatter [tilespmem:s26], [sflag:$0xB], $0x2800, $0x38;
	[tilespmem:$0x1DA80] =	vst v63  }
0x45: {  	_ =	swait.ge [sflag:s28], $0x2800  }
0x46: {  	[sflag:s28] =	ssyncset.done $0x0  }
0x47: {  	s17 =	rddreg [dreg:$0x5];
	[sflag:s28] =	ssyncadd.s32 $0xFFFFD800  }
0x48: {  	[spmem:s17] =	stream.linear.scatter [tilespmem:s26], [sflag:$0xB], $0x2800, $0x38;
	[tilespmem:$0x1DA80] =	vst v63  }
0x49: {  	_ =	swait.ge [sflag:s28], $0x2800  }
0x4a: {  	[sflag:s28] =	ssyncset.done $0x0  }
0x4b: {  	s8 =	rddreg [dreg:$0x6];
	[sflag:s28] =	ssyncadd.s32 $0xFFFFD800  }
0x4c: {  	[spmem:s8] =	stream.linear.scatter [tilespmem:s26], [sflag:$0xB], $0x2800, $0x38;
	[tilespmem:$0x1DA80] =	vst v63  }
0x4d: {  	_ =	swait.ge [sflag:s28], $0x2800  }
0x4e: {  	[sflag:s28] =	ssyncset.done $0x0  }
0x4f: {  	s19 =	rddreg [dreg:$0x7];
	[sflag:s28] =	ssyncadd.s32 $0xFFFFD800  }
0x50: {  	[spmem:s19] =	stream.linear.scatter [tilespmem:s26], [sflag:$0xB], $0x2800, $0x38;
	[tilespmem:$0x1DA80] =	vst v63  }
0x51: {  	_ =	swait.ge [sflag:s28], $0x2800  }
0x52: {  	[sflag:s28] =	ssyncset.done $0x0  }
0x53: {  	s21 =	rddreg [dreg:$0x8];
	[sflag:s28] =	ssyncadd.s32 $0xFFFFD800  }
0x54: {  	[spmem:s21] =	stream.linear.scatter [tilespmem:s26], [sflag:$0xB], $0x2800, $0x38;
	[tilespmem:$0x1DA80] =	vst v63  }
0x55: {  	_ =	swait.ge [sflag:s28], $0x2800  }
0x56: {  	[sflag:s28] =	ssyncset.done $0x0  }
0x57: {  	s23 =	rddreg [dreg:$0x9];
	[sflag:s28] =	ssyncadd.s32 $0xFFFFD800  }
0x58: {  	[spmem:s23] =	stream.linear.scatter [tilespmem:s26], [sflag:$0xB], $0x2800, $0x38;
	[tilespmem:$0x1DA80] =	vst v63  }
0x59: {  	_ =	swait.ge [sflag:s28], $0x2800  }
0x5a: {  	[sflag:s28] =	ssyncset.done $0x0  }
0x5b: {  	s25 =	rddreg [dreg:$0xa];
	[sflag:s28] =	ssyncadd.s32 $0xFFFFD800  }
0x5c: {  	[spmem:s25] =	stream.linear.scatter [tilespmem:s26], [sflag:$0xB], $0x2800, $0x38;
	[tilespmem:$0x1DA80] =	vst v63  }
0x5d: {  	_ =	swait.ge [sflag:s28], $0x2800  }
0x5e: {  	[sflag:s28] =	ssyncset.done $0x0  }
0x5f: {  	s8 =	rddreg [dreg:$0xb];
	[sflag:s28] =	ssyncadd.s32 $0xFFFFD800  }
0x60: {  	[spmem:s8] =	stream.linear.scatter [tilespmem:s26], [sflag:$0xB], $0x2000, $0x38;
	[tilespmem:$0x1DA80] =	vst v63  }
0x61: {  	_ =	swait.ge [sflag:s28], $0x2000  }
0x62: {  	[sflag:s28] =	ssyncset.done $0x0  }
0x63: {  	s21 =	simm.s32 @!p0 $0x200;
	[sflag:s28] =	ssyncadd.s32 $0xFFFFE000  }
0x64: {  	[spmem:s24] =	stream.linear.scatter @!p0 [tilespmem:s21], [sflag:$0xB], $0x800, $0x38;
	[tilespmem:$0x1DA80] =	vst v63  }
0x65: {  	s21 =	simm.s32 @!p0 $0xB  }
0x66: {  	_ =	swait.ge @!p0 [sflag:s21], $0x800  }
0x67: {  	[sflag:s21] =	ssyncset.done @!p0 $0x0  }
0x68: {  	[sflag:s21] =	ssyncadd.s32 @!p0 $0xFFFFF800  }
0x69: {  	[bflag:$0x0] =	sbarrier.arrive $0xFFFF  }
0x6a: {  	s21 =	simm.s32 $0x0;
	s19 =	rddreg [dreg:$0xd]  }
0x6b: {  	[tilespmem:s21], [sflag:$0x1] =	stream.linear.gather [hbm4b:s19+s21], $0x50, $0x38;
	[tilespmem:$0x1DA80] =	vst v63  }
0x6c: {  	s23 =	rddreg [dreg:$0xe]  }
0x6d: {  	[tilespmem:s29], [sflag:$0x3] =	stream.linear.gather [hbm4b:s23+s21], $0x50, $0x38;
	[tilespmem:$0x1DA80] =	vst v63  }
0x6e: {  	_ =	swait.ge [sflag:s30], $0x50  }
0x6f: {  	[sflag:s30] =	ssyncset.done $0x0  }
0x70: {  	[sflag:s30] =	ssyncadd.s32 $0xFFFFFFB0  }
0x71: {  	[tilespmem:s26], [sflag:$0x5] =	stream.indirect.gather [hbm4b:s6+s31], $0x80, s21, s31, $0xb8;
	[tilespmem:$0x1DA80] =	vst v63  }
.Ltmp3:
0x72: {  	_ = 	snop;
	(pc) =	sbr.rel .LBB2_4-.Ltmp3, $4  }
0x73: {  	s8 =	smov.u32 s24;
	s24 =	rddreg [dreg:$0xf]  }
0x74: {  	[tilespmem:s0], [sflag:$0x7] =	stream.linear.gather [hbm4b:s24+s21], $0x2800, $0x38;
	[tilespmem:$0x1DA80] =	vst v63  }
0x75: {  	s19 =	simm.s32 $0x80;
	s25 =	rddreg [dreg:$0x10]  }
0x76: {  	[tilespmem:s19], [sflag:$0x2] =	stream.linear.gather [hbm4b:s25+s21], $0x50, $0x38;
	[tilespmem:$0x1DA80] =	vst v63  }
.LBB2_10:
0x77: {  	s21 =	sadd.s32 $0x1, s21  }
0x78: {  	p1 =	sne.s32 s21, $0x3F  }
.Ltmp4:
0x79: {  	_ = 	snop;
	(pc) =	sbr.rel @!p1 .LBB2_11-.Ltmp4, $1  }
0x7a: {  	_ =	sdelay $0x3  }
.LBB2_4:
0x7b: {  	s23 =	sshllo.u32 s21, $0x1  }
0x7c: {  	p1 =	sgt.u32 s23, $0x7C  }
0x7d: {  	s24 =	simm.s32 @!p1 $0x2  }
0x7e: {  	p2 =	seq.s32 @!p1 s21, $0x0;
	_ =	swait.ge @!p1 [sflag:s24], $0x50  }
0x7f: {  	s23 =	sshll.u32 @!p1 s23, $0x5;
	p2 =	por p2, p1;
	[sflag:s24] =	ssyncset.done @!p1 $0x0  }
0x80: {  	s23 =	sor.u32 @!p1 s9, s23;
	[sflag:s24] =	ssyncadd.s32 @!p1 $0xFFFFFFB0;
	s24 =	simm.s32 @!p2 $0xA  }
0x81: {  	s25 =	smul.u32 @!p1 $0xA, s23;
	_ =	swait.ge @!p2 [sflag:s24], $0x2800  }
0x82: {  	s19 =	simm.s32 @!p1 $0x180;
	s17 =	simm.s32 @!p1 $0x2A00;
	[sflag:s24] =	ssyncset.done @!p2 $0x0  }
0x83: {  	[sflag:s24] =	ssyncadd.s32 @!p2 $0xFFFFD800;
	s24 =	sadd.s32 @!p1 s2, s25;
	s25 =	simm.s32 @!p1 $0x0  }
0x84: {  	[tilespmem:s19], [sflag:$0x4] =	stream.linear.gather @!p1 [hbm4b:s24+s25], $0x50, $0x38;
	[tilespmem:$0x1DA80] =	vst v63  }
0x85: {  	s23 =	smul.u32 @!p1 $0x500, s23;
	s19 =	simm.s32 @!p1 $0x50;
	s24 =	simm.s32 @!p1 $0x80  }
0x86: {  	[tilespmem:s17], [sflag:$0x6] =	stream.indirect.gather @!p1 [hbm4b:s6+s19], $0x80, s24, s19, $0xb8;
	[tilespmem:$0x1DA80] =	vst v63  }
0x87: {  	s24 =	sshll.u32 s21, $0x1;
	s19 =	sadd.s32 @!p1 s7, s23;
	s23 =	simm.s32 @!p1 $0x7A00  }
0x88: {  	[tilespmem:s23], [sflag:$0x8] =	stream.linear.gather @!p1 [hbm4b:s19+s25], $0x2800, $0x38;
	[tilespmem:$0x1DA80] =	vst v63  }
0x89: {  	p2 =	seq.s32 s21, $0x3E;
	s24 =	sadd.s32 $0x2, s24;
	_ =	swait.ge [sflag:s5], $0x2800  }
0x8a: {  	s17 =	sshll.u32 @!p2 s24, $0x5;
	[sflag:s5] =	ssyncset.done $0x0  }
0x8b: {  	s17 =	sor.u32 @!p2 s9, s17;
	[sflag:s5] =	ssyncadd.s32 $0xFFFFD800  }
0x8c: {  	s17 =	smul.u32 @!p2 $0xA, s17;
	_ =	swait.ge [sflag:s10], $0x2800  }
0x8d: {  	s19 =	simm.s32 @!p2 $0x0;
	[sflag:s10] =	ssyncset.done $0x0  }
0x8e: {  	s25 =	simm.s32 $0x0;
	s17 =	sadd.s32 @!p2 s1, s17;
	[sflag:s10] =	ssyncadd.s32 $0xFFFFD800  }
0x8f: {  	[tilespmem:s19], [sflag:$0x1] =	stream.linear.gather @!p2 [hbm4b:s17+s19], $0x50, $0x38;
	[tilespmem:$0x1DA80] =	vst v63  }
0x90: {  	v5 =	vld [tilespmem:s25+$0x5200]  }
0x91: {  	v3 =	vld [tilespmem:s25+$0x5210]  }
0x92: {  	v2 =	vld [tilespmem:s25+$0x5220]  }
0x93: {  	v1 =	vld [tilespmem:s25+$0x5230]  }
0x94: {  	v9 =	vld [tilespmem:s25+$0x200]  }
0x95: {  	v8 =	vld [tilespmem:s25+$0x240]  }
0x96: {  	v7 =	vld [tilespmem:s25+$0x210]  }
0x97: {  	v6 =	vld [tilespmem:s25+$0x250]  }
0x98: {  	v4 =	vld [tilespmem:s25+$0x220];
	v11 =	vshll.u32 v5, $0x10  }
0x99: {  	s23 =	simm.s32 $0x200;
	v10 =	vand.u32 $0xFFFF0000, v5;
	v5 =	vld [tilespmem:s25+$0x260];
	v9 =	vmul.f32 v11, v9  }
.LBB2_5:
0x9a: {  	p2 =	sne.s32 s23, $0x9E00;
	v8 =	vmul.f32 v10, v8;
	v10 =	vshll.u32 v3, $0x10;
	v11 =	vld [tilespmem:s25+$0x230]  }
0x9b: {  	s17 =	sshra.s32 s23, $0x2;
	v3 =	vand.u32 $0xFFFF0000, v3;
	[tilespmem:s25+$0x200] =	vst v9;
	v7 =	vmul.f32 v10, v7;
	v9 =	vld [tilespmem:s25+$0x270]  }
0x9c: {  	v10 =	vld [tilespmem:s17+$0x5200];
	[tilespmem:s25+$0x240] =	vst v8;
	v6 =	vmul.f32 v3, v6;
	v8 =	vshll.u32 v2, $0x10  }
0x9d: {  	v3 =	vld [tilespmem:s17+$0x5210];
	[tilespmem:s25+$0x210] =	vst v7;
	v7 =	vand.u32 $0xFFFF0000, v2;
	v4 =	vmul.f32 v8, v4  }
0x9e: {  	v2 =	vld [tilespmem:s17+$0x5220];
	[tilespmem:s25+$0x250] =	vst v6;
	v5 =	vmul.f32 v7, v5;
	v6 =	vshll.u32 v1, $0x10  }
0x9f: {  	[tilespmem:s25+$0x220] =	vst v4;
	v4 =	vand.u32 $0xFFFF0000, v1;
	v1 =	vld [tilespmem:s17+$0x5230];
	v6 =	vmul.f32 v6, v11  }
0xa0: {  	v11 =	vld [tilespmem:s17+$0x200];
	[tilespmem:s25+$0x260] =	vst v5;
	v4 =	vmul.f32 v4, v9  }
.Ltmp5:
0xa1: {  	v8 =	vld [tilespmem:s17+$0x240];
	[tilespmem:s25+$0x230] =	vst v6;
	(pc) =	sbr.rel @p2 .LBB2_5-.Ltmp5, $4  }
0xa2: {  	v7 =	vld [tilespmem:s17+$0x210];
	[tilespmem:s25+$0x270] =	vst v4;
	s25 =	smov.u32 s17  }
0xa3: {  	v6 =	vld [tilespmem:s25+$0x250]  }
0xa4: {  	v5 =	vshll.u32 v10, $0x10;
	v4 =	vld [tilespmem:s25+$0x220]  }
0xa5: {  	s23 =	sadd.s32 $0x200, s23;
	v10 =	vand.u32 $0xFFFF0000, v10;
	v9 =	vmul.f32 v5, v11;
	v5 =	vld [tilespmem:s25+$0x260]  }
0xa6: {  	v11 =	vld [tilespmem:s25+$0x230];
	v8 =	vmul.f32 v10, v8;
	v61 =	vshll.u32 v3, $0x10  }
0xa7: {  	v3 =	vand.u32 $0xFFFF0000, v3;
	v62 =	vld [tilespmem:s25+$0x270];
	[tilespmem:s25+$0x200] =	vst v9;
	v7 =	vmul.f32 v61, v7  }
0xa8: {  	v63 =	vshll.u32 v2, $0x10;
	[tilespmem:s25+$0x240] =	vst v8;
	v3 =	vmul.f32 v3, v6  }
0xa9: {  	v2 =	vand.u32 $0xFFFF0000, v2;
	[tilespmem:s25+$0x210] =	vst v7;
	v4 =	vmul.f32 v63, v4  }
0xaa: {  	[tilespmem:s25+$0x250] =	vst v3;
	v2 =	vmul.f32 v2, v5;
	v3 =	vshll.u32 v1, $0x10  }
0xab: {  	v1 =	vand.u32 $0xFFFF0000, v1;
	[tilespmem:s25+$0x220] =	vst v4;
	v3 =	vmul.f32 v3, v11  }
0xac: {  	v1 =	vmul.f32 v1, v62;
	[tilespmem:s25+$0x260] =	vst v2  }
0xad: {  	[tilespmem:s25+$0x230] =	vst v3  }
.Ltmp6:
0xae: {  	[tilespmem:s25+$0x270] =	vst v1;
	(pc) =	sbr.rel @p1 .LBB2_10-.Ltmp6, $4  }
0xaf: {  	_ =	swait.ge [sflag:s11], $0x50  }
0xb0: {  	[sflag:s11] =	ssyncset.done $0x0  }
0xb1: {  	[sflag:s11] =	ssyncadd.s32 $0xFFFFFFB0  }
0xb2: {  	[spmem:s3] =	stream.indirect.scatter.add.f32 [tilespmem:s26], [sflag:$0x9], $0x80, s29, s31, $0xb8;
	[tilespmem:$0x1DA80] =	vst v63  }
0xb3: {  	_ =	swait.ge [sflag:s30], $0x50  }
0xb4: {  	s17 =	sshll.u32 s24, $0x5;
	[sflag:s30] =	ssyncset.done $0x0  }
0xb5: {  	s17 =	sor.u32 s9, s17;
	[sflag:s30] =	ssyncadd.s32 $0xFFFFFFB0  }
0xb6: {  	s19 =	smul.u32 $0xA, s17;
	_ =	swait.ge [sflag:s12], $0x2800  }
0xb7: {  	[sflag:s12] =	ssyncset.done $0x0  }
0xb8: {  	s19 =	sadd.s32 s2, s19;
	[sflag:s12] =	ssyncadd.s32 $0xFFFFD800  }
0xb9: {  	[tilespmem:s29], [sflag:$0x3] =	stream.linear.gather [hbm4b:s19+s4], $0x50, $0x38;
	[tilespmem:$0x1DA80] =	vst v63  }
0xba: {  	s17 =	smul.u32 $0x500, s17  }
0xbb: {  	[tilespmem:s26], [sflag:$0x5] =	stream.indirect.gather [hbm4b:s6+s31], $0x80, s4, s31, $0xb8;
	[tilespmem:$0x1DA80] =	vst v63  }
0xbc: {  	s17 =	sadd.s32 s7, s17  }
0xbd: {  	[tilespmem:s0], [sflag:$0x7] =	stream.linear.gather [hbm4b:s17+s4], $0x2800, $0x38;
	[tilespmem:$0x1DA80] =	vst v63  }
0xbe: {  	p1 =	sgt.u32 s21, $0x3C;
	_ =	swait.ge [sflag:s13], $0x2800  }
0xbf: {  	s17 =	sshll.u32 @!p1 s21, $0x6;
	[sflag:s13] =	ssyncset.done $0x0  }
0xc0: {  	s17 =	sadd.s32 @!p1 s22, s17;
	[sflag:s13] =	ssyncadd.s32 $0xFFFFD800  }
0xc1: {  	s17 =	smul.u32 @!p1 $0xA, s17;
	_ =	swait.ge [sflag:s14], $0x2800  }
0xc2: {  	s24 =	simm.s32 $0x0;
	s23 =	simm.s32 @!p1 $0x80;
	[sflag:s14] =	ssyncset.done $0x0  }
0xc3: {  	s19 =	simm.s32 @!p1 $0x0;
	s17 =	sadd.s32 @!p1 s1, s17;
	[sflag:s14] =	ssyncadd.s32 $0xFFFFD800  }
0xc4: {  	[tilespmem:s23], [sflag:$0x2] =	stream.linear.gather @!p1 [hbm4b:s17+s19], $0x50, $0x38;
	[tilespmem:$0x1DA80] =	vst v63  }
0xc5: {  	v5 =	vld [tilespmem:s24+$0x7A00]  }
0xc6: {  	v3 =	vld [tilespmem:s24+$0x7A10]  }
0xc7: {  	v2 =	vld [tilespmem:s24+$0x7A20]  }
0xc8: {  	v1 =	vld [tilespmem:s24+$0x7A30]  }
0xc9: {  	v9 =	vld [tilespmem:s24+$0x2A00]  }
0xca: {  	v8 =	vld [tilespmem:s24+$0x2A40]  }
0xcb: {  	v7 =	vld [tilespmem:s24+$0x2A10]  }
0xcc: {  	v6 =	vld [tilespmem:s24+$0x2A50]  }
0xcd: {  	v4 =	vld [tilespmem:s24+$0x2A20];
	v11 =	vshll.u32 v5, $0x10  }
0xce: {  	s23 =	simm.s32 $0x200;
	v10 =	vand.u32 $0xFFFF0000, v5;
	v5 =	vld [tilespmem:s24+$0x2A60];
	v9 =	vmul.f32 v11, v9  }
.LBB2_8:
0xcf: {  	p1 =	sne.s32 s23, $0x9E00;
	v8 =	vmul.f32 v10, v8;
	v10 =	vshll.u32 v3, $0x10;
	v11 =	vld [tilespmem:s24+$0x2A30]  }
0xd0: {  	s17 =	sshra.s32 s23, $0x2;
	v3 =	vand.u32 $0xFFFF0000, v3;
	[tilespmem:s24+$0x2A00] =	vst v9;
	v7 =	vmul.f32 v10, v7;
	v9 =	vld [tilespmem:s24+$0x2A70]  }
0xd1: {  	v10 =	vld [tilespmem:s17+$0x7A00];
	[tilespmem:s24+$0x2A40] =	vst v8;
	v6 =	vmul.f32 v3, v6;
	v8 =	vshll.u32 v2, $0x10  }
0xd2: {  	v3 =	vld [tilespmem:s17+$0x7A10];
	[tilespmem:s24+$0x2A10] =	vst v7;
	v7 =	vand.u32 $0xFFFF0000, v2;
	v4 =	vmul.f32 v8, v4  }
0xd3: {  	v2 =	vld [tilespmem:s17+$0x7A20];
	[tilespmem:s24+$0x2A50] =	vst v6;
	v5 =	vmul.f32 v7, v5;
	v6 =	vshll.u32 v1, $0x10  }
0xd4: {  	[tilespmem:s24+$0x2A20] =	vst v4;
	v4 =	vand.u32 $0xFFFF0000, v1;
	v1 =	vld [tilespmem:s17+$0x7A30];
	v6 =	vmul.f32 v6, v11  }
0xd5: {  	v11 =	vld [tilespmem:s17+$0x2A00];
	[tilespmem:s24+$0x2A60] =	vst v5;
	v4 =	vmul.f32 v4, v9  }
.Ltmp7:
0xd6: {  	v8 =	vld [tilespmem:s17+$0x2A40];
	[tilespmem:s24+$0x2A30] =	vst v6;
	(pc) =	sbr.rel @p1 .LBB2_8-.Ltmp7, $4  }
0xd7: {  	v7 =	vld [tilespmem:s17+$0x2A10];
	[tilespmem:s24+$0x2A70] =	vst v4;
	s24 =	smov.u32 s17  }
0xd8: {  	v6 =	vld [tilespmem:s24+$0x2A50]  }
0xd9: {  	v5 =	vshll.u32 v10, $0x10;
	v4 =	vld [tilespmem:s24+$0x2A20]  }
0xda: {  	s23 =	sadd.s32 $0x200, s23;
	v10 =	vand.u32 $0xFFFF0000, v10;
	v9 =	vmul.f32 v5, v11;
	v5 =	vld [tilespmem:s24+$0x2A60]  }
0xdb: {  	v11 =	vld [tilespmem:s24+$0x2A30];
	v8 =	vmul.f32 v10, v8;
	v61 =	vshll.u32 v3, $0x10  }
0xdc: {  	v3 =	vand.u32 $0xFFFF0000, v3;
	v62 =	vld [tilespmem:s24+$0x2A70];
	[tilespmem:s24+$0x2A00] =	vst v9;
	v7 =	vmul.f32 v61, v7  }
0xdd: {  	v63 =	vshll.u32 v2, $0x10;
	[tilespmem:s24+$0x2A40] =	vst v8;
	v3 =	vmul.f32 v3, v6  }
0xde: {  	v2 =	vand.u32 $0xFFFF0000, v2;
	[tilespmem:s24+$0x2A10] =	vst v7;
	v4 =	vmul.f32 v63, v4  }
0xdf: {  	[tilespmem:s24+$0x2A50] =	vst v3;
	v2 =	vmul.f32 v2, v5;
	v3 =	vshll.u32 v1, $0x10  }
0xe0: {  	v1 =	vand.u32 $0xFFFF0000, v1;
	[tilespmem:s24+$0x2A20] =	vst v4;
	v3 =	vmul.f32 v3, v11  }
0xe1: {  	v1 =	vmul.f32 v1, v62;
	[tilespmem:s24+$0x2A60] =	vst v2  }
0xe2: {  	[tilespmem:s24+$0x2A30] =	vst v3  }
.Ltmp8:
0xe3: {  	[tilespmem:s24+$0x2A70] =	vst v1;
	(pc) =	sbr.rel .LBB2_10-.Ltmp8, $4  }
0xe4: {  	_ =	swait.ge [sflag:s15], $0x50  }
0xe5: {  	[sflag:s15] =	ssyncset.done $0x0  }
0xe6: {  	[sflag:s15] =	ssyncadd.s32 $0xFFFFFFB0  }
0xe7: {  	[spmem:s3] =	stream.indirect.scatter.add.f32 [tilespmem:s18], [sflag:$0xA], $0x80, s16, s31, $0xb8;
	[tilespmem:$0x1DA80] =	vst v63  }
.LBB2_12:
0xe8: {  	_ =	sfence.sel $0x180000  }
0xe9: {  	[bflag:$0x0] =	sbarrier.arrive $0xFFFF  }
0xea: {  	_ =	strace $0x90000047  }
0xeb: {  	s0 =	stileid.u32;
	[bflag:$0x2] =	sbarrier.arrive $0xFFFF  }
0xec: {  	p0 =	sne.s32 s0, $0x0;
	s0 =	rddreg [dreg:$0x4]  }
0xed: {  	s0 =	sadd.s32 @!p0 $0x100000, s0  }
0xee: {  	[sflag:s0] =	ssyncadd.tile.s32 @!p0 $0x1;
	_ =	shalt  }
.Lfunc_end2:
_tile_overlayer_lowered:
.L_overlay_start_2:
0xef: {  	(tag) =	ssettag $0x2  }
0xf0: {  	s0 =	rddreg [dreg:$0x0];
	s2 =	stileid.u32  }
0xf1: {  	s1 =	rddreg [dreg:$0x1];
	p0 =	sne.s32 s2, $0x0  }
0xf2: {  	s3 =	rddreg [dreg:$0x2];
	[bflag:$0x3] =	sbarrier.arrive $0xFFFF;
	s2 =	simm.s32 @!p0 $0x1C0B  }
0xf3: {  	[timem:s3], [sflag:s2] =	dma.local @!p0 [hbm:s0], s1  }
0xf4: {  	s0 =	simm.s32 @!p0 $0xB  }
0xf5: {  	_ =	swait.ge @!p0 [sflag:s0], s1  }
0xf6: {  	s1 =	ssub.s32 @!p0 $0x0, s1;
	[sflag:s0] =	ssyncset.done @!p0 $0x0  }
0xf7: {  	[sflag:s0] =	ssyncadd.s32 @!p0 s1  }
0xf8: {  	[bflag:$0x3] =	sbarrier.arrive $0xFFFF  }
0xf9: {  	_ =	shalt  }

</sc_bundles>
